<compile_context>
chip_gen: v7x
topology: tpu7x:2x2x1
jax: 0.10.2.dev20260603
libtpu: 0.0.44.dev20260713+nightly
codegen_flags: <defaults>
</compile_context>

<pallas_src>
import jax
import jax.numpy as jnp
from jax import lax
from jax.experimental import pallas as pl
from jax.experimental.pallas import tpu as pltpu
from jax.experimental.pallas import tpu_sc as plsc

N_NODES = 10000
N_EDGES = 160000
FEATS = 256
FH = 128

NPAD = 10240
DUMMY = N_NODES
NS = 16
K = 64
G = 8
NG = 20
CPT = G * NG
D = 4
EPAD = NS * CPT * K
ROWS_PT = NPAD // NS


def _sc_aggregate_body(h3_hbm, src_hbm, dst_hbm, agg3_hbm,
                       agg_sh, src_v, dst_v, gbuf0, gbuf1, gbuf2, gbuf3,
                       sem0, sem1, sem2, sem3, ssem0, ssem1, ssem2, ssem3):
    c = lax.axis_index("c")
    s = lax.axis_index("s")
    row0 = s * ROWS_PT

    zero16 = jnp.zeros((16,), jnp.float32)

    def fill_gbuf(i, carry):
        for j in range(FH // 16):
            gbuf0[i, pl.ds(j * 16, 16)] = zero16
        return carry

    lax.fori_loop(0, K, fill_gbuf, 0)
    for k in range(ROWS_PT // K):
        pltpu.sync_copy(gbuf0, agg_sh.at[pl.ds(row0 + k * K, K), :])

    plsc.subcore_barrier()

    bufs = (gbuf0, gbuf1, gbuf2, gbuf3)
    sems = (sem0, sem1, sem2, sem3)
    ssems = (ssem0, ssem1, ssem2, ssem3)

    def group(g, carry):
        pltpu.sync_copy(src_hbm.at[c, s, pl.ds(g * G, G)], src_v)
        pltpu.sync_copy(dst_hbm.at[s, pl.ds(g * G, G)], dst_v)

        cps = [None] * G
        scats = [None] * G
        for j in range(D - 1):
            cps[j] = pltpu.async_copy(h3_hbm.at[src_v.at[j]], bufs[j],
                                      sems[j])
        for i in range(G):
            j = i + D - 1
            if j < G:
                if i >= 1:
                    scats[i - 1].wait()
                cps[j] = pltpu.async_copy(
                    h3_hbm.at[src_v.at[j]], bufs[j % D], sems[j % D])
            cps[i].wait()
            scats[i] = pltpu.async_copy(
                bufs[i % D], agg_sh.at[dst_v.at[i]], ssems[i % D], add=True)
        for t in range(max(0, G - D), G):
            scats[t].wait()
        return carry

    lax.fori_loop(0, NG, group, 0)

    plsc.subcore_barrier()

    pltpu.sync_copy(agg_sh.at[pl.ds(row0, ROWS_PT), :],
                    agg3_hbm.at[pl.ds(c * NPAD + row0, ROWS_PT), :])


_sc_aggregate = pl.kernel(
    _sc_aggregate_body,
    out_type=jax.ShapeDtypeStruct((2 * NPAD, FH), jnp.float32),
    mesh=plsc.VectorSubcoreMesh(core_axis_name="c", subcore_axis_name="s"),
    scratch_types=[
        pltpu.VMEM_SHARED((NPAD, FH), jnp.float32),
        pltpu.VMEM((G, K), jnp.int32),
        pltpu.VMEM((G, K), jnp.int32),
        pltpu.VMEM((K, FH), jnp.float32),
        pltpu.VMEM((K, FH), jnp.float32),
        pltpu.VMEM((K, FH), jnp.float32),
        pltpu.VMEM((K, FH), jnp.float32),
        pltpu.SemaphoreType.DMA,
        pltpu.SemaphoreType.DMA,
        pltpu.SemaphoreType.DMA,
        pltpu.SemaphoreType.DMA,
        pltpu.SemaphoreType.DMA,
        pltpu.SemaphoreType.DMA,
        pltpu.SemaphoreType.DMA,
        pltpu.SemaphoreType.DMA,
    ],
)


def _sc_degree_body(dst_hbm, deg_hbm, deg_sh, dst_v, gbuf):
    c = lax.axis_index("c")
    s = lax.axis_index("s")
    row0 = s * ROWS_PT

    zero16 = jnp.zeros((16,), jnp.float32)
    one16 = jnp.ones((16,), jnp.float32)

    def fill(val):
        def f(i, carry):
            for j in range(FH // 16):
                gbuf[i, pl.ds(j * 16, 16)] = val
            return carry
        return f

    lax.fori_loop(0, K, fill(zero16), 0)
    for k in range(ROWS_PT // K):
        pltpu.sync_copy(gbuf, deg_sh.at[pl.ds(row0 + k * K, K), :])
    lax.fori_loop(0, K, fill(one16), 0)

    plsc.subcore_barrier()

    def group(g, carry):
        pltpu.sync_copy(dst_hbm.at[s, pl.ds(g * G, G)], dst_v)

        def chunk(i, carry2):
            pltpu.sync_copy(gbuf, deg_sh.at[dst_v.at[i]], add=True)
            return carry2

        lax.fori_loop(0, G, chunk, 0)
        return carry

    lax.fori_loop(0, NG, group, 0)

    plsc.subcore_barrier()

    @pl.when(c == 0)
    def _():
        pltpu.sync_copy(deg_sh.at[pl.ds(row0, ROWS_PT), :],
                        deg_hbm.at[pl.ds(row0, ROWS_PT), :])


_sc_degree = pl.kernel(
    _sc_degree_body,
    out_type=jax.ShapeDtypeStruct((NPAD, FH), jnp.float32),
    mesh=plsc.VectorSubcoreMesh(core_axis_name="c", subcore_axis_name="s"),
    scratch_types=[
        pltpu.VMEM_SHARED((NPAD, FH), jnp.float32),
        pltpu.VMEM((G, K), jnp.int32),
        pltpu.VMEM((K, FH), jnp.float32),
    ],
)


TC_ROWS = 1024


def _tc_layer(h3, agg3, deg, wT, b2d):

    def tc_body(h3_ref, agg3_ref, deg_ref, wT_ref, b_ref, o3_ref):
        inv = 1.0 / jnp.maximum(deg_ref[:, 0:1], 1.0)
        out = jnp.dot(h3_ref[0], wT_ref[pl.ds(0, FH), :],
                      preferred_element_type=jnp.float32)
        out += jnp.dot(h3_ref[1], wT_ref[pl.ds(FH, FH), :],
                       preferred_element_type=jnp.float32)
        out += jnp.dot(agg3_ref[0] * inv, wT_ref[pl.ds(2 * FH, FH), :],
                       preferred_element_type=jnp.float32)
        out += jnp.dot(agg3_ref[1] * inv, wT_ref[pl.ds(3 * FH, FH), :],
                       preferred_element_type=jnp.float32)
        out += b_ref[...]
        norm = jnp.sqrt(jnp.sum(out * out, axis=1, keepdims=True))
        out = out / jnp.maximum(norm, 1e-12)
        o3_ref[0] = out[:, :FH]
        o3_ref[1] = out[:, FH:]

    grid = (NPAD // TC_ROWS,)
    return pl.pallas_call(
        tc_body,
        grid=grid,
        in_specs=[
            pl.BlockSpec((2, TC_ROWS, FH), lambda i: (0, i, 0)),
            pl.BlockSpec((2, TC_ROWS, FH), lambda i: (0, i, 0)),
            pl.BlockSpec((TC_ROWS, FH), lambda i: (i, 0)),
            pl.BlockSpec((4 * FH, FEATS), lambda i: (0, 0)),
            pl.BlockSpec((1, FEATS), lambda i: (0, 0)),
        ],
        out_specs=pl.BlockSpec((2, TC_ROWS, FH), lambda i: (0, i, 0)),
        out_shape=jax.ShapeDtypeStruct((2, NPAD, FH), jnp.float32),
    )(h3, agg3, deg, wT, b2d)


def kernel(x, edge_index, W1, b1, W2, b2):
    src = edge_index[0].astype(jnp.int32)
    dst = edge_index[1].astype(jnp.int32)
    src = jnp.concatenate(
        [src, jnp.full((EPAD - N_EDGES,), DUMMY, jnp.int32)]).reshape(NS, CPT, K)
    src = jnp.stack([src, src + NPAD])
    dst = jnp.concatenate(
        [dst, jnp.full((EPAD - N_EDGES,), DUMMY, jnp.int32)]).reshape(NS, CPT, K)

    xp = jnp.pad(x, ((0, NPAD - N_NODES), (0, 0)))
    x2 = jnp.concatenate([xp[:, :FH], xp[:, FH:]], axis=0)

    w1T = W1.T
    w2T = W2.T
    b1r = b1.reshape(1, FEATS)
    b2r = b2.reshape(1, FEATS)

    deg = _sc_degree(dst)
    agg2_1 = _sc_aggregate(x2, src, dst)
    h13 = _tc_layer(x2.reshape(2, NPAD, FH), agg2_1.reshape(2, NPAD, FH),
                    deg, w1T, b1r)
    agg2_2 = _sc_aggregate(h13.reshape(2 * NPAD, FH), src, dst)
    out3 = _tc_layer(h13, agg2_2.reshape(2, NPAD, FH), deg, w2T, b2r)
    return jnp.concatenate([out3[0, :N_NODES], out3[1, :N_NODES]], axis=1)

# --- scband reference (transcript-rebuilt; emitter-appended) ---
"""Pipeline reference for scband-graph-sage-33028298506467 (READ-ONLY COPY).

The authoritative reference and input builder live on the scoring server;
editing this copy changes nothing except your own understanding.
"""

import jax, jax.numpy as jnp
import numpy as np

N_NODES = 10000
N_EDGES = 160000
IN_FEATS = 256
HIDDEN = 256
OUT_FEATS = 256


def setup_inputs(seed: int = 0) -> dict:
    key = jax.random.key(seed)
    k_x, k_e, k_w1, k_b1, k_w2, k_b2 = jax.random.split(key, 6)
    x = jax.random.normal(k_x, (N_NODES, IN_FEATS), dtype=jnp.float32)
    edge_index = jax.random.randint(k_e, (2, N_EDGES), 0, N_NODES, dtype=jnp.int64)
    # SAGEConv with concat=True: Linear(2*in, out)
    lim1 = 1.0 / np.sqrt(2 * IN_FEATS)
    W1 = jax.random.uniform(k_w1, (HIDDEN, 2 * IN_FEATS), dtype=jnp.float32, minval=-lim1, maxval=lim1)
    b1 = jax.random.uniform(k_b1, (HIDDEN,), dtype=jnp.float32, minval=-lim1, maxval=lim1)
    lim2 = 1.0 / np.sqrt(2 * HIDDEN)
    W2 = jax.random.uniform(k_w2, (OUT_FEATS, 2 * HIDDEN), dtype=jnp.float32, minval=-lim2, maxval=lim2)
    b2 = jax.random.uniform(k_b2, (OUT_FEATS,), dtype=jnp.float32, minval=-lim2, maxval=lim2)
    return {"x": x, "edge_index": edge_index, "W1": W1, "b1": b1, "W2": W2, "b2": b2}


def _mean_aggregate(h, edge_index, n_nodes):
    src = edge_index[0]
    dst = edge_index[1]
    msg = jnp.take(h, src, axis=0)
    agg = jax.ops.segment_sum(msg, dst, num_segments=n_nodes)
    deg = jax.ops.segment_sum(jnp.ones((edge_index.shape[1],), dtype=h.dtype), dst, num_segments=n_nodes)
    deg = jnp.maximum(deg, 1.0)
    return agg / deg[:, None]


def _sage_conv(h, edge_index, W, b, n_nodes, normalize=True):
    # concat=True: out = Linear(concat(h, mean_agg(h)))
    agg = _mean_aggregate(h, edge_index, n_nodes)
    cat = jnp.concatenate([h, agg], axis=-1)
    out = cat @ W.T + b
    if normalize:
        norm = jnp.linalg.norm(out, axis=-1, keepdims=True)
        out = out / jnp.maximum(norm, 1e-12)
    return out


def reference(x, edge_index, W1, b1, W2, b2):
    # eval mode: dropout is identity; use_bn=False
    h = x
    h = _sage_conv(h, edge_index, W1, b1, N_NODES, normalize=True)
    out = _sage_conv(h, edge_index, W2, b2, N_NODES, normalize=True)
    return out

if __name__ == "__main__":
    import jax
    _d = setup_inputs()
    print(jax.jit(kernel)(*tuple(_d.values())))

</pallas_src>

<mosaic_0001>
#map = affine_map<(d0, d1) -> (0, 0, 0)>
#map1 = affine_map<(d0, d1) -> (0, 0)>
module attributes {stable_mosaic.version = 14 : i64} {
  func.func @_sc_degree_body(%arg0: i32, %arg1: i32, %arg2: memref<16x160x64xi32, #tpu.memory_space<hbm>>, %arg3: memref<10240x128xf32, #tpu.memory_space<hbm>>, %arg4: memref<10240x128xf32, #tpu.memory_space<vmem_shared>>, %arg5: memref<8x64xi32, #tpu.memory_space<vmem>>, %arg6: memref<64x128xf32, #tpu.memory_space<vmem>>) attributes {dimension_semantics = [#tpu.dimension_semantics<core_parallel>, #tpu.dimension_semantics<subcore_parallel>], iteration_bounds = array<i64: 2, 16>, scalar_prefetch = 0 : i64, scratch_operands = 3 : i64, tpu.core_type = #tpu.core_type<sc_vector_subcore>, window_params = [{transform_indices = #map}, {transform_indices = #map1}]} {
    %mul3A = arith.constant 640 : i32
    %mul3A_0 = arith.muli %arg1, %mul3A : i32
    %broadcast_in_dim3A = arith.constant 0.000000e+00 : f32
    %broadcast_in_dim3A_1 = vector.broadcast %broadcast_in_dim3A : f32 to vector<16xf32>
    %broadcast_in_dim3A_2 = arith.constant 1.000000e+00 : f32
    %broadcast_in_dim3A_3 = vector.broadcast %broadcast_in_dim3A_2 : f32 to vector<16xf32>
    %scan3A = arith.constant 0 : i32
    %scan3A_4 = arith.constant 0 : i32
    %scan3A_5 = arith.constant 64 : i32
    %scan3A_6 = arith.addi %scan3A_4, %scan3A_5 : i32
    %scan3A_7 = arith.constant 1 : i32
    scf.for %scan3A_43 = %scan3A_4 to %scan3A_6 step %scan3A_7  : i32 {
      %swap3A = arith.index_cast %scan3A_43 : i32 to index
      %swap3A_44 = arith.constant 0 : index
      %swap3A_45 = tpu.vector_load %arg6[%swap3A, %swap3A_44] {strides = array<i32>} : memref<64x128xf32, #tpu.memory_space<vmem>>, vector<1x16xf32>,
      %swap3A_46 = vector.shape_cast %swap3A_45 : vector<1x16xf32> to vector<16xf32>
      %swap3A_47 = vector.shape_cast %broadcast_in_dim3A_1 : vector<16xf32> to vector<1x16xf32>
      tpu.vector_store %arg6[%swap3A, %swap3A_44], %swap3A_47 {strides = array<i32>} : memref<64x128xf32, #tpu.memory_space<vmem>>, vector<1x16xf32>,
      %swap3A_48 = arith.index_cast %scan3A_43 : i32 to index
      %swap3A_49 = arith.constant 16 : index
      %swap3A_50 = tpu.vector_load %arg6[%swap3A_48, %swap3A_49] {strides = array<i32>} : memref<64x128xf32, #tpu.memory_space<vmem>>, vector<1x16xf32>,
      %swap3A_51 = vector.shape_cast %swap3A_50 : vector<1x16xf32> to vector<16xf32>
      %swap3A_52 = vector.shape_cast %broadcast_in_dim3A_1 : vector<16xf32> to vector<1x16xf32>
      tpu.vector_store %arg6[%swap3A_48, %swap3A_49], %swap3A_52 {strides = array<i32>} : memref<64x128xf32, #tpu.memory_space<vmem>>, vector<1x16xf32>,
      %swap3A_53 = arith.index_cast %scan3A_43 : i32 to index
      %swap3A_54 = arith.constant 32 : index
      %swap3A_55 = tpu.vector_load %arg6[%swap3A_53, %swap3A_54] {strides = array<i32>} : memref<64x128xf32, #tpu.memory_space<vmem>>, vector<1x16xf32>,
      %swap3A_56 = vector.shape_cast %swap3A_55 : vector<1x16xf32> to vector<16xf32>
      %swap3A_57 = vector.shape_cast %broadcast_in_dim3A_1 : vector<16xf32> to vector<1x16xf32>
      tpu.vector_store %arg6[%swap3A_53, %swap3A_54], %swap3A_57 {strides = array<i32>} : memref<64x128xf32, #tpu.memory_space<vmem>>, vector<1x16xf32>,
      %swap3A_58 = arith.index_cast %scan3A_43 : i32 to index
      %swap3A_59 = arith.constant 48 : index
      %swap3A_60 = tpu.vector_load %arg6[%swap3A_58, %swap3A_59] {strides = array<i32>} : memref<64x128xf32, #tpu.memory_space<vmem>>, vector<1x16xf32>,
      %swap3A_61 = vector.shape_cast %swap3A_60 : vector<1x16xf32> to vector<16xf32>
      %swap3A_62 = vector.shape_cast %broadcast_in_dim3A_1 : vector<16xf32> to vector<1x16xf32>
      tpu.vector_store %arg6[%swap3A_58, %swap3A_59], %swap3A_62 {strides = array<i32>} : memref<64x128xf32, #tpu.memory_space<vmem>>, vector<1x16xf32>,
      %swap3A_63 = arith.index_cast %scan3A_43 : i32 to index
      %swap3A_64 = arith.constant 64 : index
      %swap3A_65 = tpu.vector_load %arg6[%swap3A_63, %swap3A_64] {strides = array<i32>} : memref<64x128xf32, #tpu.memory_space<vmem>>, vector<1x16xf32>,
      %swap3A_66 = vector.shape_cast %swap3A_65 : vector<1x16xf32> to vector<16xf32>
      %swap3A_67 = vector.shape_cast %broadcast_in_dim3A_1 : vector<16xf32> to vector<1x16xf32>
      tpu.vector_store %arg6[%swap3A_63, %swap3A_64], %swap3A_67 {strides = array<i32>} : memref<64x128xf32, #tpu.memory_space<vmem>>, vector<1x16xf32>,
      %swap3A_68 = arith.index_cast %scan3A_43 : i32 to index
      %swap3A_69 = arith.constant 80 : index
      %swap3A_70 = tpu.vector_load %arg6[%swap3A_68, %swap3A_69] {strides = array<i32>} : memref<64x128xf32, #tpu.memory_space<vmem>>, vector<1x16xf32>,
      %swap3A_71 = vector.shape_cast %swap3A_70 : vector<1x16xf32> to vector<16xf32>
      %swap3A_72 = vector.shape_cast %broadcast_in_dim3A_1 : vector<16xf32> to vector<1x16xf32>
      tpu.vector_store %arg6[%swap3A_68, %swap3A_69], %swap3A_72 {strides = array<i32>} : memref<64x128xf32, #tpu.memory_space<vmem>>, vector<1x16xf32>,
      %swap3A_73 = arith.index_cast %scan3A_43 : i32 to index
      %swap3A_74 = arith.constant 96 : index
      %swap3A_75 = tpu.vector_load %arg6[%swap3A_73, %swap3A_74] {strides = array<i32>} : memref<64x128xf32, #tpu.memory_space<vmem>>, vector<1x16xf32>,
      %swap3A_76 = vector.shape_cast %swap3A_75 : vector<1x16xf32> to vector<16xf32>
      %swap3A_77 = vector.shape_cast %broadcast_in_dim3A_1 : vector<16xf32> to vector<1x16xf32>
      tpu.vector_store %arg6[%swap3A_73, %swap3A_74], %swap3A_77 {strides = array<i32>} : memref<64x128xf32, #tpu.memory_space<vmem>>, vector<1x16xf32>,
      %swap3A_78 = arith.index_cast %scan3A_43 : i32 to index
      %swap3A_79 = arith.constant 112 : index
      %swap3A_80 = tpu.vector_load %arg6[%swap3A_78, %swap3A_79] {strides = array<i32>} : memref<64x128xf32, #tpu.memory_space<vmem>>, vector<1x16xf32>,
      %swap3A_81 = vector.shape_cast %swap3A_80 : vector<1x16xf32> to vector<16xf32>
      %swap3A_82 = vector.shape_cast %broadcast_in_dim3A_1 : vector<16xf32> to vector<1x16xf32>
      tpu.vector_store %arg6[%swap3A_78, %swap3A_79], %swap3A_82 {strides = array<i32>} : memref<64x128xf32, #tpu.memory_space<vmem>>, vector<1x16xf32>,
    }
    %scan3A_8 = arith.constant 64 : i32
    %add3A = arith.constant 0 : i32
    %add3A_9 = arith.addi %mul3A_0, %add3A : i32
    "tpu.region"() ({
      %run_scoped3A = tpu.sem_alloc : memref<!tpu.dma_semaphore, #tpu.memory_space<semaphore_mem>>
      %dma_start3A = arith.constant 0 : i32
      %dma_start3A_43 = tpu.memref_slice %arg4[%add3A_9, %dma_start3A] : memref<10240x128xf32, #tpu.memory_space<vmem_shared>> -> memref<64x128xf32, #tpu.memory_space<vmem_shared>>
      %dma_start3A_44 = arith.constant 0 : i32
      %dma_start3A_45 = tpu.memref_slice %arg4[%add3A_9, %dma_start3A_44] : memref<10240x128xf32, #tpu.memory_space<vmem_shared>> -> memref<64x128xf32, #tpu.memory_space<vmem_shared>>
      tpu.enqueue_dma source(%arg6 : memref<64x128xf32, #tpu.memory_space<vmem>>) target(%dma_start3A_45 : memref<64x128xf32, #tpu.memory_space<vmem_shared>>) target_semaphore(%run_scoped3A : memref<!tpu.dma_semaphore, #tpu.memory_space<semaphore_mem>>)
      %dma_wait3A = arith.constant 0 : i32
      %dma_wait3A_46 = tpu.memref_slice %arg4[%add3A_9, %dma_wait3A] : memref<10240x128xf32, #tpu.memory_space<vmem_shared>> -> memref<64x128xf32, #tpu.memory_space<vmem_shared>>
      %dma_wait3A_47 = arith.constant 0 : i32
      %dma_wait3A_48 = tpu.memref_slice %arg4[%add3A_9, %dma_wait3A_47] : memref<10240x128xf32, #tpu.memory_space<vmem_shared>> -> memref<64x128xf32, #tpu.memory_space<vmem_shared>>
      tpu.wait_dma2 semaphore(%run_scoped3A : memref<!tpu.dma_semaphore, #tpu.memory_space<semaphore_mem>>) src(%arg6 : memref<64x128xf32, #tpu.memory_space<vmem>>) dst(%dma_wait3A_48 : memref<64x128xf32, #tpu.memory_space<vmem_shared>>)
      tpu.yield
    }) : () -> ()
    %add3A_10 = arith.constant 64 : i32
    %add3A_11 = arith.addi %mul3A_0, %add3A_10 : i32
    "tpu.region"() ({
      %run_scoped3A = tpu.sem_alloc : memref<!tpu.dma_semaphore, #tpu.memory_space<semaphore_mem>>
      %dma_start3A = arith.constant 0 : i32
      %dma_start3A_43 = tpu.memref_slice %arg4[%add3A_11, %dma_start3A] : memref<10240x128xf32, #tpu.memory_space<vmem_shared>> -> memref<64x128xf32, #tpu.memory_space<vmem_shared>>
      %dma_start3A_44 = arith.constant 0 : i32
      %dma_start3A_45 = tpu.memref_slice %arg4[%add3A_11, %dma_start3A_44] : memref<10240x128xf32, #tpu.memory_space<vmem_shared>> -> memref<64x128xf32, #tpu.memory_space<vmem_shared>>
      tpu.enqueue_dma source(%arg6 : memref<64x128xf32, #tpu.memory_space<vmem>>) target(%dma_start3A_45 : memref<64x128xf32, #tpu.memory_space<vmem_shared>>) target_semaphore(%run_scoped3A : memref<!tpu.dma_semaphore, #tpu.memory_space<semaphore_mem>>)
      %dma_wait3A = arith.constant 0 : i32
      %dma_wait3A_46 = tpu.memref_slice %arg4[%add3A_11, %dma_wait3A] : memref<10240x128xf32, #tpu.memory_space<vmem_shared>> -> memref<64x128xf32, #tpu.memory_space<vmem_shared>>
      %dma_wait3A_47 = arith.constant 0 : i32
      %dma_wait3A_48 = tpu.memref_slice %arg4[%add3A_11, %dma_wait3A_47] : memref<10240x128xf32, #tpu.memory_space<vmem_shared>> -> memref<64x128xf32, #tpu.memory_space<vmem_shared>>
      tpu.wait_dma2 semaphore(%run_scoped3A : memref<!tpu.dma_semaphore, #tpu.memory_space<semaphore_mem>>) src(%arg6 : memref<64x128xf32, #tpu.memory_space<vmem>>) dst(%dma_wait3A_48 : memref<64x128xf32, #tpu.memory_space<vmem_shared>>)
      tpu.yield
    }) : () -> ()
    %add3A_12 = arith.constant 128 : i32
    %add3A_13 = arith.addi %mul3A_0, %add3A_12 : i32
    "tpu.region"() ({
      %run_scoped3A = tpu.sem_alloc : memref<!tpu.dma_semaphore, #tpu.memory_space<semaphore_mem>>
      %dma_start3A = arith.constant 0 : i32
      %dma_start3A_43 = tpu.memref_slice %arg4[%add3A_13, %dma_start3A] : memref<10240x128xf32, #tpu.memory_space<vmem_shared>> -> memref<64x128xf32, #tpu.memory_space<vmem_shared>>
      %dma_start3A_44 = arith.constant 0 : i32
      %dma_start3A_45 = tpu.memref_slice %arg4[%add3A_13, %dma_start3A_44] : memref<10240x128xf32, #tpu.memory_space<vmem_shared>> -> memref<64x128xf32, #tpu.memory_space<vmem_shared>>
      tpu.enqueue_dma source(%arg6 : memref<64x128xf32, #tpu.memory_space<vmem>>) target(%dma_start3A_45 : memref<64x128xf32, #tpu.memory_space<vmem_shared>>) target_semaphore(%run_scoped3A : memref<!tpu.dma_semaphore, #tpu.memory_space<semaphore_mem>>)
      %dma_wait3A = arith.constant 0 : i32
      %dma_wait3A_46 = tpu.memref_slice %arg4[%add3A_13, %dma_wait3A] : memref<10240x128xf32, #tpu.memory_space<vmem_shared>> -> memref<64x128xf32, #tpu.memory_space<vmem_shared>>
      %dma_wait3A_47 = arith.constant 0 : i32
      %dma_wait3A_48 = tpu.memref_slice %arg4[%add3A_13, %dma_wait3A_47] : memref<10240x128xf32, #tpu.memory_space<vmem_shared>> -> memref<64x128xf32, #tpu.memory_space<vmem_shared>>
      tpu.wait_dma2 semaphore(%run_scoped3A : memref<!tpu.dma_semaphore, #tpu.memory_space<semaphore_mem>>) src(%arg6 : memref<64x128xf32, #tpu.memory_space<vmem>>) dst(%dma_wait3A_48 : memref<64x128xf32, #tpu.memory_space<vmem_shared>>)
      tpu.yield
    }) : () -> ()
    %add3A_14 = arith.constant 192 : i32
    %add3A_15 = arith.addi %mul3A_0, %add3A_14 : i32
    "tpu.region"() ({
      %run_scoped3A = tpu.sem_alloc : memref<!tpu.dma_semaphore, #tpu.memory_space<semaphore_mem>>
      %dma_start3A = arith.constant 0 : i32
      %dma_start3A_43 = tpu.memref_slice %arg4[%add3A_15, %dma_start3A] : memref<10240x128xf32, #tpu.memory_space<vmem_shared>> -> memref<64x128xf32, #tpu.memory_space<vmem_shared>>
      %dma_start3A_44 = arith.constant 0 : i32
      %dma_start3A_45 = tpu.memref_slice %arg4[%add3A_15, %dma_start3A_44] : memref<10240x128xf32, #tpu.memory_space<vmem_shared>> -> memref<64x128xf32, #tpu.memory_space<vmem_shared>>
      tpu.enqueue_dma source(%arg6 : memref<64x128xf32, #tpu.memory_space<vmem>>) target(%dma_start3A_45 : memref<64x128xf32, #tpu.memory_space<vmem_shared>>) target_semaphore(%run_scoped3A : memref<!tpu.dma_semaphore, #tpu.memory_space<semaphore_mem>>)
      %dma_wait3A = arith.constant 0 : i32
      %dma_wait3A_46 = tpu.memref_slice %arg4[%add3A_15, %dma_wait3A] : memref<10240x128xf32, #tpu.memory_space<vmem_shared>> -> memref<64x128xf32, #tpu.memory_space<vmem_shared>>
      %dma_wait3A_47 = arith.constant 0 : i32
      %dma_wait3A_48 = tpu.memref_slice %arg4[%add3A_15, %dma_wait3A_47] : memref<10240x128xf32, #tpu.memory_space<vmem_shared>> -> memref<64x128xf32, #tpu.memory_space<vmem_shared>>
      tpu.wait_dma2 semaphore(%run_scoped3A : memref<!tpu.dma_semaphore, #tpu.memory_space<semaphore_mem>>) src(%arg6 : memref<64x128xf32, #tpu.memory_space<vmem>>) dst(%dma_wait3A_48 : memref<64x128xf32, #tpu.memory_space<vmem_shared>>)
      tpu.yield
    }) : () -> ()
    %add3A_16 = arith.constant 256 : i32
    %add3A_17 = arith.addi %mul3A_0, %add3A_16 : i32
    "tpu.region"() ({
      %run_scoped3A = tpu.sem_alloc : memref<!tpu.dma_semaphore, #tpu.memory_space<semaphore_mem>>
      %dma_start3A = arith.constant 0 : i32
      %dma_start3A_43 = tpu.memref_slice %arg4[%add3A_17, %dma_start3A] : memref<10240x128xf32, #tpu.memory_space<vmem_shared>> -> memref<64x128xf32, #tpu.memory_space<vmem_shared>>
      %dma_start3A_44 = arith.constant 0 : i32
      %dma_start3A_45 = tpu.memref_slice %arg4[%add3A_17, %dma_start3A_44] : memref<10240x128xf32, #tpu.memory_space<vmem_shared>> -> memref<64x128xf32, #tpu.memory_space<vmem_shared>>
      tpu.enqueue_dma source(%arg6 : memref<64x128xf32, #tpu.memory_space<vmem>>) target(%dma_start3A_45 : memref<64x128xf32, #tpu.memory_space<vmem_shared>>) target_semaphore(%run_scoped3A : memref<!tpu.dma_semaphore, #tpu.memory_space<semaphore_mem>>)
      %dma_wait3A = arith.constant 0 : i32
      %dma_wait3A_46 = tpu.memref_slice %arg4[%add3A_17, %dma_wait3A] : memref<10240x128xf32, #tpu.memory_space<vmem_shared>> -> memref<64x128xf32, #tpu.memory_space<vmem_shared>>
      %dma_wait3A_47 = arith.constant 0 : i32
      %dma_wait3A_48 = tpu.memref_slice %arg4[%add3A_17, %dma_wait3A_47] : memref<10240x128xf32, #tpu.memory_space<vmem_shared>> -> memref<64x128xf32, #tpu.memory_space<vmem_shared>>
      tpu.wait_dma2 semaphore(%run_scoped3A : memref<!tpu.dma_semaphore, #tpu.memory_space<semaphore_mem>>) src(%arg6 : memref<64x128xf32, #tpu.memory_space<vmem>>) dst(%dma_wait3A_48 : memref<64x128xf32, #tpu.memory_space<vmem_shared>>)
      tpu.yield
    }) : () -> ()
    %add3A_18 = arith.constant 320 : i32
    %add3A_19 = arith.addi %mul3A_0, %add3A_18 : i32
    "tpu.region"() ({
      %run_scoped3A = tpu.sem_alloc : memref<!tpu.dma_semaphore, #tpu.memory_space<semaphore_mem>>
      %dma_start3A = arith.constant 0 : i32
      %dma_start3A_43 = tpu.memref_slice %arg4[%add3A_19, %dma_start3A] : memref<10240x128xf32, #tpu.memory_space<vmem_shared>> -> memref<64x128xf32, #tpu.memory_space<vmem_shared>>
      %dma_start3A_44 = arith.constant 0 : i32
      %dma_start3A_45 = tpu.memref_slice %arg4[%add3A_19, %dma_start3A_44] : memref<10240x128xf32, #tpu.memory_space<vmem_shared>> -> memref<64x128xf32, #tpu.memory_space<vmem_shared>>
      tpu.enqueue_dma source(%arg6 : memref<64x128xf32, #tpu.memory_space<vmem>>) target(%dma_start3A_45 : memref<64x128xf32, #tpu.memory_space<vmem_shared>>) target_semaphore(%run_scoped3A : memref<!tpu.dma_semaphore, #tpu.memory_space<semaphore_mem>>)
      %dma_wait3A = arith.constant 0 : i32
      %dma_wait3A_46 = tpu.memref_slice %arg4[%add3A_19, %dma_wait3A] : memref<10240x128xf32, #tpu.memory_space<vmem_shared>> -> memref<64x128xf32, #tpu.memory_space<vmem_shared>>
      %dma_wait3A_47 = arith.constant 0 : i32
      %dma_wait3A_48 = tpu.memref_slice %arg4[%add3A_19, %dma_wait3A_47] : memref<10240x128xf32, #tpu.memory_space<vmem_shared>> -> memref<64x128xf32, #tpu.memory_space<vmem_shared>>
      tpu.wait_dma2 semaphore(%run_scoped3A : memref<!tpu.dma_semaphore, #tpu.memory_space<semaphore_mem>>) src(%arg6 : memref<64x128xf32, #tpu.memory_space<vmem>>) dst(%dma_wait3A_48 : memref<64x128xf32, #tpu.memory_space<vmem_shared>>)
      tpu.yield
    }) : () -> ()
    %add3A_20 = arith.constant 384 : i32
    %add3A_21 = arith.addi %mul3A_0, %add3A_20 : i32
    "tpu.region"() ({
      %run_scoped3A = tpu.sem_alloc : memref<!tpu.dma_semaphore, #tpu.memory_space<semaphore_mem>>
      %dma_start3A = arith.constant 0 : i32
      %dma_start3A_43 = tpu.memref_slice %arg4[%add3A_21, %dma_start3A] : memref<10240x128xf32, #tpu.memory_space<vmem_shared>> -> memref<64x128xf32, #tpu.memory_space<vmem_shared>>
      %dma_start3A_44 = arith.constant 0 : i32
      %dma_start3A_45 = tpu.memref_slice %arg4[%add3A_21, %dma_start3A_44] : memref<10240x128xf32, #tpu.memory_space<vmem_shared>> -> memref<64x128xf32, #tpu.memory_space<vmem_shared>>
      tpu.enqueue_dma source(%arg6 : memref<64x128xf32, #tpu.memory_space<vmem>>) target(%dma_start3A_45 : memref<64x128xf32, #tpu.memory_space<vmem_shared>>) target_semaphore(%run_scoped3A : memref<!tpu.dma_semaphore, #tpu.memory_space<semaphore_mem>>)
      %dma_wait3A = arith.constant 0 : i32
      %dma_wait3A_46 = tpu.memref_slice %arg4[%add3A_21, %dma_wait3A] : memref<10240x128xf32, #tpu.memory_space<vmem_shared>> -> memref<64x128xf32, #tpu.memory_space<vmem_shared>>
      %dma_wait3A_47 = arith.constant 0 : i32
      %dma_wait3A_48 = tpu.memref_slice %arg4[%add3A_21, %dma_wait3A_47] : memref<10240x128xf32, #tpu.memory_space<vmem_shared>> -> memref<64x128xf32, #tpu.memory_space<vmem_shared>>
      tpu.wait_dma2 semaphore(%run_scoped3A : memref<!tpu.dma_semaphore, #tpu.memory_space<semaphore_mem>>) src(%arg6 : memref<64x128xf32, #tpu.memory_space<vmem>>) dst(%dma_wait3A_48 : memref<64x128xf32, #tpu.memory_space<vmem_shared>>)
      tpu.yield
    }) : () -> ()
    %add3A_22 = arith.constant 448 : i32
    %add3A_23 = arith.addi %mul3A_0, %add3A_22 : i32
    "tpu.region"() ({
      %run_scoped3A = tpu.sem_alloc : memref<!tpu.dma_semaphore, #tpu.memory_space<semaphore_mem>>
      %dma_start3A = arith.constant 0 : i32
      %dma_start3A_43 = tpu.memref_slice %arg4[%add3A_23, %dma_start3A] : memref<10240x128xf32, #tpu.memory_space<vmem_shared>> -> memref<64x128xf32, #tpu.memory_space<vmem_shared>>
      %dma_start3A_44 = arith.constant 0 : i32
      %dma_start3A_45 = tpu.memref_slice %arg4[%add3A_23, %dma_start3A_44] : memref<10240x128xf32, #tpu.memory_space<vmem_shared>> -> memref<64x128xf32, #tpu.memory_space<vmem_shared>>
      tpu.enqueue_dma source(%arg6 : memref<64x128xf32, #tpu.memory_space<vmem>>) target(%dma_start3A_45 : memref<64x128xf32, #tpu.memory_space<vmem_shared>>) target_semaphore(%run_scoped3A : memref<!tpu.dma_semaphore, #tpu.memory_space<semaphore_mem>>)
      %dma_wait3A = arith.constant 0 : i32
      %dma_wait3A_46 = tpu.memref_slice %arg4[%add3A_23, %dma_wait3A] : memref<10240x128xf32, #tpu.memory_space<vmem_shared>> -> memref<64x128xf32, #tpu.memory_space<vmem_shared>>
      %dma_wait3A_47 = arith.constant 0 : i32
      %dma_wait3A_48 = tpu.memref_slice %arg4[%add3A_23, %dma_wait3A_47] : memref<10240x128xf32, #tpu.memory_space<vmem_shared>> -> memref<64x128xf32, #tpu.memory_space<vmem_shared>>
      tpu.wait_dma2 semaphore(%run_scoped3A : memref<!tpu.dma_semaphore, #tpu.memory_space<semaphore_mem>>) src(%arg6 : memref<64x128xf32, #tpu.memory_space<vmem>>) dst(%dma_wait3A_48 : memref<64x128xf32, #tpu.memory_space<vmem_shared>>)
      tpu.yield
    }) : () -> ()
    %add3A_24 = arith.constant 512 : i32
    %add3A_25 = arith.addi %mul3A_0, %add3A_24 : i32
    "tpu.region"() ({
      %run_scoped3A = tpu.sem_alloc : memref<!tpu.dma_semaphore, #tpu.memory_space<semaphore_mem>>
      %dma_start3A = arith.constant 0 : i32
      %dma_start3A_43 = tpu.memref_slice %arg4[%add3A_25, %dma_start3A] : memref<10240x128xf32, #tpu.memory_space<vmem_shared>> -> memref<64x128xf32, #tpu.memory_space<vmem_shared>>
      %dma_start3A_44 = arith.constant 0 : i32
      %dma_start3A_45 = tpu.memref_slice %arg4[%add3A_25, %dma_start3A_44] : memref<10240x128xf32, #tpu.memory_space<vmem_shared>> -> memref<64x128xf32, #tpu.memory_space<vmem_shared>>
      tpu.enqueue_dma source(%arg6 : memref<64x128xf32, #tpu.memory_space<vmem>>) target(%dma_start3A_45 : memref<64x128xf32, #tpu.memory_space<vmem_shared>>) target_semaphore(%run_scoped3A : memref<!tpu.dma_semaphore, #tpu.memory_space<semaphore_mem>>)
      %dma_wait3A = arith.constant 0 : i32
      %dma_wait3A_46 = tpu.memref_slice %arg4[%add3A_25, %dma_wait3A] : memref<10240x128xf32, #tpu.memory_space<vmem_shared>> -> memref<64x128xf32, #tpu.memory_space<vmem_shared>>
      %dma_wait3A_47 = arith.constant 0 : i32
      %dma_wait3A_48 = tpu.memref_slice %arg4[%add3A_25, %dma_wait3A_47] : memref<10240x128xf32, #tpu.memory_space<vmem_shared>> -> memref<64x128xf32, #tpu.memory_space<vmem_shared>>
      tpu.wait_dma2 semaphore(%run_scoped3A : memref<!tpu.dma_semaphore, #tpu.memory_space<semaphore_mem>>) src(%arg6 : memref<64x128xf32, #tpu.memory_space<vmem>>) dst(%dma_wait3A_48 : memref<64x128xf32, #tpu.memory_space<vmem_shared>>)
      tpu.yield
    }) : () -> ()
    %add3A_26 = arith.constant 576 : i32
    %add3A_27 = arith.addi %mul3A_0, %add3A_26 : i32
    "tpu.region"() ({
      %run_scoped3A = tpu.sem_alloc : memref<!tpu.dma_semaphore, #tpu.memory_space<semaphore_mem>>
      %dma_start3A = arith.constant 0 : i32
      %dma_start3A_43 = tpu.memref_slice %arg4[%add3A_27, %dma_start3A] : memref<10240x128xf32, #tpu.memory_space<vmem_shared>> -> memref<64x128xf32, #tpu.memory_space<vmem_shared>>
      %dma_start3A_44 = arith.constant 0 : i32
      %dma_start3A_45 = tpu.memref_slice %arg4[%add3A_27, %dma_start3A_44] : memref<10240x128xf32, #tpu.memory_space<vmem_shared>> -> memref<64x128xf32, #tpu.memory_space<vmem_shared>>
      tpu.enqueue_dma source(%arg6 : memref<64x128xf32, #tpu.memory_space<vmem>>) target(%dma_start3A_45 : memref<64x128xf32, #tpu.memory_space<vmem_shared>>) target_semaphore(%run_scoped3A : memref<!tpu.dma_semaphore, #tpu.memory_space<semaphore_mem>>)
      %dma_wait3A = arith.constant 0 : i32
      %dma_wait3A_46 = tpu.memref_slice %arg4[%add3A_27, %dma_wait3A] : memref<10240x128xf32, #tpu.memory_space<vmem_shared>> -> memref<64x128xf32, #tpu.memory_space<vmem_shared>>
      %dma_wait3A_47 = arith.constant 0 : i32
      %dma_wait3A_48 = tpu.memref_slice %arg4[%add3A_27, %dma_wait3A_47] : memref<10240x128xf32, #tpu.memory_space<vmem_shared>> -> memref<64x128xf32, #tpu.memory_space<vmem_shared>>
      tpu.wait_dma2 semaphore(%run_scoped3A : memref<!tpu.dma_semaphore, #tpu.memory_space<semaphore_mem>>) src(%arg6 : memref<64x128xf32, #tpu.memory_space<vmem>>) dst(%dma_wait3A_48 : memref<64x128xf32, #tpu.memory_space<vmem_shared>>)
      tpu.yield
    }) : () -> ()
    %scan3A_28 = arith.constant 0 : i32
    %scan3A_29 = arith.constant 0 : i32
    %scan3A_30 = arith.constant 64 : i32
    %scan3A_31 = arith.addi %scan3A_29, %scan3A_30 : i32
    %scan3A_32 = arith.constant 1 : i32
    scf.for %scan3A_43 = %scan3A_29 to %scan3A_31 step %scan3A_32  : i32 {
      %swap3A = arith.index_cast %scan3A_43 : i32 to index
      %swap3A_44 = arith.constant 0 : index
      %swap3A_45 = tpu.vector_load %arg6[%swap3A, %swap3A_44] {strides = array<i32>} : memref<64x128xf32, #tpu.memory_space<vmem>>, vector<1x16xf32>,
      %swap3A_46 = vector.shape_cast %swap3A_45 : vector<1x16xf32> to vector<16xf32>
      %swap3A_47 = vector.shape_cast %broadcast_in_dim3A_3 : vector<16xf32> to vector<1x16xf32>
      tpu.vector_store %arg6[%swap3A, %swap3A_44], %swap3A_47 {strides = array<i32>} : memref<64x128xf32, #tpu.memory_space<vmem>>, vector<1x16xf32>,
      %swap3A_48 = arith.index_cast %scan3A_43 : i32 to index
      %swap3A_49 = arith.constant 16 : index
      %swap3A_50 = tpu.vector_load %arg6[%swap3A_48, %swap3A_49] {strides = array<i32>} : memref<64x128xf32, #tpu.memory_space<vmem>>, vector<1x16xf32>,
      %swap3A_51 = vector.shape_cast %swap3A_50 : vector<1x16xf32> to vector<16xf32>
      %swap3A_52 = vector.shape_cast %broadcast_in_dim3A_3 : vector<16xf32> to vector<1x16xf32>
      tpu.vector_store %arg6[%swap3A_48, %swap3A_49], %swap3A_52 {strides = array<i32>} : memref<64x128xf32, #tpu.memory_space<vmem>>, vector<1x16xf32>,
      %swap3A_53 = arith.index_cast %scan3A_43 : i32 to index
      %swap3A_54 = arith.constant 32 : index
      %swap3A_55 = tpu.vector_load %arg6[%swap3A_53, %swap3A_54] {strides = array<i32>} : memref<64x128xf32, #tpu.memory_space<vmem>>, vector<1x16xf32>,
      %swap3A_56 = vector.shape_cast %swap3A_55 : vector<1x16xf32> to vector<16xf32>
      %swap3A_57 = vector.shape_cast %broadcast_in_dim3A_3 : vector<16xf32> to vector<1x16xf32>
      tpu.vector_store %arg6[%swap3A_53, %swap3A_54], %swap3A_57 {strides = array<i32>} : memref<64x128xf32, #tpu.memory_space<vmem>>, vector<1x16xf32>,
      %swap3A_58 = arith.index_cast %scan3A_43 : i32 to index
      %swap3A_59 = arith.constant 48 : index
      %swap3A_60 = tpu.vector_load %arg6[%swap3A_58, %swap3A_59] {strides = array<i32>} : memref<64x128xf32, #tpu.memory_space<vmem>>, vector<1x16xf32>,
      %swap3A_61 = vector.shape_cast %swap3A_60 : vector<1x16xf32> to vector<16xf32>
      %swap3A_62 = vector.shape_cast %broadcast_in_dim3A_3 : vector<16xf32> to vector<1x16xf32>
      tpu.vector_store %arg6[%swap3A_58, %swap3A_59], %swap3A_62 {strides = array<i32>} : memref<64x128xf32, #tpu.memory_space<vmem>>, vector<1x16xf32>,
      %swap3A_63 = arith.index_cast %scan3A_43 : i32 to index
      %swap3A_64 = arith.constant 64 : index
      %swap3A_65 = tpu.vector_load %arg6[%swap3A_63, %swap3A_64] {strides = array<i32>} : memref<64x128xf32, #tpu.memory_space<vmem>>, vector<1x16xf32>,
      %swap3A_66 = vector.shape_cast %swap3A_65 : vector<1x16xf32> to vector<16xf32>
      %swap3A_67 = vector.shape_cast %broadcast_in_dim3A_3 : vector<16xf32> to vector<1x16xf32>
      tpu.vector_store %arg6[%swap3A_63, %swap3A_64], %swap3A_67 {strides = array<i32>} : memref<64x128xf32, #tpu.memory_space<vmem>>, vector<1x16xf32>,
      %swap3A_68 = arith.index_cast %scan3A_43 : i32 to index
      %swap3A_69 = arith.constant 80 : index
      %swap3A_70 = tpu.vector_load %arg6[%swap3A_68, %swap3A_69] {strides = array<i32>} : memref<64x128xf32, #tpu.memory_space<vmem>>, vector<1x16xf32>,
      %swap3A_71 = vector.shape_cast %swap3A_70 : vector<1x16xf32> to vector<16xf32>
      %swap3A_72 = vector.shape_cast %broadcast_in_dim3A_3 : vector<16xf32> to vector<1x16xf32>
      tpu.vector_store %arg6[%swap3A_68, %swap3A_69], %swap3A_72 {strides = array<i32>} : memref<64x128xf32, #tpu.memory_space<vmem>>, vector<1x16xf32>,
      %swap3A_73 = arith.index_cast %scan3A_43 : i32 to index
      %swap3A_74 = arith.constant 96 : index
      %swap3A_75 = tpu.vector_load %arg6[%swap3A_73, %swap3A_74] {strides = array<i32>} : memref<64x128xf32, #tpu.memory_space<vmem>>, vector<1x16xf32>,
      %swap3A_76 = vector.shape_cast %swap3A_75 : vector<1x16xf32> to vector<16xf32>
      %swap3A_77 = vector.shape_cast %broadcast_in_dim3A_3 : vector<16xf32> to vector<1x16xf32>
      tpu.vector_store %arg6[%swap3A_73, %swap3A_74], %swap3A_77 {strides = array<i32>} : memref<64x128xf32, #tpu.memory_space<vmem>>, vector<1x16xf32>,
      %swap3A_78 = arith.index_cast %scan3A_43 : i32 to index
      %swap3A_79 = arith.constant 112 : index
      %swap3A_80 = tpu.vector_load %arg6[%swap3A_78, %swap3A_79] {strides = array<i32>} : memref<64x128xf32, #tpu.memory_space<vmem>>, vector<1x16xf32>,
      %swap3A_81 = vector.shape_cast %swap3A_80 : vector<1x16xf32> to vector<16xf32>
      %swap3A_82 = vector.shape_cast %broadcast_in_dim3A_3 : vector<16xf32> to vector<1x16xf32>
      tpu.vector_store %arg6[%swap3A_78, %swap3A_79], %swap3A_82 {strides = array<i32>} : memref<64x128xf32, #tpu.memory_space<vmem>>, vector<1x16xf32>,
    }
    %scan3A_33 = arith.constant 64 : i32
    %barrier3A = arith.constant 0 : index
    tpu.barrier barrier_id(%barrier3A)
    %scan3A_34 = arith.constant 0 : i32
    %scan3A_35 = arith.constant 0 : i32
    %scan3A_36 = arith.constant 20 : i32
    %scan3A_37 = arith.addi %scan3A_35, %scan3A_36 : i32
    %scan3A_38 = arith.constant 1 : i32
    scf.for %scan3A_43 = %scan3A_35 to %scan3A_37 step %scan3A_38  : i32 {
      %mul3A_44 = arith.constant 8 : i32
      %mul3A_45 = arith.muli %scan3A_43, %mul3A_44 : i32
      "tpu.region"() ({
        %run_scoped3A = tpu.sem_alloc : memref<!tpu.dma_semaphore, #tpu.memory_space<semaphore_mem>>
        %dma_start3A = arith.constant 0 : i32
        %dma_start3A_52 = tpu.memref_slice %arg2[%arg1, %mul3A_45, %dma_start3A] : memref<16x160x64xi32, #tpu.memory_space<hbm>> -> memref<1x8x64xi32, #tpu.memory_space<hbm>>
        %dma_start3A_53 = tpu.memref_squeeze %dma_start3A_52 : memref<1x8x64xi32, #tpu.memory_space<hbm>> -> memref<8x64xi32, #tpu.memory_space<hbm>>
        %dma_start3A_54 = arith.constant 0 : i32
        %dma_start3A_55 = tpu.memref_slice %arg2[%arg1, %mul3A_45, %dma_start3A_54] : memref<16x160x64xi32, #tpu.memory_space<hbm>> -> memref<1x8x64xi32, #tpu.memory_space<hbm>>
        %dma_start3A_56 = tpu.memref_squeeze %dma_start3A_55 : memref<1x8x64xi32, #tpu.memory_space<hbm>> -> memref<8x64xi32, #tpu.memory_space<hbm>>
        tpu.enqueue_dma source(%dma_start3A_56 : memref<8x64xi32, #tpu.memory_space<hbm>>) target(%arg5 : memref<8x64xi32, #tpu.memory_space<vmem>>) target_semaphore(%run_scoped3A : memref<!tpu.dma_semaphore, #tpu.memory_space<semaphore_mem>>)
        %dma_wait3A = arith.constant 0 : i32
        %dma_wait3A_57 = tpu.memref_slice %arg2[%arg1, %mul3A_45, %dma_wait3A] : memref<16x160x64xi32, #tpu.memory_space<hbm>> -> memref<1x8x64xi32, #tpu.memory_space<hbm>>
        %dma_wait3A_58 = tpu.memref_squeeze %dma_wait3A_57 : memref<1x8x64xi32, #tpu.memory_space<hbm>> -> memref<8x64xi32, #tpu.memory_space<hbm>>
        %dma_wait3A_59 = arith.constant 0 : i32
        %dma_wait3A_60 = tpu.memref_slice %arg2[%arg1, %mul3A_45, %dma_wait3A_59] : memref<16x160x64xi32, #tpu.memory_space<hbm>> -> memref<1x8x64xi32, #tpu.memory_space<hbm>>
        %dma_wait3A_61 = tpu.memref_squeeze %dma_wait3A_60 : memref<1x8x64xi32, #tpu.memory_space<hbm>> -> memref<8x64xi32, #tpu.memory_space<hbm>>
        tpu.wait_dma2 semaphore(%run_scoped3A : memref<!tpu.dma_semaphore, #tpu.memory_space<semaphore_mem>>) src(%dma_wait3A_61 : memref<8x64xi32, #tpu.memory_space<hbm>>) dst(%arg5 : memref<8x64xi32, #tpu.memory_space<vmem>>)
        tpu.yield
      }) : () -> ()
      %scan3A_46 = arith.constant 0 : i32
      %scan3A_47 = arith.constant 0 : i32
      %scan3A_48 = arith.constant 8 : i32
      %scan3A_49 = arith.addi %scan3A_47, %scan3A_48 : i32
      %scan3A_50 = arith.constant 1 : i32
      scf.for %scan3A_52 = %scan3A_47 to %scan3A_49 step %scan3A_50  : i32 {
        "tpu.region"() ({
          %run_scoped3A = tpu.sem_alloc : memref<!tpu.dma_semaphore, #tpu.memory_space<semaphore_mem>>
          %dma_start3A = arith.constant 0 : i32
          %dma_start3A_53 = tpu.memref_slice %arg5[%scan3A_52, %dma_start3A] : memref<8x64xi32, #tpu.memory_space<vmem>> -> memref<1x64xi32, #tpu.memory_space<vmem>>
          %dma_start3A_54 = tpu.memref_squeeze %dma_start3A_53 : memref<1x64xi32, #tpu.memory_space<vmem>> -> memref<64xi32, #tpu.memory_space<vmem>>
          %dma_start3A_55 = arith.constant 0 : i32
          %dma_start3A_56 = arith.constant 0 : i32
          %dma_start3A_57 = tpu.memref_slice %arg4[%dma_start3A_55, %dma_start3A_56] : memref<10240x128xf32, #tpu.memory_space<vmem_shared>> -> memref<10240x128xf32, #tpu.memory_space<vmem_shared>>
          tpu.enqueue_indirect_dma source(%arg6 : memref<64x128xf32, #tpu.memory_space<vmem>>) target(%dma_start3A_57 : memref<10240x128xf32, #tpu.memory_space<vmem_shared>>) offsets(%dma_start3A_54 : memref<64xi32, #tpu.memory_space<vmem>>) semaphore(%run_scoped3A : memref<!tpu.dma_semaphore, #tpu.memory_space<semaphore_mem>>) {add = true}
          %dma_wait3A = arith.constant 0 : i32
          %dma_wait3A_58 = tpu.memref_slice %arg5[%scan3A_52, %dma_wait3A] : memref<8x64xi32, #tpu.memory_space<vmem>> -> memref<1x64xi32, #tpu.memory_space<vmem>>
          %dma_wait3A_59 = tpu.memref_squeeze %dma_wait3A_58 : memref<1x64xi32, #tpu.memory_space<vmem>> -> memref<64xi32, #tpu.memory_space<vmem>>
          %dma_wait3A_60 = arith.constant 0 : i32
          %dma_wait3A_61 = arith.constant 0 : i32
          %dma_wait3A_62 = tpu.memref_slice %arg4[%dma_wait3A_60, %dma_wait3A_61] : memref<10240x128xf32, #tpu.memory_space<vmem_shared>> -> memref<10240x128xf32, #tpu.memory_space<vmem_shared>>
          tpu.wait_indirect_dma semaphore(%run_scoped3A : memref<!tpu.dma_semaphore, #tpu.memory_space<semaphore_mem>>) src(%arg6 : memref<64x128xf32, #tpu.memory_space<vmem>>) dst(%dma_wait3A_62 : memref<10240x128xf32, #tpu.memory_space<vmem_shared>>)
          tpu.yield
        }) : () -> ()
      }
      %scan3A_51 = arith.constant 8 : i32
    }
    %scan3A_39 = arith.constant 20 : i32
    %barrier3A_40 = arith.constant 0 : index
    tpu.barrier barrier_id(%barrier3A_40)
    %eq3A = arith.constant 0 : i32
    %eq3A_41 = arith.cmpi eq, %arg0, %eq3A : i32
    %convert_element_type3A = arith.extui %eq3A_41 : i1 to i32
    %cond3A = arith.constant 0 : i32
    %cond3A_42 = arith.cmpi ne, %convert_element_type3A, %cond3A : i32
    scf.if %cond3A_42 {
      "tpu.region"() ({
        %run_scoped3A = tpu.sem_alloc : memref<!tpu.dma_semaphore, #tpu.memory_space<semaphore_mem>>
        %dma_start3A = arith.constant 0 : i32
        %dma_start3A_43 = tpu.memref_slice %arg3[%mul3A_0, %dma_start3A] : memref<10240x128xf32, #tpu.memory_space<hbm>> -> memref<640x128xf32, #tpu.memory_space<hbm>>
        %dma_start3A_44 = arith.constant 0 : i32
        %dma_start3A_45 = tpu.memref_slice %arg4[%mul3A_0, %dma_start3A_44] : memref<10240x128xf32, #tpu.memory_space<vmem_shared>> -> memref<640x128xf32, #tpu.memory_space<vmem_shared>>
        tpu.enqueue_dma source(%dma_start3A_45 : memref<640x128xf32, #tpu.memory_space<vmem_shared>>) target(%dma_start3A_43 : memref<640x128xf32, #tpu.memory_space<hbm>>) target_semaphore(%run_scoped3A : memref<!tpu.dma_semaphore, #tpu.memory_space<semaphore_mem>>)
        %dma_wait3A = arith.constant 0 : i32
        %dma_wait3A_46 = tpu.memref_slice %arg3[%mul3A_0, %dma_wait3A] : memref<10240x128xf32, #tpu.memory_space<hbm>> -> memref<640x128xf32, #tpu.memory_space<hbm>>
        %dma_wait3A_47 = arith.constant 0 : i32
        %dma_wait3A_48 = tpu.memref_slice %arg4[%mul3A_0, %dma_wait3A_47] : memref<10240x128xf32, #tpu.memory_space<vmem_shared>> -> memref<640x128xf32, #tpu.memory_space<vmem_shared>>
        tpu.wait_dma2 semaphore(%run_scoped3A : memref<!tpu.dma_semaphore, #tpu.memory_space<semaphore_mem>>) src(%dma_wait3A_48 : memref<640x128xf32, #tpu.memory_space<vmem_shared>>) dst(%dma_wait3A_46 : memref<640x128xf32, #tpu.memory_space<hbm>>)
        tpu.yield
      }) : () -> ()
    } else {
    }
    return
  }
}

#map = affine_map<(d0, d1) -> (0, 0)>
#map1 = affine_map<(d0, d1) -> (0, 0, 0, 0)>
#map2 = affine_map<(d0, d1) -> (0, 0, 0)>
module attributes {stable_mosaic.version = 14 : i64} {
  func.func @_sc_aggregate_body(%arg0: i32, %arg1: i32, %arg2: memref<20480x128xf32, #tpu.memory_space<hbm>>, %arg3: memref<2x16x160x64xi32, #tpu.memory_space<hbm>>, %arg4: memref<16x160x64xi32, #tpu.memory_space<hbm>>, %arg5: memref<20480x128xf32, #tpu.memory_space<hbm>>, %arg6: memref<10240x128xf32, #tpu.memory_space<vmem_shared>>, %arg7: memref<8x64xi32, #tpu.memory_space<vmem>>, %arg8: memref<8x64xi32, #tpu.memory_space<vmem>>, %arg9: memref<64x128xf32, #tpu.memory_space<vmem>>, %arg10: memref<64x128xf32, #tpu.memory_space<vmem>>, %arg11: memref<64x128xf32, #tpu.memory_space<vmem>>, %arg12: memref<64x128xf32, #tpu.memory_space<vmem>>, %arg13: memref<!tpu.dma_semaphore, #tpu.memory_space<semaphore_mem>>, %arg14: memref<!tpu.dma_semaphore, #tpu.memory_space<semaphore_mem>>, %arg15: memref<!tpu.dma_semaphore, #tpu.memory_space<semaphore_mem>>, %arg16: memref<!tpu.dma_semaphore, #tpu.memory_space<semaphore_mem>>, %arg17: memref<!tpu.dma_semaphore, #tpu.memory_space<semaphore_mem>>, %arg18: memref<!tpu.dma_semaphore, #tpu.memory_space<semaphore_mem>>, %arg19: memref<!tpu.dma_semaphore, #tpu.memory_space<semaphore_mem>>, %arg20: memref<!tpu.dma_semaphore, #tpu.memory_space<semaphore_mem>>) attributes {dimension_semantics = [#tpu.dimension_semantics<core_parallel>, #tpu.dimension_semantics<subcore_parallel>], iteration_bounds = array<i64: 2, 16>, scalar_prefetch = 0 : i64, scratch_operands = 15 : i64, tpu.core_type = #tpu.core_type<sc_vector_subcore>, window_params = [{transform_indices = #map}, {transform_indices = #map1}, {transform_indices = #map2}, {transform_indices = #map}]} {
    %mul3A = arith.constant 640 : i32
    %mul3A_0 = arith.muli %arg1, %mul3A : i32
    %broadcast_in_dim3A = arith.constant 0.000000e+00 : f32
    %broadcast_in_dim3A_1 = vector.broadcast %broadcast_in_dim3A : f32 to vector<16xf32>
    %scan3A = arith.constant 0 : i32
    %scan3A_2 = arith.constant 0 : i32
    %scan3A_3 = arith.constant 64 : i32
    %scan3A_4 = arith.addi %scan3A_2, %scan3A_3 : i32
    %scan3A_5 = arith.constant 1 : i32
    scf.for %scan3A_36 = %scan3A_2 to %scan3A_4 step %scan3A_5  : i32 {
      %swap3A = arith.index_cast %scan3A_36 : i32 to index
      %swap3A_37 = arith.constant 0 : index
      %swap3A_38 = tpu.vector_load %arg9[%swap3A, %swap3A_37] {strides = array<i32>} : memref<64x128xf32, #tpu.memory_space<vmem>>, vector<1x16xf32>,
      %swap3A_39 = vector.shape_cast %swap3A_38 : vector<1x16xf32> to vector<16xf32>
      %swap3A_40 = vector.shape_cast %broadcast_in_dim3A_1 : vector<16xf32> to vector<1x16xf32>
      tpu.vector_store %arg9[%swap3A, %swap3A_37], %swap3A_40 {strides = array<i32>} : memref<64x128xf32, #tpu.memory_space<vmem>>, vector<1x16xf32>,
      %swap3A_41 = arith.index_cast %scan3A_36 : i32 to index
      %swap3A_42 = arith.constant 16 : index
      %swap3A_43 = tpu.vector_load %arg9[%swap3A_41, %swap3A_42] {strides = array<i32>} : memref<64x128xf32, #tpu.memory_space<vmem>>, vector<1x16xf32>,
      %swap3A_44 = vector.shape_cast %swap3A_43 : vector<1x16xf32> to vector<16xf32>
      %swap3A_45 = vector.shape_cast %broadcast_in_dim3A_1 : vector<16xf32> to vector<1x16xf32>
      tpu.vector_store %arg9[%swap3A_41, %swap3A_42], %swap3A_45 {strides = array<i32>} : memref<64x128xf32, #tpu.memory_space<vmem>>, vector<1x16xf32>,
      %swap3A_46 = arith.index_cast %scan3A_36 : i32 to index
      %swap3A_47 = arith.constant 32 : index
      %swap3A_48 = tpu.vector_load %arg9[%swap3A_46, %swap3A_47] {strides = array<i32>} : memref<64x128xf32, #tpu.memory_space<vmem>>, vector<1x16xf32>,
      %swap3A_49 = vector.shape_cast %swap3A_48 : vector<1x16xf32> to vector<16xf32>
      %swap3A_50 = vector.shape_cast %broadcast_in_dim3A_1 : vector<16xf32> to vector<1x16xf32>
      tpu.vector_store %arg9[%swap3A_46, %swap3A_47], %swap3A_50 {strides = array<i32>} : memref<64x128xf32, #tpu.memory_space<vmem>>, vector<1x16xf32>,
      %swap3A_51 = arith.index_cast %scan3A_36 : i32 to index
      %swap3A_52 = arith.constant 48 : index
      %swap3A_53 = tpu.vector_load %arg9[%swap3A_51, %swap3A_52] {strides = array<i32>} : memref<64x128xf32, #tpu.memory_space<vmem>>, vector<1x16xf32>,
      %swap3A_54 = vector.shape_cast %swap3A_53 : vector<1x16xf32> to vector<16xf32>
      %swap3A_55 = vector.shape_cast %broadcast_in_dim3A_1 : vector<16xf32> to vector<1x16xf32>
      tpu.vector_store %arg9[%swap3A_51, %swap3A_52], %swap3A_55 {strides = array<i32>} : memref<64x128xf32, #tpu.memory_space<vmem>>, vector<1x16xf32>,
      %swap3A_56 = arith.index_cast %scan3A_36 : i32 to index
      %swap3A_57 = arith.constant 64 : index
      %swap3A_58 = tpu.vector_load %arg9[%swap3A_56, %swap3A_57] {strides = array<i32>} : memref<64x128xf32, #tpu.memory_space<vmem>>, vector<1x16xf32>,
      %swap3A_59 = vector.shape_cast %swap3A_58 : vector<1x16xf32> to vector<16xf32>
      %swap3A_60 = vector.shape_cast %broadcast_in_dim3A_1 : vector<16xf32> to vector<1x16xf32>
      tpu.vector_store %arg9[%swap3A_56, %swap3A_57], %swap3A_60 {strides = array<i32>} : memref<64x128xf32, #tpu.memory_space<vmem>>, vector<1x16xf32>,
      %swap3A_61 = arith.index_cast %scan3A_36 : i32 to index
      %swap3A_62 = arith.constant 80 : index
      %swap3A_63 = tpu.vector_load %arg9[%swap3A_61, %swap3A_62] {strides = array<i32>} : memref<64x128xf32, #tpu.memory_space<vmem>>, vector<1x16xf32>,
      %swap3A_64 = vector.shape_cast %swap3A_63 : vector<1x16xf32> to vector<16xf32>
      %swap3A_65 = vector.shape_cast %broadcast_in_dim3A_1 : vector<16xf32> to vector<1x16xf32>
      tpu.vector_store %arg9[%swap3A_61, %swap3A_62], %swap3A_65 {strides = array<i32>} : memref<64x128xf32, #tpu.memory_space<vmem>>, vector<1x16xf32>,
      %swap3A_66 = arith.index_cast %scan3A_36 : i32 to index
      %swap3A_67 = arith.constant 96 : index
      %swap3A_68 = tpu.vector_load %arg9[%swap3A_66, %swap3A_67] {strides = array<i32>} : memref<64x128xf32, #tpu.memory_space<vmem>>, vector<1x16xf32>,
      %swap3A_69 = vector.shape_cast %swap3A_68 : vector<1x16xf32> to vector<16xf32>
      %swap3A_70 = vector.shape_cast %broadcast_in_dim3A_1 : vector<16xf32> to vector<1x16xf32>
      tpu.vector_store %arg9[%swap3A_66, %swap3A_67], %swap3A_70 {strides = array<i32>} : memref<64x128xf32, #tpu.memory_space<vmem>>, vector<1x16xf32>,
      %swap3A_71 = arith.index_cast %scan3A_36 : i32 to index
      %swap3A_72 = arith.constant 112 : index
      %swap3A_73 = tpu.vector_load %arg9[%swap3A_71, %swap3A_72] {strides = array<i32>} : memref<64x128xf32, #tpu.memory_space<vmem>>, vector<1x16xf32>,
      %swap3A_74 = vector.shape_cast %swap3A_73 : vector<1x16xf32> to vector<16xf32>
      %swap3A_75 = vector.shape_cast %broadcast_in_dim3A_1 : vector<16xf32> to vector<1x16xf32>
      tpu.vector_store %arg9[%swap3A_71, %swap3A_72], %swap3A_75 {strides = array<i32>} : memref<64x128xf32, #tpu.memory_space<vmem>>, vector<1x16xf32>,
    }
    %scan3A_6 = arith.constant 64 : i32
    %add3A = arith.constant 0 : i32
    %add3A_7 = arith.addi %mul3A_0, %add3A : i32
    "tpu.region"() ({
      %run_scoped3A = tpu.sem_alloc : memref<!tpu.dma_semaphore, #tpu.memory_space<semaphore_mem>>
      %dma_start3A = arith.constant 0 : i32
      %dma_start3A_36 = tpu.memref_slice %arg6[%add3A_7, %dma_start3A] : memref<10240x128xf32, #tpu.memory_space<vmem_shared>> -> memref<64x128xf32, #tpu.memory_space<vmem_shared>>
      %dma_start3A_37 = arith.constant 0 : i32
      %dma_start3A_38 = tpu.memref_slice %arg6[%add3A_7, %dma_start3A_37] : memref<10240x128xf32, #tpu.memory_space<vmem_shared>> -> memref<64x128xf32, #tpu.memory_space<vmem_shared>>
      tpu.enqueue_dma source(%arg9 : memref<64x128xf32, #tpu.memory_space<vmem>>) target(%dma_start3A_38 : memref<64x128xf32, #tpu.memory_space<vmem_shared>>) target_semaphore(%run_scoped3A : memref<!tpu.dma_semaphore, #tpu.memory_space<semaphore_mem>>)
      %dma_wait3A = arith.constant 0 : i32
      %dma_wait3A_39 = tpu.memref_slice %arg6[%add3A_7, %dma_wait3A] : memref<10240x128xf32, #tpu.memory_space<vmem_shared>> -> memref<64x128xf32, #tpu.memory_space<vmem_shared>>
      %dma_wait3A_40 = arith.constant 0 : i32
      %dma_wait3A_41 = tpu.memref_slice %arg6[%add3A_7, %dma_wait3A_40] : memref<10240x128xf32, #tpu.memory_space<vmem_shared>> -> memref<64x128xf32, #tpu.memory_space<vmem_shared>>
      tpu.wait_dma2 semaphore(%run_scoped3A : memref<!tpu.dma_semaphore, #tpu.memory_space<semaphore_mem>>) src(%arg9 : memref<64x128xf32, #tpu.memory_space<vmem>>) dst(%dma_wait3A_41 : memref<64x128xf32, #tpu.memory_space<vmem_shared>>)
      tpu.yield
    }) : () -> ()
    %add3A_8 = arith.constant 64 : i32
    %add3A_9 = arith.addi %mul3A_0, %add3A_8 : i32
    "tpu.region"() ({
      %run_scoped3A = tpu.sem_alloc : memref<!tpu.dma_semaphore, #tpu.memory_space<semaphore_mem>>
      %dma_start3A = arith.constant 0 : i32
      %dma_start3A_36 = tpu.memref_slice %arg6[%add3A_9, %dma_start3A] : memref<10240x128xf32, #tpu.memory_space<vmem_shared>> -> memref<64x128xf32, #tpu.memory_space<vmem_shared>>
      %dma_start3A_37 = arith.constant 0 : i32
      %dma_start3A_38 = tpu.memref_slice %arg6[%add3A_9, %dma_start3A_37] : memref<10240x128xf32, #tpu.memory_space<vmem_shared>> -> memref<64x128xf32, #tpu.memory_space<vmem_shared>>
      tpu.enqueue_dma source(%arg9 : memref<64x128xf32, #tpu.memory_space<vmem>>) target(%dma_start3A_38 : memref<64x128xf32, #tpu.memory_space<vmem_shared>>) target_semaphore(%run_scoped3A : memref<!tpu.dma_semaphore, #tpu.memory_space<semaphore_mem>>)
      %dma_wait3A = arith.constant 0 : i32
      %dma_wait3A_39 = tpu.memref_slice %arg6[%add3A_9, %dma_wait3A] : memref<10240x128xf32, #tpu.memory_space<vmem_shared>> -> memref<64x128xf32, #tpu.memory_space<vmem_shared>>
      %dma_wait3A_40 = arith.constant 0 : i32
      %dma_wait3A_41 = tpu.memref_slice %arg6[%add3A_9, %dma_wait3A_40] : memref<10240x128xf32, #tpu.memory_space<vmem_shared>> -> memref<64x128xf32, #tpu.memory_space<vmem_shared>>
      tpu.wait_dma2 semaphore(%run_scoped3A : memref<!tpu.dma_semaphore, #tpu.memory_space<semaphore_mem>>) src(%arg9 : memref<64x128xf32, #tpu.memory_space<vmem>>) dst(%dma_wait3A_41 : memref<64x128xf32, #tpu.memory_space<vmem_shared>>)
      tpu.yield
    }) : () -> ()
    %add3A_10 = arith.constant 128 : i32
    %add3A_11 = arith.addi %mul3A_0, %add3A_10 : i32
    "tpu.region"() ({
      %run_scoped3A = tpu.sem_alloc : memref<!tpu.dma_semaphore, #tpu.memory_space<semaphore_mem>>
      %dma_start3A = arith.constant 0 : i32
      %dma_start3A_36 = tpu.memref_slice %arg6[%add3A_11, %dma_start3A] : memref<10240x128xf32, #tpu.memory_space<vmem_shared>> -> memref<64x128xf32, #tpu.memory_space<vmem_shared>>
      %dma_start3A_37 = arith.constant 0 : i32
      %dma_start3A_38 = tpu.memref_slice %arg6[%add3A_11, %dma_start3A_37] : memref<10240x128xf32, #tpu.memory_space<vmem_shared>> -> memref<64x128xf32, #tpu.memory_space<vmem_shared>>
      tpu.enqueue_dma source(%arg9 : memref<64x128xf32, #tpu.memory_space<vmem>>) target(%dma_start3A_38 : memref<64x128xf32, #tpu.memory_space<vmem_shared>>) target_semaphore(%run_scoped3A : memref<!tpu.dma_semaphore, #tpu.memory_space<semaphore_mem>>)
      %dma_wait3A = arith.constant 0 : i32
      %dma_wait3A_39 = tpu.memref_slice %arg6[%add3A_11, %dma_wait3A] : memref<10240x128xf32, #tpu.memory_space<vmem_shared>> -> memref<64x128xf32, #tpu.memory_space<vmem_shared>>
      %dma_wait3A_40 = arith.constant 0 : i32
      %dma_wait3A_41 = tpu.memref_slice %arg6[%add3A_11, %dma_wait3A_40] : memref<10240x128xf32, #tpu.memory_space<vmem_shared>> -> memref<64x128xf32, #tpu.memory_space<vmem_shared>>
      tpu.wait_dma2 semaphore(%run_scoped3A : memref<!tpu.dma_semaphore, #tpu.memory_space<semaphore_mem>>) src(%arg9 : memref<64x128xf32, #tpu.memory_space<vmem>>) dst(%dma_wait3A_41 : memref<64x128xf32, #tpu.memory_space<vmem_shared>>)
      tpu.yield
    }) : () -> ()
    %add3A_12 = arith.constant 192 : i32
    %add3A_13 = arith.addi %mul3A_0, %add3A_12 : i32
    "tpu.region"() ({
      %run_scoped3A = tpu.sem_alloc : memref<!tpu.dma_semaphore, #tpu.memory_space<semaphore_mem>>
      %dma_start3A = arith.constant 0 : i32
      %dma_start3A_36 = tpu.memref_slice %arg6[%add3A_13, %dma_start3A] : memref<10240x128xf32, #tpu.memory_space<vmem_shared>> -> memref<64x128xf32, #tpu.memory_space<vmem_shared>>
      %dma_start3A_37 = arith.constant 0 : i32
      %dma_start3A_38 = tpu.memref_slice %arg6[%add3A_13, %dma_start3A_37] : memref<10240x128xf32, #tpu.memory_space<vmem_shared>> -> memref<64x128xf32, #tpu.memory_space<vmem_shared>>
      tpu.enqueue_dma source(%arg9 : memref<64x128xf32, #tpu.memory_space<vmem>>) target(%dma_start3A_38 : memref<64x128xf32, #tpu.memory_space<vmem_shared>>) target_semaphore(%run_scoped3A : memref<!tpu.dma_semaphore, #tpu.memory_space<semaphore_mem>>)
      %dma_wait3A = arith.constant 0 : i32
      %dma_wait3A_39 = tpu.memref_slice %arg6[%add3A_13, %dma_wait3A] : memref<10240x128xf32, #tpu.memory_space<vmem_shared>> -> memref<64x128xf32, #tpu.memory_space<vmem_shared>>
      %dma_wait3A_40 = arith.constant 0 : i32
      %dma_wait3A_41 = tpu.memref_slice %arg6[%add3A_13, %dma_wait3A_40] : memref<10240x128xf32, #tpu.memory_space<vmem_shared>> -> memref<64x128xf32, #tpu.memory_space<vmem_shared>>
      tpu.wait_dma2 semaphore(%run_scoped3A : memref<!tpu.dma_semaphore, #tpu.memory_space<semaphore_mem>>) src(%arg9 : memref<64x128xf32, #tpu.memory_space<vmem>>) dst(%dma_wait3A_41 : memref<64x128xf32, #tpu.memory_space<vmem_shared>>)
      tpu.yield
    }) : () -> ()
    %add3A_14 = arith.constant 256 : i32
    %add3A_15 = arith.addi %mul3A_0, %add3A_14 : i32
    "tpu.region"() ({
      %run_scoped3A = tpu.sem_alloc : memref<!tpu.dma_semaphore, #tpu.memory_space<semaphore_mem>>
      %dma_start3A = arith.constant 0 : i32
      %dma_start3A_36 = tpu.memref_slice %arg6[%add3A_15, %dma_start3A] : memref<10240x128xf32, #tpu.memory_space<vmem_shared>> -> memref<64x128xf32, #tpu.memory_space<vmem_shared>>
      %dma_start3A_37 = arith.constant 0 : i32
      %dma_start3A_38 = tpu.memref_slice %arg6[%add3A_15, %dma_start3A_37] : memref<10240x128xf32, #tpu.memory_space<vmem_shared>> -> memref<64x128xf32, #tpu.memory_space<vmem_shared>>
      tpu.enqueue_dma source(%arg9 : memref<64x128xf32, #tpu.memory_space<vmem>>) target(%dma_start3A_38 : memref<64x128xf32, #tpu.memory_space<vmem_shared>>) target_semaphore(%run_scoped3A : memref<!tpu.dma_semaphore, #tpu.memory_space<semaphore_mem>>)
      %dma_wait3A = arith.constant 0 : i32
      %dma_wait3A_39 = tpu.memref_slice %arg6[%add3A_15, %dma_wait3A] : memref<10240x128xf32, #tpu.memory_space<vmem_shared>> -> memref<64x128xf32, #tpu.memory_space<vmem_shared>>
      %dma_wait3A_40 = arith.constant 0 : i32
      %dma_wait3A_41 = tpu.memref_slice %arg6[%add3A_15, %dma_wait3A_40] : memref<10240x128xf32, #tpu.memory_space<vmem_shared>> -> memref<64x128xf32, #tpu.memory_space<vmem_shared>>
      tpu.wait_dma2 semaphore(%run_scoped3A : memref<!tpu.dma_semaphore, #tpu.memory_space<semaphore_mem>>) src(%arg9 : memref<64x128xf32, #tpu.memory_space<vmem>>) dst(%dma_wait3A_41 : memref<64x128xf32, #tpu.memory_space<vmem_shared>>)
      tpu.yield
    }) : () -> ()
    %add3A_16 = arith.constant 320 : i32
    %add3A_17 = arith.addi %mul3A_0, %add3A_16 : i32
    "tpu.region"() ({
      %run_scoped3A = tpu.sem_alloc : memref<!tpu.dma_semaphore, #tpu.memory_space<semaphore_mem>>
      %dma_start3A = arith.constant 0 : i32
      %dma_start3A_36 = tpu.memref_slice %arg6[%add3A_17, %dma_start3A] : memref<10240x128xf32, #tpu.memory_space<vmem_shared>> -> memref<64x128xf32, #tpu.memory_space<vmem_shared>>
      %dma_start3A_37 = arith.constant 0 : i32
      %dma_start3A_38 = tpu.memref_slice %arg6[%add3A_17, %dma_start3A_37] : memref<10240x128xf32, #tpu.memory_space<vmem_shared>> -> memref<64x128xf32, #tpu.memory_space<vmem_shared>>
      tpu.enqueue_dma source(%arg9 : memref<64x128xf32, #tpu.memory_space<vmem>>) target(%dma_start3A_38 : memref<64x128xf32, #tpu.memory_space<vmem_shared>>) target_semaphore(%run_scoped3A : memref<!tpu.dma_semaphore, #tpu.memory_space<semaphore_mem>>)
      %dma_wait3A = arith.constant 0 : i32
      %dma_wait3A_39 = tpu.memref_slice %arg6[%add3A_17, %dma_wait3A] : memref<10240x128xf32, #tpu.memory_space<vmem_shared>> -> memref<64x128xf32, #tpu.memory_space<vmem_shared>>
      %dma_wait3A_40 = arith.constant 0 : i32
      %dma_wait3A_41 = tpu.memref_slice %arg6[%add3A_17, %dma_wait3A_40] : memref<10240x128xf32, #tpu.memory_space<vmem_shared>> -> memref<64x128xf32, #tpu.memory_space<vmem_shared>>
      tpu.wait_dma2 semaphore(%run_scoped3A : memref<!tpu.dma_semaphore, #tpu.memory_space<semaphore_mem>>) src(%arg9 : memref<64x128xf32, #tpu.memory_space<vmem>>) dst(%dma_wait3A_41 : memref<64x128xf32, #tpu.memory_space<vmem_shared>>)
      tpu.yield
    }) : () -> ()
    %add3A_18 = arith.constant 384 : i32
    %add3A_19 = arith.addi %mul3A_0, %add3A_18 : i32
    "tpu.region"() ({
      %run_scoped3A = tpu.sem_alloc : memref<!tpu.dma_semaphore, #tpu.memory_space<semaphore_mem>>
      %dma_start3A = arith.constant 0 : i32
      %dma_start3A_36 = tpu.memref_slice %arg6[%add3A_19, %dma_start3A] : memref<10240x128xf32, #tpu.memory_space<vmem_shared>> -> memref<64x128xf32, #tpu.memory_space<vmem_shared>>
      %dma_start3A_37 = arith.constant 0 : i32
      %dma_start3A_38 = tpu.memref_slice %arg6[%add3A_19, %dma_start3A_37] : memref<10240x128xf32, #tpu.memory_space<vmem_shared>> -> memref<64x128xf32, #tpu.memory_space<vmem_shared>>
      tpu.enqueue_dma source(%arg9 : memref<64x128xf32, #tpu.memory_space<vmem>>) target(%dma_start3A_38 : memref<64x128xf32, #tpu.memory_space<vmem_shared>>) target_semaphore(%run_scoped3A : memref<!tpu.dma_semaphore, #tpu.memory_space<semaphore_mem>>)
      %dma_wait3A = arith.constant 0 : i32
      %dma_wait3A_39 = tpu.memref_slice %arg6[%add3A_19, %dma_wait3A] : memref<10240x128xf32, #tpu.memory_space<vmem_shared>> -> memref<64x128xf32, #tpu.memory_space<vmem_shared>>
      %dma_wait3A_40 = arith.constant 0 : i32
      %dma_wait3A_41 = tpu.memref_slice %arg6[%add3A_19, %dma_wait3A_40] : memref<10240x128xf32, #tpu.memory_space<vmem_shared>> -> memref<64x128xf32, #tpu.memory_space<vmem_shared>>
      tpu.wait_dma2 semaphore(%run_scoped3A : memref<!tpu.dma_semaphore, #tpu.memory_space<semaphore_mem>>) src(%arg9 : memref<64x128xf32, #tpu.memory_space<vmem>>) dst(%dma_wait3A_41 : memref<64x128xf32, #tpu.memory_space<vmem_shared>>)
      tpu.yield
    }) : () -> ()
    %add3A_20 = arith.constant 448 : i32
    %add3A_21 = arith.addi %mul3A_0, %add3A_20 : i32
    "tpu.region"() ({
      %run_scoped3A = tpu.sem_alloc : memref<!tpu.dma_semaphore, #tpu.memory_space<semaphore_mem>>
      %dma_start3A = arith.constant 0 : i32
      %dma_start3A_36 = tpu.memref_slice %arg6[%add3A_21, %dma_start3A] : memref<10240x128xf32, #tpu.memory_space<vmem_shared>> -> memref<64x128xf32, #tpu.memory_space<vmem_shared>>
      %dma_start3A_37 = arith.constant 0 : i32
      %dma_start3A_38 = tpu.memref_slice %arg6[%add3A_21, %dma_start3A_37] : memref<10240x128xf32, #tpu.memory_space<vmem_shared>> -> memref<64x128xf32, #tpu.memory_space<vmem_shared>>
      tpu.enqueue_dma source(%arg9 : memref<64x128xf32, #tpu.memory_space<vmem>>) target(%dma_start3A_38 : memref<64x128xf32, #tpu.memory_space<vmem_shared>>) target_semaphore(%run_scoped3A : memref<!tpu.dma_semaphore, #tpu.memory_space<semaphore_mem>>)
      %dma_wait3A = arith.constant 0 : i32
      %dma_wait3A_39 = tpu.memref_slice %arg6[%add3A_21, %dma_wait3A] : memref<10240x128xf32, #tpu.memory_space<vmem_shared>> -> memref<64x128xf32, #tpu.memory_space<vmem_shared>>
      %dma_wait3A_40 = arith.constant 0 : i32
      %dma_wait3A_41 = tpu.memref_slice %arg6[%add3A_21, %dma_wait3A_40] : memref<10240x128xf32, #tpu.memory_space<vmem_shared>> -> memref<64x128xf32, #tpu.memory_space<vmem_shared>>
      tpu.wait_dma2 semaphore(%run_scoped3A : memref<!tpu.dma_semaphore, #tpu.memory_space<semaphore_mem>>) src(%arg9 : memref<64x128xf32, #tpu.memory_space<vmem>>) dst(%dma_wait3A_41 : memref<64x128xf32, #tpu.memory_space<vmem_shared>>)
      tpu.yield
    }) : () -> ()
    %add3A_22 = arith.constant 512 : i32
    %add3A_23 = arith.addi %mul3A_0, %add3A_22 : i32
    "tpu.region"() ({
      %run_scoped3A = tpu.sem_alloc : memref<!tpu.dma_semaphore, #tpu.memory_space<semaphore_mem>>
      %dma_start3A = arith.constant 0 : i32
      %dma_start3A_36 = tpu.memref_slice %arg6[%add3A_23, %dma_start3A] : memref<10240x128xf32, #tpu.memory_space<vmem_shared>> -> memref<64x128xf32, #tpu.memory_space<vmem_shared>>
      %dma_start3A_37 = arith.constant 0 : i32
      %dma_start3A_38 = tpu.memref_slice %arg6[%add3A_23, %dma_start3A_37] : memref<10240x128xf32, #tpu.memory_space<vmem_shared>> -> memref<64x128xf32, #tpu.memory_space<vmem_shared>>
      tpu.enqueue_dma source(%arg9 : memref<64x128xf32, #tpu.memory_space<vmem>>) target(%dma_start3A_38 : memref<64x128xf32, #tpu.memory_space<vmem_shared>>) target_semaphore(%run_scoped3A : memref<!tpu.dma_semaphore, #tpu.memory_space<semaphore_mem>>)
      %dma_wait3A = arith.constant 0 : i32
      %dma_wait3A_39 = tpu.memref_slice %arg6[%add3A_23, %dma_wait3A] : memref<10240x128xf32, #tpu.memory_space<vmem_shared>> -> memref<64x128xf32, #tpu.memory_space<vmem_shared>>
      %dma_wait3A_40 = arith.constant 0 : i32
      %dma_wait3A_41 = tpu.memref_slice %arg6[%add3A_23, %dma_wait3A_40] : memref<10240x128xf32, #tpu.memory_space<vmem_shared>> -> memref<64x128xf32, #tpu.memory_space<vmem_shared>>
      tpu.wait_dma2 semaphore(%run_scoped3A : memref<!tpu.dma_semaphore, #tpu.memory_space<semaphore_mem>>) src(%arg9 : memref<64x128xf32, #tpu.memory_space<vmem>>) dst(%dma_wait3A_41 : memref<64x128xf32, #tpu.memory_space<vmem_shared>>)
      tpu.yield
    }) : () -> ()
    %add3A_24 = arith.constant 576 : i32
    %add3A_25 = arith.addi %mul3A_0, %add3A_24 : i32
    "tpu.region"() ({
      %run_scoped3A = tpu.sem_alloc : memref<!tpu.dma_semaphore, #tpu.memory_space<semaphore_mem>>
      %dma_start3A = arith.constant 0 : i32
      %dma_start3A_36 = tpu.memref_slice %arg6[%add3A_25, %dma_start3A] : memref<10240x128xf32, #tpu.memory_space<vmem_shared>> -> memref<64x128xf32, #tpu.memory_space<vmem_shared>>
      %dma_start3A_37 = arith.constant 0 : i32
      %dma_start3A_38 = tpu.memref_slice %arg6[%add3A_25, %dma_start3A_37] : memref<10240x128xf32, #tpu.memory_space<vmem_shared>> -> memref<64x128xf32, #tpu.memory_space<vmem_shared>>
      tpu.enqueue_dma source(%arg9 : memref<64x128xf32, #tpu.memory_space<vmem>>) target(%dma_start3A_38 : memref<64x128xf32, #tpu.memory_space<vmem_shared>>) target_semaphore(%run_scoped3A : memref<!tpu.dma_semaphore, #tpu.memory_space<semaphore_mem>>)
      %dma_wait3A = arith.constant 0 : i32
      %dma_wait3A_39 = tpu.memref_slice %arg6[%add3A_25, %dma_wait3A] : memref<10240x128xf32, #tpu.memory_space<vmem_shared>> -> memref<64x128xf32, #tpu.memory_space<vmem_shared>>
      %dma_wait3A_40 = arith.constant 0 : i32
      %dma_wait3A_41 = tpu.memref_slice %arg6[%add3A_25, %dma_wait3A_40] : memref<10240x128xf32, #tpu.memory_space<vmem_shared>> -> memref<64x128xf32, #tpu.memory_space<vmem_shared>>
      tpu.wait_dma2 semaphore(%run_scoped3A : memref<!tpu.dma_semaphore, #tpu.memory_space<semaphore_mem>>) src(%arg9 : memref<64x128xf32, #tpu.memory_space<vmem>>) dst(%dma_wait3A_41 : memref<64x128xf32, #tpu.memory_space<vmem_shared>>)
      tpu.yield
    }) : () -> ()
    %barrier3A = arith.constant 0 : index
    tpu.barrier barrier_id(%barrier3A)
    %scan3A_26 = arith.constant 0 : i32
    %scan3A_27 = arith.constant 0 : i32
    %scan3A_28 = arith.constant 20 : i32
    %scan3A_29 = arith.addi %scan3A_27, %scan3A_28 : i32
    %scan3A_30 = arith.constant 1 : i32
    scf.for %scan3A_36 = %scan3A_27 to %scan3A_29 step %scan3A_30  : i32 {
      %mul3A_37 = arith.constant 8 : i32
      %mul3A_38 = arith.muli %scan3A_36, %mul3A_37 : i32
      "tpu.region"() ({
        %run_scoped3A = tpu.sem_alloc : memref<!tpu.dma_semaphore, #tpu.memory_space<semaphore_mem>>
        %dma_start3A_263 = arith.constant 0 : i32
        %dma_start3A_264 = tpu.memref_slice %arg3[%arg0, %arg1, %mul3A_38, %dma_start3A_263] : memref<2x16x160x64xi32, #tpu.memory_space<hbm>> -> memref<1x1x8x64xi32, #tpu.memory_space<hbm>>
        %dma_start3A_265 = tpu.memref_squeeze %dma_start3A_264 : memref<1x1x8x64xi32, #tpu.memory_space<hbm>> -> memref<8x64xi32, #tpu.memory_space<hbm>>
        %dma_start3A_266 = arith.constant 0 : i32
        %dma_start3A_267 = tpu.memref_slice %arg3[%arg0, %arg1, %mul3A_38, %dma_start3A_266] : memref<2x16x160x64xi32, #tpu.memory_space<hbm>> -> memref<1x1x8x64xi32, #tpu.memory_space<hbm>>
        %dma_start3A_268 = tpu.memref_squeeze %dma_start3A_267 : memref<1x1x8x64xi32, #tpu.memory_space<hbm>> -> memref<8x64xi32, #tpu.memory_space<hbm>>
        tpu.enqueue_dma source(%dma_start3A_268 : memref<8x64xi32, #tpu.memory_space<hbm>>) target(%arg7 : memref<8x64xi32, #tpu.memory_space<vmem>>) target_semaphore(%run_scoped3A : memref<!tpu.dma_semaphore, #tpu.memory_space<semaphore_mem>>)
        %dma_wait3A_269 = arith.constant 0 : i32
        %dma_wait3A_270 = tpu.memref_slice %arg3[%arg0, %arg1, %mul3A_38, %dma_wait3A_269] : memref<2x16x160x64xi32, #tpu.memory_space<hbm>> -> memref<1x1x8x64xi32, #tpu.memory_space<hbm>>
        %dma_wait3A_271 = tpu.memref_squeeze %dma_wait3A_270 : memref<1x1x8x64xi32, #tpu.memory_space<hbm>> -> memref<8x64xi32, #tpu.memory_space<hbm>>
        %dma_wait3A_272 = arith.constant 0 : i32
        %dma_wait3A_273 = tpu.memref_slice %arg3[%arg0, %arg1, %mul3A_38, %dma_wait3A_272] : memref<2x16x160x64xi32, #tpu.memory_space<hbm>> -> memref<1x1x8x64xi32, #tpu.memory_space<hbm>>
        %dma_wait3A_274 = tpu.memref_squeeze %dma_wait3A_273 : memref<1x1x8x64xi32, #tpu.memory_space<hbm>> -> memref<8x64xi32, #tpu.memory_space<hbm>>
        tpu.wait_dma2 semaphore(%run_scoped3A : memref<!tpu.dma_semaphore, #tpu.memory_space<semaphore_mem>>) src(%dma_wait3A_274 : memref<8x64xi32, #tpu.memory_space<hbm>>) dst(%arg7 : memref<8x64xi32, #tpu.memory_space<vmem>>)
        tpu.yield
      }) : () -> ()
      %mul3A_39 = arith.constant 8 : i32
      %mul3A_40 = arith.muli %scan3A_36, %mul3A_39 : i32
      "tpu.region"() ({
        %run_scoped3A = tpu.sem_alloc : memref<!tpu.dma_semaphore, #tpu.memory_space<semaphore_mem>>
        %dma_start3A_263 = arith.constant 0 : i32
        %dma_start3A_264 = tpu.memref_slice %arg4[%arg1, %mul3A_40, %dma_start3A_263] : memref<16x160x64xi32, #tpu.memory_space<hbm>> -> memref<1x8x64xi32, #tpu.memory_space<hbm>>
        %dma_start3A_265 = tpu.memref_squeeze %dma_start3A_264 : memref<1x8x64xi32, #tpu.memory_space<hbm>> -> memref<8x64xi32, #tpu.memory_space<hbm>>
        %dma_start3A_266 = arith.constant 0 : i32
        %dma_start3A_267 = tpu.memref_slice %arg4[%arg1, %mul3A_40, %dma_start3A_266] : memref<16x160x64xi32, #tpu.memory_space<hbm>> -> memref<1x8x64xi32, #tpu.memory_space<hbm>>
        %dma_start3A_268 = tpu.memref_squeeze %dma_start3A_267 : memref<1x8x64xi32, #tpu.memory_space<hbm>> -> memref<8x64xi32, #tpu.memory_space<hbm>>
        tpu.enqueue_dma source(%dma_start3A_268 : memref<8x64xi32, #tpu.memory_space<hbm>>) target(%arg8 : memref<8x64xi32, #tpu.memory_space<vmem>>) target_semaphore(%run_scoped3A : memref<!tpu.dma_semaphore, #tpu.memory_space<semaphore_mem>>)
        %dma_wait3A_269 = arith.constant 0 : i32
        %dma_wait3A_270 = tpu.memref_slice %arg4[%arg1, %mul3A_40, %dma_wait3A_269] : memref<16x160x64xi32, #tpu.memory_space<hbm>> -> memref<1x8x64xi32, #tpu.memory_space<hbm>>
        %dma_wait3A_271 = tpu.memref_squeeze %dma_wait3A_270 : memref<1x8x64xi32, #tpu.memory_space<hbm>> -> memref<8x64xi32, #tpu.memory_space<hbm>>
        %dma_wait3A_272 = arith.constant 0 : i32
        %dma_wait3A_273 = tpu.memref_slice %arg4[%arg1, %mul3A_40, %dma_wait3A_272] : memref<16x160x64xi32, #tpu.memory_space<hbm>> -> memref<1x8x64xi32, #tpu.memory_space<hbm>>
        %dma_wait3A_274 = tpu.memref_squeeze %dma_wait3A_273 : memref<1x8x64xi32, #tpu.memory_space<hbm>> -> memref<8x64xi32, #tpu.memory_space<hbm>>
        tpu.wait_dma2 semaphore(%run_scoped3A : memref<!tpu.dma_semaphore, #tpu.memory_space<semaphore_mem>>) src(%dma_wait3A_274 : memref<8x64xi32, #tpu.memory_space<hbm>>) dst(%arg8 : memref<8x64xi32, #tpu.memory_space<vmem>>)
        tpu.yield
      }) : () -> ()
      %dma_start3A = arith.constant 0 : i32
      %dma_start3A_41 = arith.constant 0 : i32
      %dma_start3A_42 = tpu.memref_slice %arg7[%dma_start3A, %dma_start3A_41] : memref<8x64xi32, #tpu.memory_space<vmem>> -> memref<1x64xi32, #tpu.memory_space<vmem>>
      %dma_start3A_43 = tpu.memref_squeeze %dma_start3A_42 : memref<1x64xi32, #tpu.memory_space<vmem>> -> memref<64xi32, #tpu.memory_space<vmem>>
      %dma_start3A_44 = arith.constant 0 : i32
      %dma_start3A_45 = arith.constant 0 : i32
      %dma_start3A_46 = tpu.memref_slice %arg2[%dma_start3A_44, %dma_start3A_45] : memref<20480x128xf32, #tpu.memory_space<hbm>> -> memref<20480x128xf32, #tpu.memory_space<hbm>>
      tpu.enqueue_indirect_dma source(%dma_start3A_46 : memref<20480x128xf32, #tpu.memory_space<hbm>>) target(%arg9 : memref<64x128xf32, #tpu.memory_space<vmem>>) offsets(%dma_start3A_43 : memref<64xi32, #tpu.memory_space<vmem>>) semaphore(%arg13 : memref<!tpu.dma_semaphore, #tpu.memory_space<semaphore_mem>>)
      %dma_start3A_47 = arith.constant 1 : i32
      %dma_start3A_48 = arith.constant 0 : i32
      %dma_start3A_49 = tpu.memref_slice %arg7[%dma_start3A_47, %dma_start3A_48] : memref<8x64xi32, #tpu.memory_space<vmem>> -> memref<1x64xi32, #tpu.memory_space<vmem>>
      %dma_start3A_50 = tpu.memref_squeeze %dma_start3A_49 : memref<1x64xi32, #tpu.memory_space<vmem>> -> memref<64xi32, #tpu.memory_space<vmem>>
      %dma_start3A_51 = arith.constant 0 : i32
      %dma_start3A_52 = arith.constant 0 : i32
      %dma_start3A_53 = tpu.memref_slice %arg2[%dma_start3A_51, %dma_start3A_52] : memref<20480x128xf32, #tpu.memory_space<hbm>> -> memref<20480x128xf32, #tpu.memory_space<hbm>>
      tpu.enqueue_indirect_dma source(%dma_start3A_53 : memref<20480x128xf32, #tpu.memory_space<hbm>>) target(%arg10 : memref<64x128xf32, #tpu.memory_space<vmem>>) offsets(%dma_start3A_50 : memref<64xi32, #tpu.memory_space<vmem>>) semaphore(%arg14 : memref<!tpu.dma_semaphore, #tpu.memory_space<semaphore_mem>>)
      %dma_start3A_54 = arith.constant 2 : i32
      %dma_start3A_55 = arith.constant 0 : i32
      %dma_start3A_56 = tpu.memref_slice %arg7[%dma_start3A_54, %dma_start3A_55] : memref<8x64xi32, #tpu.memory_space<vmem>> -> memref<1x64xi32, #tpu.memory_space<vmem>>
      %dma_start3A_57 = tpu.memref_squeeze %dma_start3A_56 : memref<1x64xi32, #tpu.memory_space<vmem>> -> memref<64xi32, #tpu.memory_space<vmem>>
      %dma_start3A_58 = arith.constant 0 : i32
      %dma_start3A_59 = arith.constant 0 : i32
      %dma_start3A_60 = tpu.memref_slice %arg2[%dma_start3A_58, %dma_start3A_59] : memref<20480x128xf32, #tpu.memory_space<hbm>> -> memref<20480x128xf32, #tpu.memory_space<hbm>>
      tpu.enqueue_indirect_dma source(%dma_start3A_60 : memref<20480x128xf32, #tpu.memory_space<hbm>>) target(%arg11 : memref<64x128xf32, #tpu.memory_space<vmem>>) offsets(%dma_start3A_57 : memref<64xi32, #tpu.memory_space<vmem>>) semaphore(%arg15 : memref<!tpu.dma_semaphore, #tpu.memory_space<semaphore_mem>>)
      %dma_start3A_61 = arith.constant 3 : i32
      %dma_start3A_62 = arith.constant 0 : i32
      %dma_start3A_63 = tpu.memref_slice %arg7[%dma_start3A_61, %dma_start3A_62] : memref<8x64xi32, #tpu.memory_space<vmem>> -> memref<1x64xi32, #tpu.memory_space<vmem>>
      %dma_start3A_64 = tpu.memref_squeeze %dma_start3A_63 : memref<1x64xi32, #tpu.memory_space<vmem>> -> memref<64xi32, #tpu.memory_space<vmem>>
      %dma_start3A_65 = arith.constant 0 : i32
      %dma_start3A_66 = arith.constant 0 : i32
      %dma_start3A_67 = tpu.memref_slice %arg2[%dma_start3A_65, %dma_start3A_66] : memref<20480x128xf32, #tpu.memory_space<hbm>> -> memref<20480x128xf32, #tpu.memory_space<hbm>>
      tpu.enqueue_indirect_dma source(%dma_start3A_67 : memref<20480x128xf32, #tpu.memory_space<hbm>>) target(%arg12 : memref<64x128xf32, #tpu.memory_space<vmem>>) offsets(%dma_start3A_64 : memref<64xi32, #tpu.memory_space<vmem>>) semaphore(%arg16 : memref<!tpu.dma_semaphore, #tpu.memory_space<semaphore_mem>>)
      %dma_wait3A = arith.constant 0 : i32
      %dma_wait3A_68 = arith.constant 0 : i32
      %dma_wait3A_69 = tpu.memref_slice %arg7[%dma_wait3A, %dma_wait3A_68] : memref<8x64xi32, #tpu.memory_space<vmem>> -> memref<1x64xi32, #tpu.memory_space<vmem>>
      %dma_wait3A_70 = tpu.memref_squeeze %dma_wait3A_69 : memref<1x64xi32, #tpu.memory_space<vmem>> -> memref<64xi32, #tpu.memory_space<vmem>>
      %dma_wait3A_71 = arith.constant 0 : i32
      %dma_wait3A_72 = arith.constant 0 : i32
      %dma_wait3A_73 = tpu.memref_slice %arg2[%dma_wait3A_71, %dma_wait3A_72] : memref<20480x128xf32, #tpu.memory_space<hbm>> -> memref<20480x128xf32, #tpu.memory_space<hbm>>
      tpu.wait_indirect_dma semaphore(%arg13 : memref<!tpu.dma_semaphore, #tpu.memory_space<semaphore_mem>>) src(%dma_wait3A_73 : memref<20480x128xf32, #tpu.memory_space<hbm>>) dst(%arg9 : memref<64x128xf32, #tpu.memory_space<vmem>>)
      %dma_start3A_74 = arith.constant 0 : i32
      %dma_start3A_75 = arith.constant 0 : i32
      %dma_start3A_76 = tpu.memref_slice %arg8[%dma_start3A_74, %dma_start3A_75] : memref<8x64xi32, #tpu.memory_space<vmem>> -> memref<1x64xi32, #tpu.memory_space<vmem>>
      %dma_start3A_77 = tpu.memref_squeeze %dma_start3A_76 : memref<1x64xi32, #tpu.memory_space<vmem>> -> memref<64xi32, #tpu.memory_space<vmem>>
      %dma_start3A_78 = arith.constant 0 : i32
      %dma_start3A_79 = arith.constant 0 : i32
      %dma_start3A_80 = tpu.memref_slice %arg6[%dma_start3A_78, %dma_start3A_79] : memref<10240x128xf32, #tpu.memory_space<vmem_shared>> -> memref<10240x128xf32, #tpu.memory_space<vmem_shared>>
      tpu.enqueue_indirect_dma source(%arg9 : memref<64x128xf32, #tpu.memory_space<vmem>>) target(%dma_start3A_80 : memref<10240x128xf32, #tpu.memory_space<vmem_shared>>) offsets(%dma_start3A_77 : memref<64xi32, #tpu.memory_space<vmem>>) semaphore(%arg17 : memref<!tpu.dma_semaphore, #tpu.memory_space<semaphore_mem>>) {add = true}
      %dma_wait3A_81 = arith.constant 0 : i32
      %dma_wait3A_82 = arith.constant 0 : i32
      %dma_wait3A_83 = tpu.memref_slice %arg8[%dma_wait3A_81, %dma_wait3A_82] : memref<8x64xi32, #tpu.memory_space<vmem>> -> memref<1x64xi32, #tpu.memory_space<vmem>>
      %dma_wait3A_84 = tpu.memref_squeeze %dma_wait3A_83 : memref<1x64xi32, #tpu.memory_space<vmem>> -> memref<64xi32, #tpu.memory_space<vmem>>
      %dma_wait3A_85 = arith.constant 0 : i32
      %dma_wait3A_86 = arith.constant 0 : i32
      %dma_wait3A_87 = tpu.memref_slice %arg6[%dma_wait3A_85, %dma_wait3A_86] : memref<10240x128xf32, #tpu.memory_space<vmem_shared>> -> memref<10240x128xf32, #tpu.memory_space<vmem_shared>>
      tpu.wait_indirect_dma semaphore(%arg17 : memref<!tpu.dma_semaphore, #tpu.memory_space<semaphore_mem>>) src(%arg9 : memref<64x128xf32, #tpu.memory_space<vmem>>) dst(%dma_wait3A_87 : memref<10240x128xf32, #tpu.memory_space<vmem_shared>>)
      %dma_start3A_88 = arith.constant 4 : i32
      %dma_start3A_89 = arith.constant 0 : i32
      %dma_start3A_90 = tpu.memref_slice %arg7[%dma_start3A_88, %dma_start3A_89] : memref<8x64xi32, #tpu.memory_space<vmem>> -> memref<1x64xi32, #tpu.memory_space<vmem>>
      %dma_start3A_91 = tpu.memref_squeeze %dma_start3A_90 : memref<1x64xi32, #tpu.memory_space<vmem>> -> memref<64xi32, #tpu.memory_space<vmem>>
      %dma_start3A_92 = arith.constant 0 : i32
      %dma_start3A_93 = arith.constant 0 : i32
      %dma_start3A_94 = tpu.memref_slice %arg2[%dma_start3A_92, %dma_start3A_93] : memref<20480x128xf32, #tpu.memory_space<hbm>> -> memref<20480x128xf32, #tpu.memory_space<hbm>>
      tpu.enqueue_indirect_dma source(%dma_start3A_94 : memref<20480x128xf32, #tpu.memory_space<hbm>>) target(%arg9 : memref<64x128xf32, #tpu.memory_space<vmem>>) offsets(%dma_start3A_91 : memref<64xi32, #tpu.memory_space<vmem>>) semaphore(%arg13 : memref<!tpu.dma_semaphore, #tpu.memory_space<semaphore_mem>>)
      %dma_wait3A_95 = arith.constant 1 : i32
      %dma_wait3A_96 = arith.constant 0 : i32
      %dma_wait3A_97 = tpu.memref_slice %arg7[%dma_wait3A_95, %dma_wait3A_96] : memref<8x64xi32, #tpu.memory_space<vmem>> -> memref<1x64xi32, #tpu.memory_space<vmem>>
      %dma_wait3A_98 = tpu.memref_squeeze %dma_wait3A_97 : memref<1x64xi32, #tpu.memory_space<vmem>> -> memref<64xi32, #tpu.memory_space<vmem>>
      %dma_wait3A_99 = arith.constant 0 : i32
      %dma_wait3A_100 = arith.constant 0 : i32
      %dma_wait3A_101 = tpu.memref_slice %arg2[%dma_wait3A_99, %dma_wait3A_100] : memref<20480x128xf32, #tpu.memory_space<hbm>> -> memref<20480x128xf32, #tpu.memory_space<hbm>>
      tpu.wait_indirect_dma semaphore(%arg14 : memref<!tpu.dma_semaphore, #tpu.memory_space<semaphore_mem>>) src(%dma_wait3A_101 : memref<20480x128xf32, #tpu.memory_space<hbm>>) dst(%arg10 : memref<64x128xf32, #tpu.memory_space<vmem>>)
      %dma_start3A_102 = arith.constant 1 : i32
      %dma_start3A_103 = arith.constant 0 : i32
      %dma_start3A_104 = tpu.memref_slice %arg8[%dma_start3A_102, %dma_start3A_103] : memref<8x64xi32, #tpu.memory_space<vmem>> -> memref<1x64xi32, #tpu.memory_space<vmem>>
      %dma_start3A_105 = tpu.memref_squeeze %dma_start3A_104 : memref<1x64xi32, #tpu.memory_space<vmem>> -> memref<64xi32, #tpu.memory_space<vmem>>
      %dma_start3A_106 = arith.constant 0 : i32
      %dma_start3A_107 = arith.constant 0 : i32
      %dma_start3A_108 = tpu.memref_slice %arg6[%dma_start3A_106, %dma_start3A_107] : memref<10240x128xf32, #tpu.memory_space<vmem_shared>> -> memref<10240x128xf32, #tpu.memory_space<vmem_shared>>
      tpu.enqueue_indirect_dma source(%arg10 : memref<64x128xf32, #tpu.memory_space<vmem>>) target(%dma_start3A_108 : memref<10240x128xf32, #tpu.memory_space<vmem_shared>>) offsets(%dma_start3A_105 : memref<64xi32, #tpu.memory_space<vmem>>) semaphore(%arg18 : memref<!tpu.dma_semaphore, #tpu.memory_space<semaphore_mem>>) {add = true}
      %dma_wait3A_109 = arith.constant 1 : i32
      %dma_wait3A_110 = arith.constant 0 : i32
      %dma_wait3A_111 = tpu.memref_slice %arg8[%dma_wait3A_109, %dma_wait3A_110] : memref<8x64xi32, #tpu.memory_space<vmem>> -> memref<1x64xi32, #tpu.memory_space<vmem>>
      %dma_wait3A_112 = tpu.memref_squeeze %dma_wait3A_111 : memref<1x64xi32, #tpu.memory_space<vmem>> -> memref<64xi32, #tpu.memory_space<vmem>>
      %dma_wait3A_113 = arith.constant 0 : i32
      %dma_wait3A_114 = arith.constant 0 : i32
      %dma_wait3A_115 = tpu.memref_slice %arg6[%dma_wait3A_113, %dma_wait3A_114] : memref<10240x128xf32, #tpu.memory_space<vmem_shared>> -> memref<10240x128xf32, #tpu.memory_space<vmem_shared>>
      tpu.wait_indirect_dma semaphore(%arg18 : memref<!tpu.dma_semaphore, #tpu.memory_space<semaphore_mem>>) src(%arg10 : memref<64x128xf32, #tpu.memory_space<vmem>>) dst(%dma_wait3A_115 : memref<10240x128xf32, #tpu.memory_space<vmem_shared>>)
      %dma_start3A_116 = arith.constant 5 : i32
      %dma_start3A_117 = arith.constant 0 : i32
      %dma_start3A_118 = tpu.memref_slice %arg7[%dma_start3A_116, %dma_start3A_117] : memref<8x64xi32, #tpu.memory_space<vmem>> -> memref<1x64xi32, #tpu.memory_space<vmem>>
      %dma_start3A_119 = tpu.memref_squeeze %dma_start3A_118 : memref<1x64xi32, #tpu.memory_space<vmem>> -> memref<64xi32, #tpu.memory_space<vmem>>
      %dma_start3A_120 = arith.constant 0 : i32
      %dma_start3A_121 = arith.constant 0 : i32
      %dma_start3A_122 = tpu.memref_slice %arg2[%dma_start3A_120, %dma_start3A_121] : memref<20480x128xf32, #tpu.memory_space<hbm>> -> memref<20480x128xf32, #tpu.memory_space<hbm>>
      tpu.enqueue_indirect_dma source(%dma_start3A_122 : memref<20480x128xf32, #tpu.memory_space<hbm>>) target(%arg10 : memref<64x128xf32, #tpu.memory_space<vmem>>) offsets(%dma_start3A_119 : memref<64xi32, #tpu.memory_space<vmem>>) semaphore(%arg14 : memref<!tpu.dma_semaphore, #tpu.memory_space<semaphore_mem>>)
      %dma_wait3A_123 = arith.constant 2 : i32
      %dma_wait3A_124 = arith.constant 0 : i32
      %dma_wait3A_125 = tpu.memref_slice %arg7[%dma_wait3A_123, %dma_wait3A_124] : memref<8x64xi32, #tpu.memory_space<vmem>> -> memref<1x64xi32, #tpu.memory_space<vmem>>
      %dma_wait3A_126 = tpu.memref_squeeze %dma_wait3A_125 : memref<1x64xi32, #tpu.memory_space<vmem>> -> memref<64xi32, #tpu.memory_space<vmem>>
      %dma_wait3A_127 = arith.constant 0 : i32
      %dma_wait3A_128 = arith.constant 0 : i32
      %dma_wait3A_129 = tpu.memref_slice %arg2[%dma_wait3A_127, %dma_wait3A_128] : memref<20480x128xf32, #tpu.memory_space<hbm>> -> memref<20480x128xf32, #tpu.memory_space<hbm>>
      tpu.wait_indirect_dma semaphore(%arg15 : memref<!tpu.dma_semaphore, #tpu.memory_space<semaphore_mem>>) src(%dma_wait3A_129 : memref<20480x128xf32, #tpu.memory_space<hbm>>) dst(%arg11 : memref<64x128xf32, #tpu.memory_space<vmem>>)
      %dma_start3A_130 = arith.constant 2 : i32
      %dma_start3A_131 = arith.constant 0 : i32
      %dma_start3A_132 = tpu.memref_slice %arg8[%dma_start3A_130, %dma_start3A_131] : memref<8x64xi32, #tpu.memory_space<vmem>> -> memref<1x64xi32, #tpu.memory_space<vmem>>
      %dma_start3A_133 = tpu.memref_squeeze %dma_start3A_132 : memref<1x64xi32, #tpu.memory_space<vmem>> -> memref<64xi32, #tpu.memory_space<vmem>>
      %dma_start3A_134 = arith.constant 0 : i32
      %dma_start3A_135 = arith.constant 0 : i32
      %dma_start3A_136 = tpu.memref_slice %arg6[%dma_start3A_134, %dma_start3A_135] : memref<10240x128xf32, #tpu.memory_space<vmem_shared>> -> memref<10240x128xf32, #tpu.memory_space<vmem_shared>>
      tpu.enqueue_indirect_dma source(%arg11 : memref<64x128xf32, #tpu.memory_space<vmem>>) target(%dma_start3A_136 : memref<10240x128xf32, #tpu.memory_space<vmem_shared>>) offsets(%dma_start3A_133 : memref<64xi32, #tpu.memory_space<vmem>>) semaphore(%arg19 : memref<!tpu.dma_semaphore, #tpu.memory_space<semaphore_mem>>) {add = true}
      %dma_wait3A_137 = arith.constant 2 : i32
      %dma_wait3A_138 = arith.constant 0 : i32
      %dma_wait3A_139 = tpu.memref_slice %arg8[%dma_wait3A_137, %dma_wait3A_138] : memref<8x64xi32, #tpu.memory_space<vmem>> -> memref<1x64xi32, #tpu.memory_space<vmem>>
      %dma_wait3A_140 = tpu.memref_squeeze %dma_wait3A_139 : memref<1x64xi32, #tpu.memory_space<vmem>> -> memref<64xi32, #tpu.memory_space<vmem>>
      %dma_wait3A_141 = arith.constant 0 : i32
      %dma_wait3A_142 = arith.constant 0 : i32
      %dma_wait3A_143 = tpu.memref_slice %arg6[%dma_wait3A_141, %dma_wait3A_142] : memref<10240x128xf32, #tpu.memory_space<vmem_shared>> -> memref<10240x128xf32, #tpu.memory_space<vmem_shared>>
      tpu.wait_indirect_dma semaphore(%arg19 : memref<!tpu.dma_semaphore, #tpu.memory_space<semaphore_mem>>) src(%arg11 : memref<64x128xf32, #tpu.memory_space<vmem>>) dst(%dma_wait3A_143 : memref<10240x128xf32, #tpu.memory_space<vmem_shared>>)
      %dma_start3A_144 = arith.constant 6 : i32
      %dma_start3A_145 = arith.constant 0 : i32
      %dma_start3A_146 = tpu.memref_slice %arg7[%dma_start3A_144, %dma_start3A_145] : memref<8x64xi32, #tpu.memory_space<vmem>> -> memref<1x64xi32, #tpu.memory_space<vmem>>
      %dma_start3A_147 = tpu.memref_squeeze %dma_start3A_146 : memref<1x64xi32, #tpu.memory_space<vmem>> -> memref<64xi32, #tpu.memory_space<vmem>>
      %dma_start3A_148 = arith.constant 0 : i32
      %dma_start3A_149 = arith.constant 0 : i32
      %dma_start3A_150 = tpu.memref_slice %arg2[%dma_start3A_148, %dma_start3A_149] : memref<20480x128xf32, #tpu.memory_space<hbm>> -> memref<20480x128xf32, #tpu.memory_space<hbm>>
      tpu.enqueue_indirect_dma source(%dma_start3A_150 : memref<20480x128xf32, #tpu.memory_space<hbm>>) target(%arg11 : memref<64x128xf32, #tpu.memory_space<vmem>>) offsets(%dma_start3A_147 : memref<64xi32, #tpu.memory_space<vmem>>) semaphore(%arg15 : memref<!tpu.dma_semaphore, #tpu.memory_space<semaphore_mem>>)
      %dma_wait3A_151 = arith.constant 3 : i32
      %dma_wait3A_152 = arith.constant 0 : i32
      %dma_wait3A_153 = tpu.memref_slice %arg7[%dma_wait3A_151, %dma_wait3A_152] : memref<8x64xi32, #tpu.memory_space<vmem>> -> memref<1x64xi32, #tpu.memory_space<vmem>>
      %dma_wait3A_154 = tpu.memref_squeeze %dma_wait3A_153 : memref<1x64xi32, #tpu.memory_space<vmem>> -> memref<64xi32, #tpu.memory_space<vmem>>
      %dma_wait3A_155 = arith.constant 0 : i32
      %dma_wait3A_156 = arith.constant 0 : i32
      %dma_wait3A_157 = tpu.memref_slice %arg2[%dma_wait3A_155, %dma_wait3A_156] : memref<20480x128xf32, #tpu.memory_space<hbm>> -> memref<20480x128xf32, #tpu.memory_space<hbm>>
      tpu.wait_indirect_dma semaphore(%arg16 : memref<!tpu.dma_semaphore, #tpu.memory_space<semaphore_mem>>) src(%dma_wait3A_157 : memref<20480x128xf32, #tpu.memory_space<hbm>>) dst(%arg12 : memref<64x128xf32, #tpu.memory_space<vmem>>)
      %dma_start3A_158 = arith.constant 3 : i32
      %dma_start3A_159 = arith.constant 0 : i32
      %dma_start3A_160 = tpu.memref_slice %arg8[%dma_start3A_158, %dma_start3A_159] : memref<8x64xi32, #tpu.memory_space<vmem>> -> memref<1x64xi32, #tpu.memory_space<vmem>>
      %dma_start3A_161 = tpu.memref_squeeze %dma_start3A_160 : memref<1x64xi32, #tpu.memory_space<vmem>> -> memref<64xi32, #tpu.memory_space<vmem>>
      %dma_start3A_162 = arith.constant 0 : i32
      %dma_start3A_163 = arith.constant 0 : i32
      %dma_start3A_164 = tpu.memref_slice %arg6[%dma_start3A_162, %dma_start3A_163] : memref<10240x128xf32, #tpu.memory_space<vmem_shared>> -> memref<10240x128xf32, #tpu.memory_space<vmem_shared>>
      tpu.enqueue_indirect_dma source(%arg12 : memref<64x128xf32, #tpu.memory_space<vmem>>) target(%dma_start3A_164 : memref<10240x128xf32, #tpu.memory_space<vmem_shared>>) offsets(%dma_start3A_161 : memref<64xi32, #tpu.memory_space<vmem>>) semaphore(%arg20 : memref<!tpu.dma_semaphore, #tpu.memory_space<semaphore_mem>>) {add = true}
      %dma_wait3A_165 = arith.constant 3 : i32
      %dma_wait3A_166 = arith.constant 0 : i32
      %dma_wait3A_167 = tpu.memref_slice %arg8[%dma_wait3A_165, %dma_wait3A_166] : memref<8x64xi32, #tpu.memory_space<vmem>> -> memref<1x64xi32, #tpu.memory_space<vmem>>
      %dma_wait3A_168 = tpu.memref_squeeze %dma_wait3A_167 : memref<1x64xi32, #tpu.memory_space<vmem>> -> memref<64xi32, #tpu.memory_space<vmem>>
      %dma_wait3A_169 = arith.constant 0 : i32
      %dma_wait3A_170 = arith.constant 0 : i32
      %dma_wait3A_171 = tpu.memref_slice %arg6[%dma_wait3A_169, %dma_wait3A_170] : memref<10240x128xf32, #tpu.memory_space<vmem_shared>> -> memref<10240x128xf32, #tpu.memory_space<vmem_shared>>
      tpu.wait_indirect_dma semaphore(%arg20 : memref<!tpu.dma_semaphore, #tpu.memory_space<semaphore_mem>>) src(%arg12 : memref<64x128xf32, #tpu.memory_space<vmem>>) dst(%dma_wait3A_171 : memref<10240x128xf32, #tpu.memory_space<vmem_shared>>)
      %dma_start3A_172 = arith.constant 7 : i32
      %dma_start3A_173 = arith.constant 0 : i32
      %dma_start3A_174 = tpu.memref_slice %arg7[%dma_start3A_172, %dma_start3A_173] : memref<8x64xi32, #tpu.memory_space<vmem>> -> memref<1x64xi32, #tpu.memory_space<vmem>>
      %dma_start3A_175 = tpu.memref_squeeze %dma_start3A_174 : memref<1x64xi32, #tpu.memory_space<vmem>> -> memref<64xi32, #tpu.memory_space<vmem>>
      %dma_start3A_176 = arith.constant 0 : i32
      %dma_start3A_177 = arith.constant 0 : i32
      %dma_start3A_178 = tpu.memref_slice %arg2[%dma_start3A_176, %dma_start3A_177] : memref<20480x128xf32, #tpu.memory_space<hbm>> -> memref<20480x128xf32, #tpu.memory_space<hbm>>
      tpu.enqueue_indirect_dma source(%dma_start3A_178 : memref<20480x128xf32, #tpu.memory_space<hbm>>) target(%arg12 : memref<64x128xf32, #tpu.memory_space<vmem>>) offsets(%dma_start3A_175 : memref<64xi32, #tpu.memory_space<vmem>>) semaphore(%arg16 : memref<!tpu.dma_semaphore, #tpu.memory_space<semaphore_mem>>)
      %dma_wait3A_179 = arith.constant 4 : i32
      %dma_wait3A_180 = arith.constant 0 : i32
      %dma_wait3A_181 = tpu.memref_slice %arg7[%dma_wait3A_179, %dma_wait3A_180] : memref<8x64xi32, #tpu.memory_space<vmem>> -> memref<1x64xi32, #tpu.memory_space<vmem>>
      %dma_wait3A_182 = tpu.memref_squeeze %dma_wait3A_181 : memref<1x64xi32, #tpu.memory_space<vmem>> -> memref<64xi32, #tpu.memory_space<vmem>>
      %dma_wait3A_183 = arith.constant 0 : i32
      %dma_wait3A_184 = arith.constant 0 : i32
      %dma_wait3A_185 = tpu.memref_slice %arg2[%dma_wait3A_183, %dma_wait3A_184] : memref<20480x128xf32, #tpu.memory_space<hbm>> -> memref<20480x128xf32, #tpu.memory_space<hbm>>
      tpu.wait_indirect_dma semaphore(%arg13 : memref<!tpu.dma_semaphore, #tpu.memory_space<semaphore_mem>>) src(%dma_wait3A_185 : memref<20480x128xf32, #tpu.memory_space<hbm>>) dst(%arg9 : memref<64x128xf32, #tpu.memory_space<vmem>>)
      %dma_start3A_186 = arith.constant 4 : i32
      %dma_start3A_187 = arith.constant 0 : i32
      %dma_start3A_188 = tpu.memref_slice %arg8[%dma_start3A_186, %dma_start3A_187] : memref<8x64xi32, #tpu.memory_space<vmem>> -> memref<1x64xi32, #tpu.memory_space<vmem>>
      %dma_start3A_189 = tpu.memref_squeeze %dma_start3A_188 : memref<1x64xi32, #tpu.memory_space<vmem>> -> memref<64xi32, #tpu.memory_space<vmem>>
      %dma_start3A_190 = arith.constant 0 : i32
      %dma_start3A_191 = arith.constant 0 : i32
      %dma_start3A_192 = tpu.memref_slice %arg6[%dma_start3A_190, %dma_start3A_191] : memref<10240x128xf32, #tpu.memory_space<vmem_shared>> -> memref<10240x128xf32, #tpu.memory_space<vmem_shared>>
      tpu.enqueue_indirect_dma source(%arg9 : memref<64x128xf32, #tpu.memory_space<vmem>>) target(%dma_start3A_192 : memref<10240x128xf32, #tpu.memory_space<vmem_shared>>) offsets(%dma_start3A_189 : memref<64xi32, #tpu.memory_space<vmem>>) semaphore(%arg17 : memref<!tpu.dma_semaphore, #tpu.memory_space<semaphore_mem>>) {add = true}
      %dma_wait3A_193 = arith.constant 5 : i32
      %dma_wait3A_194 = arith.constant 0 : i32
      %dma_wait3A_195 = tpu.memref_slice %arg7[%dma_wait3A_193, %dma_wait3A_194] : memref<8x64xi32, #tpu.memory_space<vmem>> -> memref<1x64xi32, #tpu.memory_space<vmem>>
      %dma_wait3A_196 = tpu.memref_squeeze %dma_wait3A_195 : memref<1x64xi32, #tpu.memory_space<vmem>> -> memref<64xi32, #tpu.memory_space<vmem>>
      %dma_wait3A_197 = arith.constant 0 : i32
      %dma_wait3A_198 = arith.constant 0 : i32
      %dma_wait3A_199 = tpu.memref_slice %arg2[%dma_wait3A_197, %dma_wait3A_198] : memref<20480x128xf32, #tpu.memory_space<hbm>> -> memref<20480x128xf32, #tpu.memory_space<hbm>>
      tpu.wait_indirect_dma semaphore(%arg14 : memref<!tpu.dma_semaphore, #tpu.memory_space<semaphore_mem>>) src(%dma_wait3A_199 : memref<20480x128xf32, #tpu.memory_space<hbm>>) dst(%arg10 : memref<64x128xf32, #tpu.memory_space<vmem>>)
      %dma_start3A_200 = arith.constant 5 : i32
      %dma_start3A_201 = arith.constant 0 : i32
      %dma_start3A_202 = tpu.memref_slice %arg8[%dma_start3A_200, %dma_start3A_201] : memref<8x64xi32, #tpu.memory_space<vmem>> -> memref<1x64xi32, #tpu.memory_space<vmem>>
      %dma_start3A_203 = tpu.memref_squeeze %dma_start3A_202 : memref<1x64xi32, #tpu.memory_space<vmem>> -> memref<64xi32, #tpu.memory_space<vmem>>
      %dma_start3A_204 = arith.constant 0 : i32
      %dma_start3A_205 = arith.constant 0 : i32
      %dma_start3A_206 = tpu.memref_slice %arg6[%dma_start3A_204, %dma_start3A_205] : memref<10240x128xf32, #tpu.memory_space<vmem_shared>> -> memref<10240x128xf32, #tpu.memory_space<vmem_shared>>
      tpu.enqueue_indirect_dma source(%arg10 : memref<64x128xf32, #tpu.memory_space<vmem>>) target(%dma_start3A_206 : memref<10240x128xf32, #tpu.memory_space<vmem_shared>>) offsets(%dma_start3A_203 : memref<64xi32, #tpu.memory_space<vmem>>) semaphore(%arg18 : memref<!tpu.dma_semaphore, #tpu.memory_space<semaphore_mem>>) {add = true}
      %dma_wait3A_207 = arith.constant 6 : i32
      %dma_wait3A_208 = arith.constant 0 : i32
      %dma_wait3A_209 = tpu.memref_slice %arg7[%dma_wait3A_207, %dma_wait3A_208] : memref<8x64xi32, #tpu.memory_space<vmem>> -> memref<1x64xi32, #tpu.memory_space<vmem>>
      %dma_wait3A_210 = tpu.memref_squeeze %dma_wait3A_209 : memref<1x64xi32, #tpu.memory_space<vmem>> -> memref<64xi32, #tpu.memory_space<vmem>>
      %dma_wait3A_211 = arith.constant 0 : i32
      %dma_wait3A_212 = arith.constant 0 : i32
      %dma_wait3A_213 = tpu.memref_slice %arg2[%dma_wait3A_211, %dma_wait3A_212] : memref<20480x128xf32, #tpu.memory_space<hbm>> -> memref<20480x128xf32, #tpu.memory_space<hbm>>
      tpu.wait_indirect_dma semaphore(%arg15 : memref<!tpu.dma_semaphore, #tpu.memory_space<semaphore_mem>>) src(%dma_wait3A_213 : memref<20480x128xf32, #tpu.memory_space<hbm>>) dst(%arg11 : memref<64x128xf32, #tpu.memory_space<vmem>>)
      %dma_start3A_214 = arith.constant 6 : i32
      %dma_start3A_215 = arith.constant 0 : i32
      %dma_start3A_216 = tpu.memref_slice %arg8[%dma_start3A_214, %dma_start3A_215] : memref<8x64xi32, #tpu.memory_space<vmem>> -> memref<1x64xi32, #tpu.memory_space<vmem>>
      %dma_start3A_217 = tpu.memref_squeeze %dma_start3A_216 : memref<1x64xi32, #tpu.memory_space<vmem>> -> memref<64xi32, #tpu.memory_space<vmem>>
      %dma_start3A_218 = arith.constant 0 : i32
      %dma_start3A_219 = arith.constant 0 : i32
      %dma_start3A_220 = tpu.memref_slice %arg6[%dma_start3A_218, %dma_start3A_219] : memref<10240x128xf32, #tpu.memory_space<vmem_shared>> -> memref<10240x128xf32, #tpu.memory_space<vmem_shared>>
      tpu.enqueue_indirect_dma source(%arg11 : memref<64x128xf32, #tpu.memory_space<vmem>>) target(%dma_start3A_220 : memref<10240x128xf32, #tpu.memory_space<vmem_shared>>) offsets(%dma_start3A_217 : memref<64xi32, #tpu.memory_space<vmem>>) semaphore(%arg19 : memref<!tpu.dma_semaphore, #tpu.memory_space<semaphore_mem>>) {add = true}
      %dma_wait3A_221 = arith.constant 7 : i32
      %dma_wait3A_222 = arith.constant 0 : i32
      %dma_wait3A_223 = tpu.memref_slice %arg7[%dma_wait3A_221, %dma_wait3A_222] : memref<8x64xi32, #tpu.memory_space<vmem>> -> memref<1x64xi32, #tpu.memory_space<vmem>>
      %dma_wait3A_224 = tpu.memref_squeeze %dma_wait3A_223 : memref<1x64xi32, #tpu.memory_space<vmem>> -> memref<64xi32, #tpu.memory_space<vmem>>
      %dma_wait3A_225 = arith.constant 0 : i32
      %dma_wait3A_226 = arith.constant 0 : i32
      %dma_wait3A_227 = tpu.memref_slice %arg2[%dma_wait3A_225, %dma_wait3A_226] : memref<20480x128xf32, #tpu.memory_space<hbm>> -> memref<20480x128xf32, #tpu.memory_space<hbm>>
      tpu.wait_indirect_dma semaphore(%arg16 : memref<!tpu.dma_semaphore, #tpu.memory_space<semaphore_mem>>) src(%dma_wait3A_227 : memref<20480x128xf32, #tpu.memory_space<hbm>>) dst(%arg12 : memref<64x128xf32, #tpu.memory_space<vmem>>)
      %dma_start3A_228 = arith.constant 7 : i32
      %dma_start3A_229 = arith.constant 0 : i32
      %dma_start3A_230 = tpu.memref_slice %arg8[%dma_start3A_228, %dma_start3A_229] : memref<8x64xi32, #tpu.memory_space<vmem>> -> memref<1x64xi32, #tpu.memory_space<vmem>>
      %dma_start3A_231 = tpu.memref_squeeze %dma_start3A_230 : memref<1x64xi32, #tpu.memory_space<vmem>> -> memref<64xi32, #tpu.memory_space<vmem>>
      %dma_start3A_232 = arith.constant 0 : i32
      %dma_start3A_233 = arith.constant 0 : i32
      %dma_start3A_234 = tpu.memref_slice %arg6[%dma_start3A_232, %dma_start3A_233] : memref<10240x128xf32, #tpu.memory_space<vmem_shared>> -> memref<10240x128xf32, #tpu.memory_space<vmem_shared>>
      tpu.enqueue_indirect_dma source(%arg12 : memref<64x128xf32, #tpu.memory_space<vmem>>) target(%dma_start3A_234 : memref<10240x128xf32, #tpu.memory_space<vmem_shared>>) offsets(%dma_start3A_231 : memref<64xi32, #tpu.memory_space<vmem>>) semaphore(%arg20 : memref<!tpu.dma_semaphore, #tpu.memory_space<semaphore_mem>>) {add = true}
      %dma_wait3A_235 = arith.constant 4 : i32
      %dma_wait3A_236 = arith.constant 0 : i32
      %dma_wait3A_237 = tpu.memref_slice %arg8[%dma_wait3A_235, %dma_wait3A_236] : memref<8x64xi32, #tpu.memory_space<vmem>> -> memref<1x64xi32, #tpu.memory_space<vmem>>
      %dma_wait3A_238 = tpu.memref_squeeze %dma_wait3A_237 : memref<1x64xi32, #tpu.memory_space<vmem>> -> memref<64xi32, #tpu.memory_space<vmem>>
      %dma_wait3A_239 = arith.constant 0 : i32
      %dma_wait3A_240 = arith.constant 0 : i32
      %dma_wait3A_241 = tpu.memref_slice %arg6[%dma_wait3A_239, %dma_wait3A_240] : memref<10240x128xf32, #tpu.memory_space<vmem_shared>> -> memref<10240x128xf32, #tpu.memory_space<vmem_shared>>
      tpu.wait_indirect_dma semaphore(%arg17 : memref<!tpu.dma_semaphore, #tpu.memory_space<semaphore_mem>>) src(%arg9 : memref<64x128xf32, #tpu.memory_space<vmem>>) dst(%dma_wait3A_241 : memref<10240x128xf32, #tpu.memory_space<vmem_shared>>)
      %dma_wait3A_242 = arith.constant 5 : i32
      %dma_wait3A_243 = arith.constant 0 : i32
      %dma_wait3A_244 = tpu.memref_slice %arg8[%dma_wait3A_242, %dma_wait3A_243] : memref<8x64xi32, #tpu.memory_space<vmem>> -> memref<1x64xi32, #tpu.memory_space<vmem>>
      %dma_wait3A_245 = tpu.memref_squeeze %dma_wait3A_244 : memref<1x64xi32, #tpu.memory_space<vmem>> -> memref<64xi32, #tpu.memory_space<vmem>>
      %dma_wait3A_246 = arith.constant 0 : i32
      %dma_wait3A_247 = arith.constant 0 : i32
      %dma_wait3A_248 = tpu.memref_slice %arg6[%dma_wait3A_246, %dma_wait3A_247] : memref<10240x128xf32, #tpu.memory_space<vmem_shared>> -> memref<10240x128xf32, #tpu.memory_space<vmem_shared>>
      tpu.wait_indirect_dma semaphore(%arg18 : memref<!tpu.dma_semaphore, #tpu.memory_space<semaphore_mem>>) src(%arg10 : memref<64x128xf32, #tpu.memory_space<vmem>>) dst(%dma_wait3A_248 : memref<10240x128xf32, #tpu.memory_space<vmem_shared>>)
      %dma_wait3A_249 = arith.constant 6 : i32
      %dma_wait3A_250 = arith.constant 0 : i32
      %dma_wait3A_251 = tpu.memref_slice %arg8[%dma_wait3A_249, %dma_wait3A_250] : memref<8x64xi32, #tpu.memory_space<vmem>> -> memref<1x64xi32, #tpu.memory_space<vmem>>
      %dma_wait3A_252 = tpu.memref_squeeze %dma_wait3A_251 : memref<1x64xi32, #tpu.memory_space<vmem>> -> memref<64xi32, #tpu.memory_space<vmem>>
      %dma_wait3A_253 = arith.constant 0 : i32
      %dma_wait3A_254 = arith.constant 0 : i32
      %dma_wait3A_255 = tpu.memref_slice %arg6[%dma_wait3A_253, %dma_wait3A_254] : memref<10240x128xf32, #tpu.memory_space<vmem_shared>> -> memref<10240x128xf32, #tpu.memory_space<vmem_shared>>
      tpu.wait_indirect_dma semaphore(%arg19 : memref<!tpu.dma_semaphore, #tpu.memory_space<semaphore_mem>>) src(%arg11 : memref<64x128xf32, #tpu.memory_space<vmem>>) dst(%dma_wait3A_255 : memref<10240x128xf32, #tpu.memory_space<vmem_shared>>)
      %dma_wait3A_256 = arith.constant 7 : i32
      %dma_wait3A_257 = arith.constant 0 : i32
      %dma_wait3A_258 = tpu.memref_slice %arg8[%dma_wait3A_256, %dma_wait3A_257] : memref<8x64xi32, #tpu.memory_space<vmem>> -> memref<1x64xi32, #tpu.memory_space<vmem>>
      %dma_wait3A_259 = tpu.memref_squeeze %dma_wait3A_258 : memref<1x64xi32, #tpu.memory_space<vmem>> -> memref<64xi32, #tpu.memory_space<vmem>>
      %dma_wait3A_260 = arith.constant 0 : i32
      %dma_wait3A_261 = arith.constant 0 : i32
      %dma_wait3A_262 = tpu.memref_slice %arg6[%dma_wait3A_260, %dma_wait3A_261] : memref<10240x128xf32, #tpu.memory_space<vmem_shared>> -> memref<10240x128xf32, #tpu.memory_space<vmem_shared>>
      tpu.wait_indirect_dma semaphore(%arg20 : memref<!tpu.dma_semaphore, #tpu.memory_space<semaphore_mem>>) src(%arg12 : memref<64x128xf32, #tpu.memory_space<vmem>>) dst(%dma_wait3A_262 : memref<10240x128xf32, #tpu.memory_space<vmem_shared>>)
    }
    %scan3A_31 = arith.constant 20 : i32
    %barrier3A_32 = arith.constant 0 : index
    tpu.barrier barrier_id(%barrier3A_32)
    %mul3A_33 = arith.constant 10240 : i32
    %mul3A_34 = arith.muli %arg0, %mul3A_33 : i32
    %add3A_35 = arith.addi %mul3A_34, %mul3A_0 : i32
    "tpu.region"() ({
      %run_scoped3A = tpu.sem_alloc : memref<!tpu.dma_semaphore, #tpu.memory_space<semaphore_mem>>
      %dma_start3A = arith.constant 0 : i32
      %dma_start3A_36 = tpu.memref_slice %arg5[%add3A_35, %dma_start3A] : memref<20480x128xf32, #tpu.memory_space<hbm>> -> memref<640x128xf32, #tpu.memory_space<hbm>>
      %dma_start3A_37 = arith.constant 0 : i32
      %dma_start3A_38 = tpu.memref_slice %arg6[%mul3A_0, %dma_start3A_37] : memref<10240x128xf32, #tpu.memory_space<vmem_shared>> -> memref<640x128xf32, #tpu.memory_space<vmem_shared>>
      tpu.enqueue_dma source(%dma_start3A_38 : memref<640x128xf32, #tpu.memory_space<vmem_shared>>) target(%dma_start3A_36 : memref<640x128xf32, #tpu.memory_space<hbm>>) target_semaphore(%run_scoped3A : memref<!tpu.dma_semaphore, #tpu.memory_space<semaphore_mem>>)
      %dma_wait3A = arith.constant 0 : i32
      %dma_wait3A_39 = tpu.memref_slice %arg5[%add3A_35, %dma_wait3A] : memref<20480x128xf32, #tpu.memory_space<hbm>> -> memref<640x128xf32, #tpu.memory_space<hbm>>
      %dma_wait3A_40 = arith.constant 0 : i32
      %dma_wait3A_41 = tpu.memref_slice %arg6[%mul3A_0, %dma_wait3A_40] : memref<10240x128xf32, #tpu.memory_space<vmem_shared>> -> memref<640x128xf32, #tpu.memory_space<vmem_shared>>
      tpu.wait_dma2 semaphore(%run_scoped3A : memref<!tpu.dma_semaphore, #tpu.memory_space<semaphore_mem>>) src(%dma_wait3A_41 : memref<640x128xf32, #tpu.memory_space<vmem_shared>>) dst(%dma_wait3A_39 : memref<640x128xf32, #tpu.memory_space<hbm>>)
      tpu.yield
    }) : () -> ()
    return
  }
}

#map = affine_map<(d0, d1) -> (0, 0)>
#map1 = affine_map<(d0, d1) -> (0, 0, 0, 0)>
#map2 = affine_map<(d0, d1) -> (0, 0, 0)>
module attributes {stable_mosaic.version = 14 : i64} {
  func.func @_sc_aggregate_body(%arg0: i32, %arg1: i32, %arg2: memref<20480x128xf32, #tpu.memory_space<hbm>>, %arg3: memref<2x16x160x64xi32, #tpu.memory_space<hbm>>, %arg4: memref<16x160x64xi32, #tpu.memory_space<hbm>>, %arg5: memref<20480x128xf32, #tpu.memory_space<hbm>>, %arg6: memref<10240x128xf32, #tpu.memory_space<vmem_shared>>, %arg7: memref<8x64xi32, #tpu.memory_space<vmem>>, %arg8: memref<8x64xi32, #tpu.memory_space<vmem>>, %arg9: memref<64x128xf32, #tpu.memory_space<vmem>>, %arg10: memref<64x128xf32, #tpu.memory_space<vmem>>, %arg11: memref<64x128xf32, #tpu.memory_space<vmem>>, %arg12: memref<64x128xf32, #tpu.memory_space<vmem>>, %arg13: memref<!tpu.dma_semaphore, #tpu.memory_space<semaphore_mem>>, %arg14: memref<!tpu.dma_semaphore, #tpu.memory_space<semaphore_mem>>, %arg15: memref<!tpu.dma_semaphore, #tpu.memory_space<semaphore_mem>>, %arg16: memref<!tpu.dma_semaphore, #tpu.memory_space<semaphore_mem>>, %arg17: memref<!tpu.dma_semaphore, #tpu.memory_space<semaphore_mem>>, %arg18: memref<!tpu.dma_semaphore, #tpu.memory_space<semaphore_mem>>, %arg19: memref<!tpu.dma_semaphore, #tpu.memory_space<semaphore_mem>>, %arg20: memref<!tpu.dma_semaphore, #tpu.memory_space<semaphore_mem>>) attributes {dimension_semantics = [#tpu.dimension_semantics<core_parallel>, #tpu.dimension_semantics<subcore_parallel>], iteration_bounds = array<i64: 2, 16>, scalar_prefetch = 0 : i64, scratch_operands = 15 : i64, tpu.core_type = #tpu.core_type<sc_vector_subcore>, window_params = [{transform_indices = #map}, {transform_indices = #map1}, {transform_indices = #map2}, {transform_indices = #map}]} {
    %mul3A = arith.constant 640 : i32
    %mul3A_0 = arith.muli %arg1, %mul3A : i32
    %broadcast_in_dim3A = arith.constant 0.000000e+00 : f32
    %broadcast_in_dim3A_1 = vector.broadcast %broadcast_in_dim3A : f32 to vector<16xf32>
    %scan3A = arith.constant 0 : i32
    %scan3A_2 = arith.constant 0 : i32
    %scan3A_3 = arith.constant 64 : i32
    %scan3A_4 = arith.addi %scan3A_2, %scan3A_3 : i32
    %scan3A_5 = arith.constant 1 : i32
    scf.for %scan3A_36 = %scan3A_2 to %scan3A_4 step %scan3A_5  : i32 {
      %swap3A = arith.index_cast %scan3A_36 : i32 to index
      %swap3A_37 = arith.constant 0 : index
      %swap3A_38 = tpu.vector_load %arg9[%swap3A, %swap3A_37] {strides = array<i32>} : memref<64x128xf32, #tpu.memory_space<vmem>>, vector<1x16xf32>,
      %swap3A_39 = vector.shape_cast %swap3A_38 : vector<1x16xf32> to vector<16xf32>
      %swap3A_40 = vector.shape_cast %broadcast_in_dim3A_1 : vector<16xf32> to vector<1x16xf32>
      tpu.vector_store %arg9[%swap3A, %swap3A_37], %swap3A_40 {strides = array<i32>} : memref<64x128xf32, #tpu.memory_space<vmem>>, vector<1x16xf32>,
      %swap3A_41 = arith.index_cast %scan3A_36 : i32 to index
      %swap3A_42 = arith.constant 16 : index
      %swap3A_43 = tpu.vector_load %arg9[%swap3A_41, %swap3A_42] {strides = array<i32>} : memref<64x128xf32, #tpu.memory_space<vmem>>, vector<1x16xf32>,
      %swap3A_44 = vector.shape_cast %swap3A_43 : vector<1x16xf32> to vector<16xf32>
      %swap3A_45 = vector.shape_cast %broadcast_in_dim3A_1 : vector<16xf32> to vector<1x16xf32>
      tpu.vector_store %arg9[%swap3A_41, %swap3A_42], %swap3A_45 {strides = array<i32>} : memref<64x128xf32, #tpu.memory_space<vmem>>, vector<1x16xf32>,
      %swap3A_46 = arith.index_cast %scan3A_36 : i32 to index
      %swap3A_47 = arith.constant 32 : index
      %swap3A_48 = tpu.vector_load %arg9[%swap3A_46, %swap3A_47] {strides = array<i32>} : memref<64x128xf32, #tpu.memory_space<vmem>>, vector<1x16xf32>,
      %swap3A_49 = vector.shape_cast %swap3A_48 : vector<1x16xf32> to vector<16xf32>
      %swap3A_50 = vector.shape_cast %broadcast_in_dim3A_1 : vector<16xf32> to vector<1x16xf32>
      tpu.vector_store %arg9[%swap3A_46, %swap3A_47], %swap3A_50 {strides = array<i32>} : memref<64x128xf32, #tpu.memory_space<vmem>>, vector<1x16xf32>,
      %swap3A_51 = arith.index_cast %scan3A_36 : i32 to index
      %swap3A_52 = arith.constant 48 : index
      %swap3A_53 = tpu.vector_load %arg9[%swap3A_51, %swap3A_52] {strides = array<i32>} : memref<64x128xf32, #tpu.memory_space<vmem>>, vector<1x16xf32>,
      %swap3A_54 = vector.shape_cast %swap3A_53 : vector<1x16xf32> to vector<16xf32>
      %swap3A_55 = vector.shape_cast %broadcast_in_dim3A_1 : vector<16xf32> to vector<1x16xf32>
      tpu.vector_store %arg9[%swap3A_51, %swap3A_52], %swap3A_55 {strides = array<i32>} : memref<64x128xf32, #tpu.memory_space<vmem>>, vector<1x16xf32>,
      %swap3A_56 = arith.index_cast %scan3A_36 : i32 to index
      %swap3A_57 = arith.constant 64 : index
      %swap3A_58 = tpu.vector_load %arg9[%swap3A_56, %swap3A_57] {strides = array<i32>} : memref<64x128xf32, #tpu.memory_space<vmem>>, vector<1x16xf32>,
      %swap3A_59 = vector.shape_cast %swap3A_58 : vector<1x16xf32> to vector<16xf32>
      %swap3A_60 = vector.shape_cast %broadcast_in_dim3A_1 : vector<16xf32> to vector<1x16xf32>
      tpu.vector_store %arg9[%swap3A_56, %swap3A_57], %swap3A_60 {strides = array<i32>} : memref<64x128xf32, #tpu.memory_space<vmem>>, vector<1x16xf32>,
      %swap3A_61 = arith.index_cast %scan3A_36 : i32 to index
      %swap3A_62 = arith.constant 80 : index
      %swap3A_63 = tpu.vector_load %arg9[%swap3A_61, %swap3A_62] {strides = array<i32>} : memref<64x128xf32, #tpu.memory_space<vmem>>, vector<1x16xf32>,
      %swap3A_64 = vector.shape_cast %swap3A_63 : vector<1x16xf32> to vector<16xf32>
      %swap3A_65 = vector.shape_cast %broadcast_in_dim3A_1 : vector<16xf32> to vector<1x16xf32>
      tpu.vector_store %arg9[%swap3A_61, %swap3A_62], %swap3A_65 {strides = array<i32>} : memref<64x128xf32, #tpu.memory_space<vmem>>, vector<1x16xf32>,
      %swap3A_66 = arith.index_cast %scan3A_36 : i32 to index
      %swap3A_67 = arith.constant 96 : index
      %swap3A_68 = tpu.vector_load %arg9[%swap3A_66, %swap3A_67] {strides = array<i32>} : memref<64x128xf32, #tpu.memory_space<vmem>>, vector<1x16xf32>,
      %swap3A_69 = vector.shape_cast %swap3A_68 : vector<1x16xf32> to vector<16xf32>
      %swap3A_70 = vector.shape_cast %broadcast_in_dim3A_1 : vector<16xf32> to vector<1x16xf32>
      tpu.vector_store %arg9[%swap3A_66, %swap3A_67], %swap3A_70 {strides = array<i32>} : memref<64x128xf32, #tpu.memory_space<vmem>>, vector<1x16xf32>,
      %swap3A_71 = arith.index_cast %scan3A_36 : i32 to index
      %swap3A_72 = arith.constant 112 : index
      %swap3A_73 = tpu.vector_load %arg9[%swap3A_71, %swap3A_72] {strides = array<i32>} : memref<64x128xf32, #tpu.memory_space<vmem>>, vector<1x16xf32>,
      %swap3A_74 = vector.shape_cast %swap3A_73 : vector<1x16xf32> to vector<16xf32>
      %swap3A_75 = vector.shape_cast %broadcast_in_dim3A_1 : vector<16xf32> to vector<1x16xf32>
      tpu.vector_store %arg9[%swap3A_71, %swap3A_72], %swap3A_75 {strides = array<i32>} : memref<64x128xf32, #tpu.memory_space<vmem>>, vector<1x16xf32>,
    }
    %scan3A_6 = arith.constant 64 : i32
    %add3A = arith.constant 0 : i32
    %add3A_7 = arith.addi %mul3A_0, %add3A : i32
    "tpu.region"() ({
      %run_scoped3A = tpu.sem_alloc : memref<!tpu.dma_semaphore, #tpu.memory_space<semaphore_mem>>
      %dma_start3A = arith.constant 0 : i32
      %dma_start3A_36 = tpu.memref_slice %arg6[%add3A_7, %dma_start3A] : memref<10240x128xf32, #tpu.memory_space<vmem_shared>> -> memref<64x128xf32, #tpu.memory_space<vmem_shared>>
      %dma_start3A_37 = arith.constant 0 : i32
      %dma_start3A_38 = tpu.memref_slice %arg6[%add3A_7, %dma_start3A_37] : memref<10240x128xf32, #tpu.memory_space<vmem_shared>> -> memref<64x128xf32, #tpu.memory_space<vmem_shared>>
      tpu.enqueue_dma source(%arg9 : memref<64x128xf32, #tpu.memory_space<vmem>>) target(%dma_start3A_38 : memref<64x128xf32, #tpu.memory_space<vmem_shared>>) target_semaphore(%run_scoped3A : memref<!tpu.dma_semaphore, #tpu.memory_space<semaphore_mem>>)
      %dma_wait3A = arith.constant 0 : i32
      %dma_wait3A_39 = tpu.memref_slice %arg6[%add3A_7, %dma_wait3A] : memref<10240x128xf32, #tpu.memory_space<vmem_shared>> -> memref<64x128xf32, #tpu.memory_space<vmem_shared>>
      %dma_wait3A_40 = arith.constant 0 : i32
      %dma_wait3A_41 = tpu.memref_slice %arg6[%add3A_7, %dma_wait3A_40] : memref<10240x128xf32, #tpu.memory_space<vmem_shared>> -> memref<64x128xf32, #tpu.memory_space<vmem_shared>>
      tpu.wait_dma2 semaphore(%run_scoped3A : memref<!tpu.dma_semaphore, #tpu.memory_space<semaphore_mem>>) src(%arg9 : memref<64x128xf32, #tpu.memory_space<vmem>>) dst(%dma_wait3A_41 : memref<64x128xf32, #tpu.memory_space<vmem_shared>>)
      tpu.yield
    }) : () -> ()
    %add3A_8 = arith.constant 64 : i32
    %add3A_9 = arith.addi %mul3A_0, %add3A_8 : i32
    "tpu.region"() ({
      %run_scoped3A = tpu.sem_alloc : memref<!tpu.dma_semaphore, #tpu.memory_space<semaphore_mem>>
      %dma_start3A = arith.constant 0 : i32
      %dma_start3A_36 = tpu.memref_slice %arg6[%add3A_9, %dma_start3A] : memref<10240x128xf32, #tpu.memory_space<vmem_shared>> -> memref<64x128xf32, #tpu.memory_space<vmem_shared>>
      %dma_start3A_37 = arith.constant 0 : i32
      %dma_start3A_38 = tpu.memref_slice %arg6[%add3A_9, %dma_start3A_37] : memref<10240x128xf32, #tpu.memory_space<vmem_shared>> -> memref<64x128xf32, #tpu.memory_space<vmem_shared>>
      tpu.enqueue_dma source(%arg9 : memref<64x128xf32, #tpu.memory_space<vmem>>) target(%dma_start3A_38 : memref<64x128xf32, #tpu.memory_space<vmem_shared>>) target_semaphore(%run_scoped3A : memref<!tpu.dma_semaphore, #tpu.memory_space<semaphore_mem>>)
      %dma_wait3A = arith.constant 0 : i32
      %dma_wait3A_39 = tpu.memref_slice %arg6[%add3A_9, %dma_wait3A] : memref<10240x128xf32, #tpu.memory_space<vmem_shared>> -> memref<64x128xf32, #tpu.memory_space<vmem_shared>>
      %dma_wait3A_40 = arith.constant 0 : i32
      %dma_wait3A_41 = tpu.memref_slice %arg6[%add3A_9, %dma_wait3A_40] : memref<10240x128xf32, #tpu.memory_space<vmem_shared>> -> memref<64x128xf32, #tpu.memory_space<vmem_shared>>
      tpu.wait_dma2 semaphore(%run_scoped3A : memref<!tpu.dma_semaphore, #tpu.memory_space<semaphore_mem>>) src(%arg9 : memref<64x128xf32, #tpu.memory_space<vmem>>) dst(%dma_wait3A_41 : memref<64x128xf32, #tpu.memory_space<vmem_shared>>)
      tpu.yield
    }) : () -> ()
    %add3A_10 = arith.constant 128 : i32
    %add3A_11 = arith.addi %mul3A_0, %add3A_10 : i32
    "tpu.region"() ({
      %run_scoped3A = tpu.sem_alloc : memref<!tpu.dma_semaphore, #tpu.memory_space<semaphore_mem>>
      %dma_start3A = arith.constant 0 : i32
      %dma_start3A_36 = tpu.memref_slice %arg6[%add3A_11, %dma_start3A] : memref<10240x128xf32, #tpu.memory_space<vmem_shared>> -> memref<64x128xf32, #tpu.memory_space<vmem_shared>>
      %dma_start3A_37 = arith.constant 0 : i32
      %dma_start3A_38 = tpu.memref_slice %arg6[%add3A_11, %dma_start3A_37] : memref<10240x128xf32, #tpu.memory_space<vmem_shared>> -> memref<64x128xf32, #tpu.memory_space<vmem_shared>>
      tpu.enqueue_dma source(%arg9 : memref<64x128xf32, #tpu.memory_space<vmem>>) target(%dma_start3A_38 : memref<64x128xf32, #tpu.memory_space<vmem_shared>>) target_semaphore(%run_scoped3A : memref<!tpu.dma_semaphore, #tpu.memory_space<semaphore_mem>>)
      %dma_wait3A = arith.constant 0 : i32
      %dma_wait3A_39 = tpu.memref_slice %arg6[%add3A_11, %dma_wait3A] : memref<10240x128xf32, #tpu.memory_space<vmem_shared>> -> memref<64x128xf32, #tpu.memory_space<vmem_shared>>
      %dma_wait3A_40 = arith.constant 0 : i32
      %dma_wait3A_41 = tpu.memref_slice %arg6[%add3A_11, %dma_wait3A_40] : memref<10240x128xf32, #tpu.memory_space<vmem_shared>> -> memref<64x128xf32, #tpu.memory_space<vmem_shared>>
      tpu.wait_dma2 semaphore(%run_scoped3A : memref<!tpu.dma_semaphore, #tpu.memory_space<semaphore_mem>>) src(%arg9 : memref<64x128xf32, #tpu.memory_space<vmem>>) dst(%dma_wait3A_41 : memref<64x128xf32, #tpu.memory_space<vmem_shared>>)
      tpu.yield
    }) : () -> ()
    %add3A_12 = arith.constant 192 : i32
    %add3A_13 = arith.addi %mul3A_0, %add3A_12 : i32
    "tpu.region"() ({
      %run_scoped3A = tpu.sem_alloc : memref<!tpu.dma_semaphore, #tpu.memory_space<semaphore_mem>>
      %dma_start3A = arith.constant 0 : i32
      %dma_start3A_36 = tpu.memref_slice %arg6[%add3A_13, %dma_start3A] : memref<10240x128xf32, #tpu.memory_space<vmem_shared>> -> memref<64x128xf32, #tpu.memory_space<vmem_shared>>
      %dma_start3A_37 = arith.constant 0 : i32
      %dma_start3A_38 = tpu.memref_slice %arg6[%add3A_13, %dma_start3A_37] : memref<10240x128xf32, #tpu.memory_space<vmem_shared>> -> memref<64x128xf32, #tpu.memory_space<vmem_shared>>
      tpu.enqueue_dma source(%arg9 : memref<64x128xf32, #tpu.memory_space<vmem>>) target(%dma_start3A_38 : memref<64x128xf32, #tpu.memory_space<vmem_shared>>) target_semaphore(%run_scoped3A : memref<!tpu.dma_semaphore, #tpu.memory_space<semaphore_mem>>)
      %dma_wait3A = arith.constant 0 : i32
      %dma_wait3A_39 = tpu.memref_slice %arg6[%add3A_13, %dma_wait3A] : memref<10240x128xf32, #tpu.memory_space<vmem_shared>> -> memref<64x128xf32, #tpu.memory_space<vmem_shared>>
      %dma_wait3A_40 = arith.constant 0 : i32
      %dma_wait3A_41 = tpu.memref_slice %arg6[%add3A_13, %dma_wait3A_40] : memref<10240x128xf32, #tpu.memory_space<vmem_shared>> -> memref<64x128xf32, #tpu.memory_space<vmem_shared>>
      tpu.wait_dma2 semaphore(%run_scoped3A : memref<!tpu.dma_semaphore, #tpu.memory_space<semaphore_mem>>) src(%arg9 : memref<64x128xf32, #tpu.memory_space<vmem>>) dst(%dma_wait3A_41 : memref<64x128xf32, #tpu.memory_space<vmem_shared>>)
      tpu.yield
    }) : () -> ()
    %add3A_14 = arith.constant 256 : i32
    %add3A_15 = arith.addi %mul3A_0, %add3A_14 : i32
    "tpu.region"() ({
      %run_scoped3A = tpu.sem_alloc : memref<!tpu.dma_semaphore, #tpu.memory_space<semaphore_mem>>
      %dma_start3A = arith.constant 0 : i32
      %dma_start3A_36 = tpu.memref_slice %arg6[%add3A_15, %dma_start3A] : memref<10240x128xf32, #tpu.memory_space<vmem_shared>> -> memref<64x128xf32, #tpu.memory_space<vmem_shared>>
      %dma_start3A_37 = arith.constant 0 : i32
      %dma_start3A_38 = tpu.memref_slice %arg6[%add3A_15, %dma_start3A_37] : memref<10240x128xf32, #tpu.memory_space<vmem_shared>> -> memref<64x128xf32, #tpu.memory_space<vmem_shared>>
      tpu.enqueue_dma source(%arg9 : memref<64x128xf32, #tpu.memory_space<vmem>>) target(%dma_start3A_38 : memref<64x128xf32, #tpu.memory_space<vmem_shared>>) target_semaphore(%run_scoped3A : memref<!tpu.dma_semaphore, #tpu.memory_space<semaphore_mem>>)
      %dma_wait3A = arith.constant 0 : i32
      %dma_wait3A_39 = tpu.memref_slice %arg6[%add3A_15, %dma_wait3A] : memref<10240x128xf32, #tpu.memory_space<vmem_shared>> -> memref<64x128xf32, #tpu.memory_space<vmem_shared>>
      %dma_wait3A_40 = arith.constant 0 : i32
      %dma_wait3A_41 = tpu.memref_slice %arg6[%add3A_15, %dma_wait3A_40] : memref<10240x128xf32, #tpu.memory_space<vmem_shared>> -> memref<64x128xf32, #tpu.memory_space<vmem_shared>>
      tpu.wait_dma2 semaphore(%run_scoped3A : memref<!tpu.dma_semaphore, #tpu.memory_space<semaphore_mem>>) src(%arg9 : memref<64x128xf32, #tpu.memory_space<vmem>>) dst(%dma_wait3A_41 : memref<64x128xf32, #tpu.memory_space<vmem_shared>>)
      tpu.yield
    }) : () -> ()
    %add3A_16 = arith.constant 320 : i32
    %add3A_17 = arith.addi %mul3A_0, %add3A_16 : i32
    "tpu.region"() ({
      %run_scoped3A = tpu.sem_alloc : memref<!tpu.dma_semaphore, #tpu.memory_space<semaphore_mem>>
      %dma_start3A = arith.constant 0 : i32
      %dma_start3A_36 = tpu.memref_slice %arg6[%add3A_17, %dma_start3A] : memref<10240x128xf32, #tpu.memory_space<vmem_shared>> -> memref<64x128xf32, #tpu.memory_space<vmem_shared>>
      %dma_start3A_37 = arith.constant 0 : i32
      %dma_start3A_38 = tpu.memref_slice %arg6[%add3A_17, %dma_start3A_37] : memref<10240x128xf32, #tpu.memory_space<vmem_shared>> -> memref<64x128xf32, #tpu.memory_space<vmem_shared>>
      tpu.enqueue_dma source(%arg9 : memref<64x128xf32, #tpu.memory_space<vmem>>) target(%dma_start3A_38 : memref<64x128xf32, #tpu.memory_space<vmem_shared>>) target_semaphore(%run_scoped3A : memref<!tpu.dma_semaphore, #tpu.memory_space<semaphore_mem>>)
      %dma_wait3A = arith.constant 0 : i32
      %dma_wait3A_39 = tpu.memref_slice %arg6[%add3A_17, %dma_wait3A] : memref<10240x128xf32, #tpu.memory_space<vmem_shared>> -> memref<64x128xf32, #tpu.memory_space<vmem_shared>>
      %dma_wait3A_40 = arith.constant 0 : i32
      %dma_wait3A_41 = tpu.memref_slice %arg6[%add3A_17, %dma_wait3A_40] : memref<10240x128xf32, #tpu.memory_space<vmem_shared>> -> memref<64x128xf32, #tpu.memory_space<vmem_shared>>
      tpu.wait_dma2 semaphore(%run_scoped3A : memref<!tpu.dma_semaphore, #tpu.memory_space<semaphore_mem>>) src(%arg9 : memref<64x128xf32, #tpu.memory_space<vmem>>) dst(%dma_wait3A_41 : memref<64x128xf32, #tpu.memory_space<vmem_shared>>)
      tpu.yield
    }) : () -> ()
    %add3A_18 = arith.constant 384 : i32
    %add3A_19 = arith.addi %mul3A_0, %add3A_18 : i32
    "tpu.region"() ({
      %run_scoped3A = tpu.sem_alloc : memref<!tpu.dma_semaphore, #tpu.memory_space<semaphore_mem>>
      %dma_start3A = arith.constant 0 : i32
      %dma_start3A_36 = tpu.memref_slice %arg6[%add3A_19, %dma_start3A] : memref<10240x128xf32, #tpu.memory_space<vmem_shared>> -> memref<64x128xf32, #tpu.memory_space<vmem_shared>>
      %dma_start3A_37 = arith.constant 0 : i32
      %dma_start3A_38 = tpu.memref_slice %arg6[%add3A_19, %dma_start3A_37] : memref<10240x128xf32, #tpu.memory_space<vmem_shared>> -> memref<64x128xf32, #tpu.memory_space<vmem_shared>>
      tpu.enqueue_dma source(%arg9 : memref<64x128xf32, #tpu.memory_space<vmem>>) target(%dma_start3A_38 : memref<64x128xf32, #tpu.memory_space<vmem_shared>>) target_semaphore(%run_scoped3A : memref<!tpu.dma_semaphore, #tpu.memory_space<semaphore_mem>>)
      %dma_wait3A = arith.constant 0 : i32
      %dma_wait3A_39 = tpu.memref_slice %arg6[%add3A_19, %dma_wait3A] : memref<10240x128xf32, #tpu.memory_space<vmem_shared>> -> memref<64x128xf32, #tpu.memory_space<vmem_shared>>
      %dma_wait3A_40 = arith.constant 0 : i32
      %dma_wait3A_41 = tpu.memref_slice %arg6[%add3A_19, %dma_wait3A_40] : memref<10240x128xf32, #tpu.memory_space<vmem_shared>> -> memref<64x128xf32, #tpu.memory_space<vmem_shared>>
      tpu.wait_dma2 semaphore(%run_scoped3A : memref<!tpu.dma_semaphore, #tpu.memory_space<semaphore_mem>>) src(%arg9 : memref<64x128xf32, #tpu.memory_space<vmem>>) dst(%dma_wait3A_41 : memref<64x128xf32, #tpu.memory_space<vmem_shared>>)
      tpu.yield
    }) : () -> ()
    %add3A_20 = arith.constant 448 : i32
    %add3A_21 = arith.addi %mul3A_0, %add3A_20 : i32
    "tpu.region"() ({
      %run_scoped3A = tpu.sem_alloc : memref<!tpu.dma_semaphore, #tpu.memory_space<semaphore_mem>>
      %dma_start3A = arith.constant 0 : i32
      %dma_start3A_36 = tpu.memref_slice %arg6[%add3A_21, %dma_start3A] : memref<10240x128xf32, #tpu.memory_space<vmem_shared>> -> memref<64x128xf32, #tpu.memory_space<vmem_shared>>
      %dma_start3A_37 = arith.constant 0 : i32
      %dma_start3A_38 = tpu.memref_slice %arg6[%add3A_21, %dma_start3A_37] : memref<10240x128xf32, #tpu.memory_space<vmem_shared>> -> memref<64x128xf32, #tpu.memory_space<vmem_shared>>
      tpu.enqueue_dma source(%arg9 : memref<64x128xf32, #tpu.memory_space<vmem>>) target(%dma_start3A_38 : memref<64x128xf32, #tpu.memory_space<vmem_shared>>) target_semaphore(%run_scoped3A : memref<!tpu.dma_semaphore, #tpu.memory_space<semaphore_mem>>)
      %dma_wait3A = arith.constant 0 : i32
      %dma_wait3A_39 = tpu.memref_slice %arg6[%add3A_21, %dma_wait3A] : memref<10240x128xf32, #tpu.memory_space<vmem_shared>> -> memref<64x128xf32, #tpu.memory_space<vmem_shared>>
      %dma_wait3A_40 = arith.constant 0 : i32
      %dma_wait3A_41 = tpu.memref_slice %arg6[%add3A_21, %dma_wait3A_40] : memref<10240x128xf32, #tpu.memory_space<vmem_shared>> -> memref<64x128xf32, #tpu.memory_space<vmem_shared>>
      tpu.wait_dma2 semaphore(%run_scoped3A : memref<!tpu.dma_semaphore, #tpu.memory_space<semaphore_mem>>) src(%arg9 : memref<64x128xf32, #tpu.memory_space<vmem>>) dst(%dma_wait3A_41 : memref<64x128xf32, #tpu.memory_space<vmem_shared>>)
      tpu.yield
    }) : () -> ()
    %add3A_22 = arith.constant 512 : i32
    %add3A_23 = arith.addi %mul3A_0, %add3A_22 : i32
    "tpu.region"() ({
      %run_scoped3A = tpu.sem_alloc : memref<!tpu.dma_semaphore, #tpu.memory_space<semaphore_mem>>
      %dma_start3A = arith.constant 0 : i32
      %dma_start3A_36 = tpu.memref_slice %arg6[%add3A_23, %dma_start3A] : memref<10240x128xf32, #tpu.memory_space<vmem_shared>> -> memref<64x128xf32, #tpu.memory_space<vmem_shared>>
      %dma_start3A_37 = arith.constant 0 : i32
      %dma_start3A_38 = tpu.memref_slice %arg6[%add3A_23, %dma_start3A_37] : memref<10240x128xf32, #tpu.memory_space<vmem_shared>> -> memref<64x128xf32, #tpu.memory_space<vmem_shared>>
      tpu.enqueue_dma source(%arg9 : memref<64x128xf32, #tpu.memory_space<vmem>>) target(%dma_start3A_38 : memref<64x128xf32, #tpu.memory_space<vmem_shared>>) target_semaphore(%run_scoped3A : memref<!tpu.dma_semaphore, #tpu.memory_space<semaphore_mem>>)
      %dma_wait3A = arith.constant 0 : i32
      %dma_wait3A_39 = tpu.memref_slice %arg6[%add3A_23, %dma_wait3A] : memref<10240x128xf32, #tpu.memory_space<vmem_shared>> -> memref<64x128xf32, #tpu.memory_space<vmem_shared>>
      %dma_wait3A_40 = arith.constant 0 : i32
      %dma_wait3A_41 = tpu.memref_slice %arg6[%add3A_23, %dma_wait3A_40] : memref<10240x128xf32, #tpu.memory_space<vmem_shared>> -> memref<64x128xf32, #tpu.memory_space<vmem_shared>>
      tpu.wait_dma2 semaphore(%run_scoped3A : memref<!tpu.dma_semaphore, #tpu.memory_space<semaphore_mem>>) src(%arg9 : memref<64x128xf32, #tpu.memory_space<vmem>>) dst(%dma_wait3A_41 : memref<64x128xf32, #tpu.memory_space<vmem_shared>>)
      tpu.yield
    }) : () -> ()
    %add3A_24 = arith.constant 576 : i32
    %add3A_25 = arith.addi %mul3A_0, %add3A_24 : i32
    "tpu.region"() ({
      %run_scoped3A = tpu.sem_alloc : memref<!tpu.dma_semaphore, #tpu.memory_space<semaphore_mem>>
      %dma_start3A = arith.constant 0 : i32
      %dma_start3A_36 = tpu.memref_slice %arg6[%add3A_25, %dma_start3A] : memref<10240x128xf32, #tpu.memory_space<vmem_shared>> -> memref<64x128xf32, #tpu.memory_space<vmem_shared>>
      %dma_start3A_37 = arith.constant 0 : i32
      %dma_start3A_38 = tpu.memref_slice %arg6[%add3A_25, %dma_start3A_37] : memref<10240x128xf32, #tpu.memory_space<vmem_shared>> -> memref<64x128xf32, #tpu.memory_space<vmem_shared>>
      tpu.enqueue_dma source(%arg9 : memref<64x128xf32, #tpu.memory_space<vmem>>) target(%dma_start3A_38 : memref<64x128xf32, #tpu.memory_space<vmem_shared>>) target_semaphore(%run_scoped3A : memref<!tpu.dma_semaphore, #tpu.memory_space<semaphore_mem>>)
      %dma_wait3A = arith.constant 0 : i32
      %dma_wait3A_39 = tpu.memref_slice %arg6[%add3A_25, %dma_wait3A] : memref<10240x128xf32, #tpu.memory_space<vmem_shared>> -> memref<64x128xf32, #tpu.memory_space<vmem_shared>>
      %dma_wait3A_40 = arith.constant 0 : i32
      %dma_wait3A_41 = tpu.memref_slice %arg6[%add3A_25, %dma_wait3A_40] : memref<10240x128xf32, #tpu.memory_space<vmem_shared>> -> memref<64x128xf32, #tpu.memory_space<vmem_shared>>
      tpu.wait_dma2 semaphore(%run_scoped3A : memref<!tpu.dma_semaphore, #tpu.memory_space<semaphore_mem>>) src(%arg9 : memref<64x128xf32, #tpu.memory_space<vmem>>) dst(%dma_wait3A_41 : memref<64x128xf32, #tpu.memory_space<vmem_shared>>)
      tpu.yield
    }) : () -> ()
    %barrier3A = arith.constant 0 : index
    tpu.barrier barrier_id(%barrier3A)
    %scan3A_26 = arith.constant 0 : i32
    %scan3A_27 = arith.constant 0 : i32
    %scan3A_28 = arith.constant 20 : i32
    %scan3A_29 = arith.addi %scan3A_27, %scan3A_28 : i32
    %scan3A_30 = arith.constant 1 : i32
    scf.for %scan3A_36 = %scan3A_27 to %scan3A_29 step %scan3A_30  : i32 {
      %mul3A_37 = arith.constant 8 : i32
      %mul3A_38 = arith.muli %scan3A_36, %mul3A_37 : i32
      "tpu.region"() ({
        %run_scoped3A = tpu.sem_alloc : memref<!tpu.dma_semaphore, #tpu.memory_space<semaphore_mem>>
        %dma_start3A_263 = arith.constant 0 : i32
        %dma_start3A_264 = tpu.memref_slice %arg3[%arg0, %arg1, %mul3A_38, %dma_start3A_263] : memref<2x16x160x64xi32, #tpu.memory_space<hbm>> -> memref<1x1x8x64xi32, #tpu.memory_space<hbm>>
        %dma_start3A_265 = tpu.memref_squeeze %dma_start3A_264 : memref<1x1x8x64xi32, #tpu.memory_space<hbm>> -> memref<8x64xi32, #tpu.memory_space<hbm>>
        %dma_start3A_266 = arith.constant 0 : i32
        %dma_start3A_267 = tpu.memref_slice %arg3[%arg0, %arg1, %mul3A_38, %dma_start3A_266] : memref<2x16x160x64xi32, #tpu.memory_space<hbm>> -> memref<1x1x8x64xi32, #tpu.memory_space<hbm>>
        %dma_start3A_268 = tpu.memref_squeeze %dma_start3A_267 : memref<1x1x8x64xi32, #tpu.memory_space<hbm>> -> memref<8x64xi32, #tpu.memory_space<hbm>>
        tpu.enqueue_dma source(%dma_start3A_268 : memref<8x64xi32, #tpu.memory_space<hbm>>) target(%arg7 : memref<8x64xi32, #tpu.memory_space<vmem>>) target_semaphore(%run_scoped3A : memref<!tpu.dma_semaphore, #tpu.memory_space<semaphore_mem>>)
        %dma_wait3A_269 = arith.constant 0 : i32
        %dma_wait3A_270 = tpu.memref_slice %arg3[%arg0, %arg1, %mul3A_38, %dma_wait3A_269] : memref<2x16x160x64xi32, #tpu.memory_space<hbm>> -> memref<1x1x8x64xi32, #tpu.memory_space<hbm>>
        %dma_wait3A_271 = tpu.memref_squeeze %dma_wait3A_270 : memref<1x1x8x64xi32, #tpu.memory_space<hbm>> -> memref<8x64xi32, #tpu.memory_space<hbm>>
        %dma_wait3A_272 = arith.constant 0 : i32
        %dma_wait3A_273 = tpu.memref_slice %arg3[%arg0, %arg1, %mul3A_38, %dma_wait3A_272] : memref<2x16x160x64xi32, #tpu.memory_space<hbm>> -> memref<1x1x8x64xi32, #tpu.memory_space<hbm>>
        %dma_wait3A_274 = tpu.memref_squeeze %dma_wait3A_273 : memref<1x1x8x64xi32, #tpu.memory_space<hbm>> -> memref<8x64xi32, #tpu.memory_space<hbm>>
        tpu.wait_dma2 semaphore(%run_scoped3A : memref<!tpu.dma_semaphore, #tpu.memory_space<semaphore_mem>>) src(%dma_wait3A_274 : memref<8x64xi32, #tpu.memory_space<hbm>>) dst(%arg7 : memref<8x64xi32, #tpu.memory_space<vmem>>)
        tpu.yield
      }) : () -> ()
      %mul3A_39 = arith.constant 8 : i32
      %mul3A_40 = arith.muli %scan3A_36, %mul3A_39 : i32
      "tpu.region"() ({
        %run_scoped3A = tpu.sem_alloc : memref<!tpu.dma_semaphore, #tpu.memory_space<semaphore_mem>>
        %dma_start3A_263 = arith.constant 0 : i32
        %dma_start3A_264 = tpu.memref_slice %arg4[%arg1, %mul3A_40, %dma_start3A_263] : memref<16x160x64xi32, #tpu.memory_space<hbm>> -> memref<1x8x64xi32, #tpu.memory_space<hbm>>
        %dma_start3A_265 = tpu.memref_squeeze %dma_start3A_264 : memref<1x8x64xi32, #tpu.memory_space<hbm>> -> memref<8x64xi32, #tpu.memory_space<hbm>>
        %dma_start3A_266 = arith.constant 0 : i32
        %dma_start3A_267 = tpu.memref_slice %arg4[%arg1, %mul3A_40, %dma_start3A_266] : memref<16x160x64xi32, #tpu.memory_space<hbm>> -> memref<1x8x64xi32, #tpu.memory_space<hbm>>
        %dma_start3A_268 = tpu.memref_squeeze %dma_start3A_267 : memref<1x8x64xi32, #tpu.memory_space<hbm>> -> memref<8x64xi32, #tpu.memory_space<hbm>>
        tpu.enqueue_dma source(%dma_start3A_268 : memref<8x64xi32, #tpu.memory_space<hbm>>) target(%arg8 : memref<8x64xi32, #tpu.memory_space<vmem>>) target_semaphore(%run_scoped3A : memref<!tpu.dma_semaphore, #tpu.memory_space<semaphore_mem>>)
        %dma_wait3A_269 = arith.constant 0 : i32
        %dma_wait3A_270 = tpu.memref_slice %arg4[%arg1, %mul3A_40, %dma_wait3A_269] : memref<16x160x64xi32, #tpu.memory_space<hbm>> -> memref<1x8x64xi32, #tpu.memory_space<hbm>>
        %dma_wait3A_271 = tpu.memref_squeeze %dma_wait3A_270 : memref<1x8x64xi32, #tpu.memory_space<hbm>> -> memref<8x64xi32, #tpu.memory_space<hbm>>
        %dma_wait3A_272 = arith.constant 0 : i32
        %dma_wait3A_273 = tpu.memref_slice %arg4[%arg1, %mul3A_40, %dma_wait3A_272] : memref<16x160x64xi32, #tpu.memory_space<hbm>> -> memref<1x8x64xi32, #tpu.memory_space<hbm>>
        %dma_wait3A_274 = tpu.memref_squeeze %dma_wait3A_273 : memref<1x8x64xi32, #tpu.memory_space<hbm>> -> memref<8x64xi32, #tpu.memory_space<hbm>>
        tpu.wait_dma2 semaphore(%run_scoped3A : memref<!tpu.dma_semaphore, #tpu.memory_space<semaphore_mem>>) src(%dma_wait3A_274 : memref<8x64xi32, #tpu.memory_space<hbm>>) dst(%arg8 : memref<8x64xi32, #tpu.memory_space<vmem>>)
        tpu.yield
      }) : () -> ()
      %dma_start3A = arith.constant 0 : i32
      %dma_start3A_41 = arith.constant 0 : i32
      %dma_start3A_42 = tpu.memref_slice %arg7[%dma_start3A, %dma_start3A_41] : memref<8x64xi32, #tpu.memory_space<vmem>> -> memref<1x64xi32, #tpu.memory_space<vmem>>
      %dma_start3A_43 = tpu.memref_squeeze %dma_start3A_42 : memref<1x64xi32, #tpu.memory_space<vmem>> -> memref<64xi32, #tpu.memory_space<vmem>>
      %dma_start3A_44 = arith.constant 0 : i32
      %dma_start3A_45 = arith.constant 0 : i32
      %dma_start3A_46 = tpu.memref_slice %arg2[%dma_start3A_44, %dma_start3A_45] : memref<20480x128xf32, #tpu.memory_space<hbm>> -> memref<20480x128xf32, #tpu.memory_space<hbm>>
      tpu.enqueue_indirect_dma source(%dma_start3A_46 : memref<20480x128xf32, #tpu.memory_space<hbm>>) target(%arg9 : memref<64x128xf32, #tpu.memory_space<vmem>>) offsets(%dma_start3A_43 : memref<64xi32, #tpu.memory_space<vmem>>) semaphore(%arg13 : memref<!tpu.dma_semaphore, #tpu.memory_space<semaphore_mem>>)
      %dma_start3A_47 = arith.constant 1 : i32
      %dma_start3A_48 = arith.constant 0 : i32
      %dma_start3A_49 = tpu.memref_slice %arg7[%dma_start3A_47, %dma_start3A_48] : memref<8x64xi32, #tpu.memory_space<vmem>> -> memref<1x64xi32, #tpu.memory_space<vmem>>
      %dma_start3A_50 = tpu.memref_squeeze %dma_start3A_49 : memref<1x64xi32, #tpu.memory_space<vmem>> -> memref<64xi32, #tpu.memory_space<vmem>>
      %dma_start3A_51 = arith.constant 0 : i32
      %dma_start3A_52 = arith.constant 0 : i32
      %dma_start3A_53 = tpu.memref_slice %arg2[%dma_start3A_51, %dma_start3A_52] : memref<20480x128xf32, #tpu.memory_space<hbm>> -> memref<20480x128xf32, #tpu.memory_space<hbm>>
      tpu.enqueue_indirect_dma source(%dma_start3A_53 : memref<20480x128xf32, #tpu.memory_space<hbm>>) target(%arg10 : memref<64x128xf32, #tpu.memory_space<vmem>>) offsets(%dma_start3A_50 : memref<64xi32, #tpu.memory_space<vmem>>) semaphore(%arg14 : memref<!tpu.dma_semaphore, #tpu.memory_space<semaphore_mem>>)
      %dma_start3A_54 = arith.constant 2 : i32
      %dma_start3A_55 = arith.constant 0 : i32
      %dma_start3A_56 = tpu.memref_slice %arg7[%dma_start3A_54, %dma_start3A_55] : memref<8x64xi32, #tpu.memory_space<vmem>> -> memref<1x64xi32, #tpu.memory_space<vmem>>
      %dma_start3A_57 = tpu.memref_squeeze %dma_start3A_56 : memref<1x64xi32, #tpu.memory_space<vmem>> -> memref<64xi32, #tpu.memory_space<vmem>>
      %dma_start3A_58 = arith.constant 0 : i32
      %dma_start3A_59 = arith.constant 0 : i32
      %dma_start3A_60 = tpu.memref_slice %arg2[%dma_start3A_58, %dma_start3A_59] : memref<20480x128xf32, #tpu.memory_space<hbm>> -> memref<20480x128xf32, #tpu.memory_space<hbm>>
      tpu.enqueue_indirect_dma source(%dma_start3A_60 : memref<20480x128xf32, #tpu.memory_space<hbm>>) target(%arg11 : memref<64x128xf32, #tpu.memory_space<vmem>>) offsets(%dma_start3A_57 : memref<64xi32, #tpu.memory_space<vmem>>) semaphore(%arg15 : memref<!tpu.dma_semaphore, #tpu.memory_space<semaphore_mem>>)
      %dma_start3A_61 = arith.constant 3 : i32
      %dma_start3A_62 = arith.constant 0 : i32
      %dma_start3A_63 = tpu.memref_slice %arg7[%dma_start3A_61, %dma_start3A_62] : memref<8x64xi32, #tpu.memory_space<vmem>> -> memref<1x64xi32, #tpu.memory_space<vmem>>
      %dma_start3A_64 = tpu.memref_squeeze %dma_start3A_63 : memref<1x64xi32, #tpu.memory_space<vmem>> -> memref<64xi32, #tpu.memory_space<vmem>>
      %dma_start3A_65 = arith.constant 0 : i32
      %dma_start3A_66 = arith.constant 0 : i32
      %dma_start3A_67 = tpu.memref_slice %arg2[%dma_start3A_65, %dma_start3A_66] : memref<20480x128xf32, #tpu.memory_space<hbm>> -> memref<20480x128xf32, #tpu.memory_space<hbm>>
      tpu.enqueue_indirect_dma source(%dma_start3A_67 : memref<20480x128xf32, #tpu.memory_space<hbm>>) target(%arg12 : memref<64x128xf32, #tpu.memory_space<vmem>>) offsets(%dma_start3A_64 : memref<64xi32, #tpu.memory_space<vmem>>) semaphore(%arg16 : memref<!tpu.dma_semaphore, #tpu.memory_space<semaphore_mem>>)
      %dma_wait3A = arith.constant 0 : i32
      %dma_wait3A_68 = arith.constant 0 : i32
      %dma_wait3A_69 = tpu.memref_slice %arg7[%dma_wait3A, %dma_wait3A_68] : memref<8x64xi32, #tpu.memory_space<vmem>> -> memref<1x64xi32, #tpu.memory_space<vmem>>
      %dma_wait3A_70 = tpu.memref_squeeze %dma_wait3A_69 : memref<1x64xi32, #tpu.memory_space<vmem>> -> memref<64xi32, #tpu.memory_space<vmem>>
      %dma_wait3A_71 = arith.constant 0 : i32
      %dma_wait3A_72 = arith.constant 0 : i32
      %dma_wait3A_73 = tpu.memref_slice %arg2[%dma_wait3A_71, %dma_wait3A_72] : memref<20480x128xf32, #tpu.memory_space<hbm>> -> memref<20480x128xf32, #tpu.memory_space<hbm>>
      tpu.wait_indirect_dma semaphore(%arg13 : memref<!tpu.dma_semaphore, #tpu.memory_space<semaphore_mem>>) src(%dma_wait3A_73 : memref<20480x128xf32, #tpu.memory_space<hbm>>) dst(%arg9 : memref<64x128xf32, #tpu.memory_space<vmem>>)
      %dma_start3A_74 = arith.constant 0 : i32
      %dma_start3A_75 = arith.constant 0 : i32
      %dma_start3A_76 = tpu.memref_slice %arg8[%dma_start3A_74, %dma_start3A_75] : memref<8x64xi32, #tpu.memory_space<vmem>> -> memref<1x64xi32, #tpu.memory_space<vmem>>
      %dma_start3A_77 = tpu.memref_squeeze %dma_start3A_76 : memref<1x64xi32, #tpu.memory_space<vmem>> -> memref<64xi32, #tpu.memory_space<vmem>>
      %dma_start3A_78 = arith.constant 0 : i32
      %dma_start3A_79 = arith.constant 0 : i32
      %dma_start3A_80 = tpu.memref_slice %arg6[%dma_start3A_78, %dma_start3A_79] : memref<10240x128xf32, #tpu.memory_space<vmem_shared>> -> memref<10240x128xf32, #tpu.memory_space<vmem_shared>>
      tpu.enqueue_indirect_dma source(%arg9 : memref<64x128xf32, #tpu.memory_space<vmem>>) target(%dma_start3A_80 : memref<10240x128xf32, #tpu.memory_space<vmem_shared>>) offsets(%dma_start3A_77 : memref<64xi32, #tpu.memory_space<vmem>>) semaphore(%arg17 : memref<!tpu.dma_semaphore, #tpu.memory_space<semaphore_mem>>) {add = true}
      %dma_wait3A_81 = arith.constant 0 : i32
      %dma_wait3A_82 = arith.constant 0 : i32
      %dma_wait3A_83 = tpu.memref_slice %arg8[%dma_wait3A_81, %dma_wait3A_82] : memref<8x64xi32, #tpu.memory_space<vmem>> -> memref<1x64xi32, #tpu.memory_space<vmem>>
      %dma_wait3A_84 = tpu.memref_squeeze %dma_wait3A_83 : memref<1x64xi32, #tpu.memory_space<vmem>> -> memref<64xi32, #tpu.memory_space<vmem>>
      %dma_wait3A_85 = arith.constant 0 : i32
      %dma_wait3A_86 = arith.constant 0 : i32
      %dma_wait3A_87 = tpu.memref_slice %arg6[%dma_wait3A_85, %dma_wait3A_86] : memref<10240x128xf32, #tpu.memory_space<vmem_shared>> -> memref<10240x128xf32, #tpu.memory_space<vmem_shared>>
      tpu.wait_indirect_dma semaphore(%arg17 : memref<!tpu.dma_semaphore, #tpu.memory_space<semaphore_mem>>) src(%arg9 : memref<64x128xf32, #tpu.memory_space<vmem>>) dst(%dma_wait3A_87 : memref<10240x128xf32, #tpu.memory_space<vmem_shared>>)
      %dma_start3A_88 = arith.constant 4 : i32
      %dma_start3A_89 = arith.constant 0 : i32
      %dma_start3A_90 = tpu.memref_slice %arg7[%dma_start3A_88, %dma_start3A_89] : memref<8x64xi32, #tpu.memory_space<vmem>> -> memref<1x64xi32, #tpu.memory_space<vmem>>
      %dma_start3A_91 = tpu.memref_squeeze %dma_start3A_90 : memref<1x64xi32, #tpu.memory_space<vmem>> -> memref<64xi32, #tpu.memory_space<vmem>>
      %dma_start3A_92 = arith.constant 0 : i32
      %dma_start3A_93 = arith.constant 0 : i32
      %dma_start3A_94 = tpu.memref_slice %arg2[%dma_start3A_92, %dma_start3A_93] : memref<20480x128xf32, #tpu.memory_space<hbm>> -> memref<20480x128xf32, #tpu.memory_space<hbm>>
      tpu.enqueue_indirect_dma source(%dma_start3A_94 : memref<20480x128xf32, #tpu.memory_space<hbm>>) target(%arg9 : memref<64x128xf32, #tpu.memory_space<vmem>>) offsets(%dma_start3A_91 : memref<64xi32, #tpu.memory_space<vmem>>) semaphore(%arg13 : memref<!tpu.dma_semaphore, #tpu.memory_space<semaphore_mem>>)
      %dma_wait3A_95 = arith.constant 1 : i32
      %dma_wait3A_96 = arith.constant 0 : i32
      %dma_wait3A_97 = tpu.memref_slice %arg7[%dma_wait3A_95, %dma_wait3A_96] : memref<8x64xi32, #tpu.memory_space<vmem>> -> memref<1x64xi32, #tpu.memory_space<vmem>>
      %dma_wait3A_98 = tpu.memref_squeeze %dma_wait3A_97 : memref<1x64xi32, #tpu.memory_space<vmem>> -> memref<64xi32, #tpu.memory_space<vmem>>
      %dma_wait3A_99 = arith.constant 0 : i32
      %dma_wait3A_100 = arith.constant 0 : i32
      %dma_wait3A_101 = tpu.memref_slice %arg2[%dma_wait3A_99, %dma_wait3A_100] : memref<20480x128xf32, #tpu.memory_space<hbm>> -> memref<20480x128xf32, #tpu.memory_space<hbm>>
      tpu.wait_indirect_dma semaphore(%arg14 : memref<!tpu.dma_semaphore, #tpu.memory_space<semaphore_mem>>) src(%dma_wait3A_101 : memref<20480x128xf32, #tpu.memory_space<hbm>>) dst(%arg10 : memref<64x128xf32, #tpu.memory_space<vmem>>)
      %dma_start3A_102 = arith.constant 1 : i32
      %dma_start3A_103 = arith.constant 0 : i32
      %dma_start3A_104 = tpu.memref_slice %arg8[%dma_start3A_102, %dma_start3A_103] : memref<8x64xi32, #tpu.memory_space<vmem>> -> memref<1x64xi32, #tpu.memory_space<vmem>>
      %dma_start3A_105 = tpu.memref_squeeze %dma_start3A_104 : memref<1x64xi32, #tpu.memory_space<vmem>> -> memref<64xi32, #tpu.memory_space<vmem>>
      %dma_start3A_106 = arith.constant 0 : i32
      %dma_start3A_107 = arith.constant 0 : i32
      %dma_start3A_108 = tpu.memref_slice %arg6[%dma_start3A_106, %dma_start3A_107] : memref<10240x128xf32, #tpu.memory_space<vmem_shared>> -> memref<10240x128xf32, #tpu.memory_space<vmem_shared>>
      tpu.enqueue_indirect_dma source(%arg10 : memref<64x128xf32, #tpu.memory_space<vmem>>) target(%dma_start3A_108 : memref<10240x128xf32, #tpu.memory_space<vmem_shared>>) offsets(%dma_start3A_105 : memref<64xi32, #tpu.memory_space<vmem>>) semaphore(%arg18 : memref<!tpu.dma_semaphore, #tpu.memory_space<semaphore_mem>>) {add = true}
      %dma_wait3A_109 = arith.constant 1 : i32
      %dma_wait3A_110 = arith.constant 0 : i32
      %dma_wait3A_111 = tpu.memref_slice %arg8[%dma_wait3A_109, %dma_wait3A_110] : memref<8x64xi32, #tpu.memory_space<vmem>> -> memref<1x64xi32, #tpu.memory_space<vmem>>
      %dma_wait3A_112 = tpu.memref_squeeze %dma_wait3A_111 : memref<1x64xi32, #tpu.memory_space<vmem>> -> memref<64xi32, #tpu.memory_space<vmem>>
      %dma_wait3A_113 = arith.constant 0 : i32
      %dma_wait3A_114 = arith.constant 0 : i32
      %dma_wait3A_115 = tpu.memref_slice %arg6[%dma_wait3A_113, %dma_wait3A_114] : memref<10240x128xf32, #tpu.memory_space<vmem_shared>> -> memref<10240x128xf32, #tpu.memory_space<vmem_shared>>
      tpu.wait_indirect_dma semaphore(%arg18 : memref<!tpu.dma_semaphore, #tpu.memory_space<semaphore_mem>>) src(%arg10 : memref<64x128xf32, #tpu.memory_space<vmem>>) dst(%dma_wait3A_115 : memref<10240x128xf32, #tpu.memory_space<vmem_shared>>)
      %dma_start3A_116 = arith.constant 5 : i32
      %dma_start3A_117 = arith.constant 0 : i32
      %dma_start3A_118 = tpu.memref_slice %arg7[%dma_start3A_116, %dma_start3A_117] : memref<8x64xi32, #tpu.memory_space<vmem>> -> memref<1x64xi32, #tpu.memory_space<vmem>>
      %dma_start3A_119 = tpu.memref_squeeze %dma_start3A_118 : memref<1x64xi32, #tpu.memory_space<vmem>> -> memref<64xi32, #tpu.memory_space<vmem>>
      %dma_start3A_120 = arith.constant 0 : i32
      %dma_start3A_121 = arith.constant 0 : i32
      %dma_start3A_122 = tpu.memref_slice %arg2[%dma_start3A_120, %dma_start3A_121] : memref<20480x128xf32, #tpu.memory_space<hbm>> -> memref<20480x128xf32, #tpu.memory_space<hbm>>
      tpu.enqueue_indirect_dma source(%dma_start3A_122 : memref<20480x128xf32, #tpu.memory_space<hbm>>) target(%arg10 : memref<64x128xf32, #tpu.memory_space<vmem>>) offsets(%dma_start3A_119 : memref<64xi32, #tpu.memory_space<vmem>>) semaphore(%arg14 : memref<!tpu.dma_semaphore, #tpu.memory_space<semaphore_mem>>)
      %dma_wait3A_123 = arith.constant 2 : i32
      %dma_wait3A_124 = arith.constant 0 : i32
      %dma_wait3A_125 = tpu.memref_slice %arg7[%dma_wait3A_123, %dma_wait3A_124] : memref<8x64xi32, #tpu.memory_space<vmem>> -> memref<1x64xi32, #tpu.memory_space<vmem>>
      %dma_wait3A_126 = tpu.memref_squeeze %dma_wait3A_125 : memref<1x64xi32, #tpu.memory_space<vmem>> -> memref<64xi32, #tpu.memory_space<vmem>>
      %dma_wait3A_127 = arith.constant 0 : i32
      %dma_wait3A_128 = arith.constant 0 : i32
      %dma_wait3A_129 = tpu.memref_slice %arg2[%dma_wait3A_127, %dma_wait3A_128] : memref<20480x128xf32, #tpu.memory_space<hbm>> -> memref<20480x128xf32, #tpu.memory_space<hbm>>
      tpu.wait_indirect_dma semaphore(%arg15 : memref<!tpu.dma_semaphore, #tpu.memory_space<semaphore_mem>>) src(%dma_wait3A_129 : memref<20480x128xf32, #tpu.memory_space<hbm>>) dst(%arg11 : memref<64x128xf32, #tpu.memory_space<vmem>>)
      %dma_start3A_130 = arith.constant 2 : i32
      %dma_start3A_131 = arith.constant 0 : i32
      %dma_start3A_132 = tpu.memref_slice %arg8[%dma_start3A_130, %dma_start3A_131] : memref<8x64xi32, #tpu.memory_space<vmem>> -> memref<1x64xi32, #tpu.memory_space<vmem>>
      %dma_start3A_133 = tpu.memref_squeeze %dma_start3A_132 : memref<1x64xi32, #tpu.memory_space<vmem>> -> memref<64xi32, #tpu.memory_space<vmem>>
      %dma_start3A_134 = arith.constant 0 : i32
      %dma_start3A_135 = arith.constant 0 : i32
      %dma_start3A_136 = tpu.memref_slice %arg6[%dma_start3A_134, %dma_start3A_135] : memref<10240x128xf32, #tpu.memory_space<vmem_shared>> -> memref<10240x128xf32, #tpu.memory_space<vmem_shared>>
      tpu.enqueue_indirect_dma source(%arg11 : memref<64x128xf32, #tpu.memory_space<vmem>>) target(%dma_start3A_136 : memref<10240x128xf32, #tpu.memory_space<vmem_shared>>) offsets(%dma_start3A_133 : memref<64xi32, #tpu.memory_space<vmem>>) semaphore(%arg19 : memref<!tpu.dma_semaphore, #tpu.memory_space<semaphore_mem>>) {add = true}
      %dma_wait3A_137 = arith.constant 2 : i32
      %dma_wait3A_138 = arith.constant 0 : i32
      %dma_wait3A_139 = tpu.memref_slice %arg8[%dma_wait3A_137, %dma_wait3A_138] : memref<8x64xi32, #tpu.memory_space<vmem>> -> memref<1x64xi32, #tpu.memory_space<vmem>>
      %dma_wait3A_140 = tpu.memref_squeeze %dma_wait3A_139 : memref<1x64xi32, #tpu.memory_space<vmem>> -> memref<64xi32, #tpu.memory_space<vmem>>
      %dma_wait3A_141 = arith.constant 0 : i32
      %dma_wait3A_142 = arith.constant 0 : i32
      %dma_wait3A_143 = tpu.memref_slice %arg6[%dma_wait3A_141, %dma_wait3A_142] : memref<10240x128xf32, #tpu.memory_space<vmem_shared>> -> memref<10240x128xf32, #tpu.memory_space<vmem_shared>>
      tpu.wait_indirect_dma semaphore(%arg19 : memref<!tpu.dma_semaphore, #tpu.memory_space<semaphore_mem>>) src(%arg11 : memref<64x128xf32, #tpu.memory_space<vmem>>) dst(%dma_wait3A_143 : memref<10240x128xf32, #tpu.memory_space<vmem_shared>>)
      %dma_start3A_144 = arith.constant 6 : i32
      %dma_start3A_145 = arith.constant 0 : i32
      %dma_start3A_146 = tpu.memref_slice %arg7[%dma_start3A_144, %dma_start3A_145] : memref<8x64xi32, #tpu.memory_space<vmem>> -> memref<1x64xi32, #tpu.memory_space<vmem>>
      %dma_start3A_147 = tpu.memref_squeeze %dma_start3A_146 : memref<1x64xi32, #tpu.memory_space<vmem>> -> memref<64xi32, #tpu.memory_space<vmem>>
      %dma_start3A_148 = arith.constant 0 : i32
      %dma_start3A_149 = arith.constant 0 : i32
      %dma_start3A_150 = tpu.memref_slice %arg2[%dma_start3A_148, %dma_start3A_149] : memref<20480x128xf32, #tpu.memory_space<hbm>> -> memref<20480x128xf32, #tpu.memory_space<hbm>>
      tpu.enqueue_indirect_dma source(%dma_start3A_150 : memref<20480x128xf32, #tpu.memory_space<hbm>>) target(%arg11 : memref<64x128xf32, #tpu.memory_space<vmem>>) offsets(%dma_start3A_147 : memref<64xi32, #tpu.memory_space<vmem>>) semaphore(%arg15 : memref<!tpu.dma_semaphore, #tpu.memory_space<semaphore_mem>>)
      %dma_wait3A_151 = arith.constant 3 : i32
      %dma_wait3A_152 = arith.constant 0 : i32
      %dma_wait3A_153 = tpu.memref_slice %arg7[%dma_wait3A_151, %dma_wait3A_152] : memref<8x64xi32, #tpu.memory_space<vmem>> -> memref<1x64xi32, #tpu.memory_space<vmem>>
      %dma_wait3A_154 = tpu.memref_squeeze %dma_wait3A_153 : memref<1x64xi32, #tpu.memory_space<vmem>> -> memref<64xi32, #tpu.memory_space<vmem>>
      %dma_wait3A_155 = arith.constant 0 : i32
      %dma_wait3A_156 = arith.constant 0 : i32
      %dma_wait3A_157 = tpu.memref_slice %arg2[%dma_wait3A_155, %dma_wait3A_156] : memref<20480x128xf32, #tpu.memory_space<hbm>> -> memref<20480x128xf32, #tpu.memory_space<hbm>>
      tpu.wait_indirect_dma semaphore(%arg16 : memref<!tpu.dma_semaphore, #tpu.memory_space<semaphore_mem>>) src(%dma_wait3A_157 : memref<20480x128xf32, #tpu.memory_space<hbm>>) dst(%arg12 : memref<64x128xf32, #tpu.memory_space<vmem>>)
      %dma_start3A_158 = arith.constant 3 : i32
      %dma_start3A_159 = arith.constant 0 : i32
      %dma_start3A_160 = tpu.memref_slice %arg8[%dma_start3A_158, %dma_start3A_159] : memref<8x64xi32, #tpu.memory_space<vmem>> -> memref<1x64xi32, #tpu.memory_space<vmem>>
      %dma_start3A_161 = tpu.memref_squeeze %dma_start3A_160 : memref<1x64xi32, #tpu.memory_space<vmem>> -> memref<64xi32, #tpu.memory_space<vmem>>
      %dma_start3A_162 = arith.constant 0 : i32
      %dma_start3A_163 = arith.constant 0 : i32
      %dma_start3A_164 = tpu.memref_slice %arg6[%dma_start3A_162, %dma_start3A_163] : memref<10240x128xf32, #tpu.memory_space<vmem_shared>> -> memref<10240x128xf32, #tpu.memory_space<vmem_shared>>
      tpu.enqueue_indirect_dma source(%arg12 : memref<64x128xf32, #tpu.memory_space<vmem>>) target(%dma_start3A_164 : memref<10240x128xf32, #tpu.memory_space<vmem_shared>>) offsets(%dma_start3A_161 : memref<64xi32, #tpu.memory_space<vmem>>) semaphore(%arg20 : memref<!tpu.dma_semaphore, #tpu.memory_space<semaphore_mem>>) {add = true}
      %dma_wait3A_165 = arith.constant 3 : i32
      %dma_wait3A_166 = arith.constant 0 : i32
      %dma_wait3A_167 = tpu.memref_slice %arg8[%dma_wait3A_165, %dma_wait3A_166] : memref<8x64xi32, #tpu.memory_space<vmem>> -> memref<1x64xi32, #tpu.memory_space<vmem>>
      %dma_wait3A_168 = tpu.memref_squeeze %dma_wait3A_167 : memref<1x64xi32, #tpu.memory_space<vmem>> -> memref<64xi32, #tpu.memory_space<vmem>>
      %dma_wait3A_169 = arith.constant 0 : i32
      %dma_wait3A_170 = arith.constant 0 : i32
      %dma_wait3A_171 = tpu.memref_slice %arg6[%dma_wait3A_169, %dma_wait3A_170] : memref<10240x128xf32, #tpu.memory_space<vmem_shared>> -> memref<10240x128xf32, #tpu.memory_space<vmem_shared>>
      tpu.wait_indirect_dma semaphore(%arg20 : memref<!tpu.dma_semaphore, #tpu.memory_space<semaphore_mem>>) src(%arg12 : memref<64x128xf32, #tpu.memory_space<vmem>>) dst(%dma_wait3A_171 : memref<10240x128xf32, #tpu.memory_space<vmem_shared>>)
      %dma_start3A_172 = arith.constant 7 : i32
      %dma_start3A_173 = arith.constant 0 : i32
      %dma_start3A_174 = tpu.memref_slice %arg7[%dma_start3A_172, %dma_start3A_173] : memref<8x64xi32, #tpu.memory_space<vmem>> -> memref<1x64xi32, #tpu.memory_space<vmem>>
      %dma_start3A_175 = tpu.memref_squeeze %dma_start3A_174 : memref<1x64xi32, #tpu.memory_space<vmem>> -> memref<64xi32, #tpu.memory_space<vmem>>
      %dma_start3A_176 = arith.constant 0 : i32
      %dma_start3A_177 = arith.constant 0 : i32
      %dma_start3A_178 = tpu.memref_slice %arg2[%dma_start3A_176, %dma_start3A_177] : memref<20480x128xf32, #tpu.memory_space<hbm>> -> memref<20480x128xf32, #tpu.memory_space<hbm>>
      tpu.enqueue_indirect_dma source(%dma_start3A_178 : memref<20480x128xf32, #tpu.memory_space<hbm>>) target(%arg12 : memref<64x128xf32, #tpu.memory_space<vmem>>) offsets(%dma_start3A_175 : memref<64xi32, #tpu.memory_space<vmem>>) semaphore(%arg16 : memref<!tpu.dma_semaphore, #tpu.memory_space<semaphore_mem>>)
      %dma_wait3A_179 = arith.constant 4 : i32
      %dma_wait3A_180 = arith.constant 0 : i32
      %dma_wait3A_181 = tpu.memref_slice %arg7[%dma_wait3A_179, %dma_wait3A_180] : memref<8x64xi32, #tpu.memory_space<vmem>> -> memref<1x64xi32, #tpu.memory_space<vmem>>
      %dma_wait3A_182 = tpu.memref_squeeze %dma_wait3A_181 : memref<1x64xi32, #tpu.memory_space<vmem>> -> memref<64xi32, #tpu.memory_space<vmem>>
      %dma_wait3A_183 = arith.constant 0 : i32
      %dma_wait3A_184 = arith.constant 0 : i32
      %dma_wait3A_185 = tpu.memref_slice %arg2[%dma_wait3A_183, %dma_wait3A_184] : memref<20480x128xf32, #tpu.memory_space<hbm>> -> memref<20480x128xf32, #tpu.memory_space<hbm>>
      tpu.wait_indirect_dma semaphore(%arg13 : memref<!tpu.dma_semaphore, #tpu.memory_space<semaphore_mem>>) src(%dma_wait3A_185 : memref<20480x128xf32, #tpu.memory_space<hbm>>) dst(%arg9 : memref<64x128xf32, #tpu.memory_space<vmem>>)
      %dma_start3A_186 = arith.constant 4 : i32
      %dma_start3A_187 = arith.constant 0 : i32
      %dma_start3A_188 = tpu.memref_slice %arg8[%dma_start3A_186, %dma_start3A_187] : memref<8x64xi32, #tpu.memory_space<vmem>> -> memref<1x64xi32, #tpu.memory_space<vmem>>
      %dma_start3A_189 = tpu.memref_squeeze %dma_start3A_188 : memref<1x64xi32, #tpu.memory_space<vmem>> -> memref<64xi32, #tpu.memory_space<vmem>>
      %dma_start3A_190 = arith.constant 0 : i32
      %dma_start3A_191 = arith.constant 0 : i32
      %dma_start3A_192 = tpu.memref_slice %arg6[%dma_start3A_190, %dma_start3A_191] : memref<10240x128xf32, #tpu.memory_space<vmem_shared>> -> memref<10240x128xf32, #tpu.memory_space<vmem_shared>>
      tpu.enqueue_indirect_dma source(%arg9 : memref<64x128xf32, #tpu.memory_space<vmem>>) target(%dma_start3A_192 : memref<10240x128xf32, #tpu.memory_space<vmem_shared>>) offsets(%dma_start3A_189 : memref<64xi32, #tpu.memory_space<vmem>>) semaphore(%arg17 : memref<!tpu.dma_semaphore, #tpu.memory_space<semaphore_mem>>) {add = true}
      %dma_wait3A_193 = arith.constant 5 : i32
      %dma_wait3A_194 = arith.constant 0 : i32
      %dma_wait3A_195 = tpu.memref_slice %arg7[%dma_wait3A_193, %dma_wait3A_194] : memref<8x64xi32, #tpu.memory_space<vmem>> -> memref<1x64xi32, #tpu.memory_space<vmem>>
      %dma_wait3A_196 = tpu.memref_squeeze %dma_wait3A_195 : memref<1x64xi32, #tpu.memory_space<vmem>> -> memref<64xi32, #tpu.memory_space<vmem>>
      %dma_wait3A_197 = arith.constant 0 : i32
      %dma_wait3A_198 = arith.constant 0 : i32
      %dma_wait3A_199 = tpu.memref_slice %arg2[%dma_wait3A_197, %dma_wait3A_198] : memref<20480x128xf32, #tpu.memory_space<hbm>> -> memref<20480x128xf32, #tpu.memory_space<hbm>>
      tpu.wait_indirect_dma semaphore(%arg14 : memref<!tpu.dma_semaphore, #tpu.memory_space<semaphore_mem>>) src(%dma_wait3A_199 : memref<20480x128xf32, #tpu.memory_space<hbm>>) dst(%arg10 : memref<64x128xf32, #tpu.memory_space<vmem>>)
      %dma_start3A_200 = arith.constant 5 : i32
      %dma_start3A_201 = arith.constant 0 : i32
      %dma_start3A_202 = tpu.memref_slice %arg8[%dma_start3A_200, %dma_start3A_201] : memref<8x64xi32, #tpu.memory_space<vmem>> -> memref<1x64xi32, #tpu.memory_space<vmem>>
      %dma_start3A_203 = tpu.memref_squeeze %dma_start3A_202 : memref<1x64xi32, #tpu.memory_space<vmem>> -> memref<64xi32, #tpu.memory_space<vmem>>
      %dma_start3A_204 = arith.constant 0 : i32
      %dma_start3A_205 = arith.constant 0 : i32
      %dma_start3A_206 = tpu.memref_slice %arg6[%dma_start3A_204, %dma_start3A_205] : memref<10240x128xf32, #tpu.memory_space<vmem_shared>> -> memref<10240x128xf32, #tpu.memory_space<vmem_shared>>
      tpu.enqueue_indirect_dma source(%arg10 : memref<64x128xf32, #tpu.memory_space<vmem>>) target(%dma_start3A_206 : memref<10240x128xf32, #tpu.memory_space<vmem_shared>>) offsets(%dma_start3A_203 : memref<64xi32, #tpu.memory_space<vmem>>) semaphore(%arg18 : memref<!tpu.dma_semaphore, #tpu.memory_space<semaphore_mem>>) {add = true}
      %dma_wait3A_207 = arith.constant 6 : i32
      %dma_wait3A_208 = arith.constant 0 : i32
      %dma_wait3A_209 = tpu.memref_slice %arg7[%dma_wait3A_207, %dma_wait3A_208] : memref<8x64xi32, #tpu.memory_space<vmem>> -> memref<1x64xi32, #tpu.memory_space<vmem>>
      %dma_wait3A_210 = tpu.memref_squeeze %dma_wait3A_209 : memref<1x64xi32, #tpu.memory_space<vmem>> -> memref<64xi32, #tpu.memory_space<vmem>>
      %dma_wait3A_211 = arith.constant 0 : i32
      %dma_wait3A_212 = arith.constant 0 : i32
      %dma_wait3A_213 = tpu.memref_slice %arg2[%dma_wait3A_211, %dma_wait3A_212] : memref<20480x128xf32, #tpu.memory_space<hbm>> -> memref<20480x128xf32, #tpu.memory_space<hbm>>
      tpu.wait_indirect_dma semaphore(%arg15 : memref<!tpu.dma_semaphore, #tpu.memory_space<semaphore_mem>>) src(%dma_wait3A_213 : memref<20480x128xf32, #tpu.memory_space<hbm>>) dst(%arg11 : memref<64x128xf32, #tpu.memory_space<vmem>>)
      %dma_start3A_214 = arith.constant 6 : i32
      %dma_start3A_215 = arith.constant 0 : i32
      %dma_start3A_216 = tpu.memref_slice %arg8[%dma_start3A_214, %dma_start3A_215] : memref<8x64xi32, #tpu.memory_space<vmem>> -> memref<1x64xi32, #tpu.memory_space<vmem>>
      %dma_start3A_217 = tpu.memref_squeeze %dma_start3A_216 : memref<1x64xi32, #tpu.memory_space<vmem>> -> memref<64xi32, #tpu.memory_space<vmem>>
      %dma_start3A_218 = arith.constant 0 : i32
      %dma_start3A_219 = arith.constant 0 : i32
      %dma_start3A_220 = tpu.memref_slice %arg6[%dma_start3A_218, %dma_start3A_219] : memref<10240x128xf32, #tpu.memory_space<vmem_shared>> -> memref<10240x128xf32, #tpu.memory_space<vmem_shared>>
      tpu.enqueue_indirect_dma source(%arg11 : memref<64x128xf32, #tpu.memory_space<vmem>>) target(%dma_start3A_220 : memref<10240x128xf32, #tpu.memory_space<vmem_shared>>) offsets(%dma_start3A_217 : memref<64xi32, #tpu.memory_space<vmem>>) semaphore(%arg19 : memref<!tpu.dma_semaphore, #tpu.memory_space<semaphore_mem>>) {add = true}
      %dma_wait3A_221 = arith.constant 7 : i32
      %dma_wait3A_222 = arith.constant 0 : i32
      %dma_wait3A_223 = tpu.memref_slice %arg7[%dma_wait3A_221, %dma_wait3A_222] : memref<8x64xi32, #tpu.memory_space<vmem>> -> memref<1x64xi32, #tpu.memory_space<vmem>>
      %dma_wait3A_224 = tpu.memref_squeeze %dma_wait3A_223 : memref<1x64xi32, #tpu.memory_space<vmem>> -> memref<64xi32, #tpu.memory_space<vmem>>
      %dma_wait3A_225 = arith.constant 0 : i32
      %dma_wait3A_226 = arith.constant 0 : i32
      %dma_wait3A_227 = tpu.memref_slice %arg2[%dma_wait3A_225, %dma_wait3A_226] : memref<20480x128xf32, #tpu.memory_space<hbm>> -> memref<20480x128xf32, #tpu.memory_space<hbm>>
      tpu.wait_indirect_dma semaphore(%arg16 : memref<!tpu.dma_semaphore, #tpu.memory_space<semaphore_mem>>) src(%dma_wait3A_227 : memref<20480x128xf32, #tpu.memory_space<hbm>>) dst(%arg12 : memref<64x128xf32, #tpu.memory_space<vmem>>)
      %dma_start3A_228 = arith.constant 7 : i32
      %dma_start3A_229 = arith.constant 0 : i32
      %dma_start3A_230 = tpu.memref_slice %arg8[%dma_start3A_228, %dma_start3A_229] : memref<8x64xi32, #tpu.memory_space<vmem>> -> memref<1x64xi32, #tpu.memory_space<vmem>>
      %dma_start3A_231 = tpu.memref_squeeze %dma_start3A_230 : memref<1x64xi32, #tpu.memory_space<vmem>> -> memref<64xi32, #tpu.memory_space<vmem>>
      %dma_start3A_232 = arith.constant 0 : i32
      %dma_start3A_233 = arith.constant 0 : i32
      %dma_start3A_234 = tpu.memref_slice %arg6[%dma_start3A_232, %dma_start3A_233] : memref<10240x128xf32, #tpu.memory_space<vmem_shared>> -> memref<10240x128xf32, #tpu.memory_space<vmem_shared>>
      tpu.enqueue_indirect_dma source(%arg12 : memref<64x128xf32, #tpu.memory_space<vmem>>) target(%dma_start3A_234 : memref<10240x128xf32, #tpu.memory_space<vmem_shared>>) offsets(%dma_start3A_231 : memref<64xi32, #tpu.memory_space<vmem>>) semaphore(%arg20 : memref<!tpu.dma_semaphore, #tpu.memory_space<semaphore_mem>>) {add = true}
      %dma_wait3A_235 = arith.constant 4 : i32
      %dma_wait3A_236 = arith.constant 0 : i32
      %dma_wait3A_237 = tpu.memref_slice %arg8[%dma_wait3A_235, %dma_wait3A_236] : memref<8x64xi32, #tpu.memory_space<vmem>> -> memref<1x64xi32, #tpu.memory_space<vmem>>
      %dma_wait3A_238 = tpu.memref_squeeze %dma_wait3A_237 : memref<1x64xi32, #tpu.memory_space<vmem>> -> memref<64xi32, #tpu.memory_space<vmem>>
      %dma_wait3A_239 = arith.constant 0 : i32
      %dma_wait3A_240 = arith.constant 0 : i32
      %dma_wait3A_241 = tpu.memref_slice %arg6[%dma_wait3A_239, %dma_wait3A_240] : memref<10240x128xf32, #tpu.memory_space<vmem_shared>> -> memref<10240x128xf32, #tpu.memory_space<vmem_shared>>
      tpu.wait_indirect_dma semaphore(%arg17 : memref<!tpu.dma_semaphore, #tpu.memory_space<semaphore_mem>>) src(%arg9 : memref<64x128xf32, #tpu.memory_space<vmem>>) dst(%dma_wait3A_241 : memref<10240x128xf32, #tpu.memory_space<vmem_shared>>)
      %dma_wait3A_242 = arith.constant 5 : i32
      %dma_wait3A_243 = arith.constant 0 : i32
      %dma_wait3A_244 = tpu.memref_slice %arg8[%dma_wait3A_242, %dma_wait3A_243] : memref<8x64xi32, #tpu.memory_space<vmem>> -> memref<1x64xi32, #tpu.memory_space<vmem>>
      %dma_wait3A_245 = tpu.memref_squeeze %dma_wait3A_244 : memref<1x64xi32, #tpu.memory_space<vmem>> -> memref<64xi32, #tpu.memory_space<vmem>>
      %dma_wait3A_246 = arith.constant 0 : i32
      %dma_wait3A_247 = arith.constant 0 : i32
      %dma_wait3A_248 = tpu.memref_slice %arg6[%dma_wait3A_246, %dma_wait3A_247] : memref<10240x128xf32, #tpu.memory_space<vmem_shared>> -> memref<10240x128xf32, #tpu.memory_space<vmem_shared>>
      tpu.wait_indirect_dma semaphore(%arg18 : memref<!tpu.dma_semaphore, #tpu.memory_space<semaphore_mem>>) src(%arg10 : memref<64x128xf32, #tpu.memory_space<vmem>>) dst(%dma_wait3A_248 : memref<10240x128xf32, #tpu.memory_space<vmem_shared>>)
      %dma_wait3A_249 = arith.constant 6 : i32
      %dma_wait3A_250 = arith.constant 0 : i32
      %dma_wait3A_251 = tpu.memref_slice %arg8[%dma_wait3A_249, %dma_wait3A_250] : memref<8x64xi32, #tpu.memory_space<vmem>> -> memref<1x64xi32, #tpu.memory_space<vmem>>
      %dma_wait3A_252 = tpu.memref_squeeze %dma_wait3A_251 : memref<1x64xi32, #tpu.memory_space<vmem>> -> memref<64xi32, #tpu.memory_space<vmem>>
      %dma_wait3A_253 = arith.constant 0 : i32
      %dma_wait3A_254 = arith.constant 0 : i32
      %dma_wait3A_255 = tpu.memref_slice %arg6[%dma_wait3A_253, %dma_wait3A_254] : memref<10240x128xf32, #tpu.memory_space<vmem_shared>> -> memref<10240x128xf32, #tpu.memory_space<vmem_shared>>
      tpu.wait_indirect_dma semaphore(%arg19 : memref<!tpu.dma_semaphore, #tpu.memory_space<semaphore_mem>>) src(%arg11 : memref<64x128xf32, #tpu.memory_space<vmem>>) dst(%dma_wait3A_255 : memref<10240x128xf32, #tpu.memory_space<vmem_shared>>)
      %dma_wait3A_256 = arith.constant 7 : i32
      %dma_wait3A_257 = arith.constant 0 : i32
      %dma_wait3A_258 = tpu.memref_slice %arg8[%dma_wait3A_256, %dma_wait3A_257] : memref<8x64xi32, #tpu.memory_space<vmem>> -> memref<1x64xi32, #tpu.memory_space<vmem>>
      %dma_wait3A_259 = tpu.memref_squeeze %dma_wait3A_258 : memref<1x64xi32, #tpu.memory_space<vmem>> -> memref<64xi32, #tpu.memory_space<vmem>>
      %dma_wait3A_260 = arith.constant 0 : i32
      %dma_wait3A_261 = arith.constant 0 : i32
      %dma_wait3A_262 = tpu.memref_slice %arg6[%dma_wait3A_260, %dma_wait3A_261] : memref<10240x128xf32, #tpu.memory_space<vmem_shared>> -> memref<10240x128xf32, #tpu.memory_space<vmem_shared>>
      tpu.wait_indirect_dma semaphore(%arg20 : memref<!tpu.dma_semaphore, #tpu.memory_space<semaphore_mem>>) src(%arg12 : memref<64x128xf32, #tpu.memory_space<vmem>>) dst(%dma_wait3A_262 : memref<10240x128xf32, #tpu.memory_space<vmem_shared>>)
    }
    %scan3A_31 = arith.constant 20 : i32
    %barrier3A_32 = arith.constant 0 : index
    tpu.barrier barrier_id(%barrier3A_32)
    %mul3A_33 = arith.constant 10240 : i32
    %mul3A_34 = arith.muli %arg0, %mul3A_33 : i32
    %add3A_35 = arith.addi %mul3A_34, %mul3A_0 : i32
    "tpu.region"() ({
      %run_scoped3A = tpu.sem_alloc : memref<!tpu.dma_semaphore, #tpu.memory_space<semaphore_mem>>
      %dma_start3A = arith.constant 0 : i32
      %dma_start3A_36 = tpu.memref_slice %arg5[%add3A_35, %dma_start3A] : memref<20480x128xf32, #tpu.memory_space<hbm>> -> memref<640x128xf32, #tpu.memory_space<hbm>>
      %dma_start3A_37 = arith.constant 0 : i32
      %dma_start3A_38 = tpu.memref_slice %arg6[%mul3A_0, %dma_start3A_37] : memref<10240x128xf32, #tpu.memory_space<vmem_shared>> -> memref<640x128xf32, #tpu.memory_space<vmem_shared>>
      tpu.enqueue_dma source(%dma_start3A_38 : memref<640x128xf32, #tpu.memory_space<vmem_shared>>) target(%dma_start3A_36 : memref<640x128xf32, #tpu.memory_space<hbm>>) target_semaphore(%run_scoped3A : memref<!tpu.dma_semaphore, #tpu.memory_space<semaphore_mem>>)
      %dma_wait3A = arith.constant 0 : i32
      %dma_wait3A_39 = tpu.memref_slice %arg5[%add3A_35, %dma_wait3A] : memref<20480x128xf32, #tpu.memory_space<hbm>> -> memref<640x128xf32, #tpu.memory_space<hbm>>
      %dma_wait3A_40 = arith.constant 0 : i32
      %dma_wait3A_41 = tpu.memref_slice %arg6[%mul3A_0, %dma_wait3A_40] : memref<10240x128xf32, #tpu.memory_space<vmem_shared>> -> memref<640x128xf32, #tpu.memory_space<vmem_shared>>
      tpu.wait_dma2 semaphore(%run_scoped3A : memref<!tpu.dma_semaphore, #tpu.memory_space<semaphore_mem>>) src(%dma_wait3A_41 : memref<640x128xf32, #tpu.memory_space<vmem_shared>>) dst(%dma_wait3A_39 : memref<640x128xf32, #tpu.memory_space<hbm>>)
      tpu.yield
    }) : () -> ()
    return
  }
}

module attributes {stable_mosaic.version = 14 : i64} {
  func.func @tc_body(%arg0: i32, %arg1: memref<2x1024x128xf32, #tpu.memory_space<vmem>>, %arg2: memref<2x1024x128xf32, #tpu.memory_space<vmem>>, %arg3: memref<1024x128xf32, #tpu.memory_space<vmem>>, %arg4: memref<512x256xf32, #tpu.memory_space<vmem>>, %arg5: memref<1x256xf32, #tpu.memory_space<vmem>>, %arg6: memref<2x1024x128xf32, #tpu.memory_space<vmem>>) attributes {dimension_semantics = [#tpu.dimension_semantics<arbitrary>], iteration_bounds = array<i64: 10>, scalar_prefetch = 0 : i64, scratch_operands = 0 : i64, tpu.core_type = #tpu.core_type<tc>, window_params = [{transform_indices = @transform_0, window_bounds = array<i64: 2, 1024, 128>}, {transform_indices = @transform_1, window_bounds = array<i64: 2, 1024, 128>}, {transform_indices = @transform_2, window_bounds = array<i64: 1024, 128>}, {pipeline_mode = #tpu.pipeline_mode<synchronous>, transform_indices = @transform_3, window_bounds = array<i64: 512, 256>}, {pipeline_mode = #tpu.pipeline_mode<synchronous>, transform_indices = @transform_4, window_bounds = array<i64: 1, 256>}, {transform_indices = @transform_5, window_bounds = array<i64: 2, 1024, 128>}]} {
    %get3A = arith.constant 0 : index
    %get3A_0 = arith.constant 0 : index
    %get3A_1 = vector.load %arg3[%get3A, %get3A_0] : memref<1024x128xf32, #tpu.memory_space<vmem>>, vector<1024x1xf32>
    %max3A = arith.constant 1.000000e+00 : f32
    %max3A_2 = vector.broadcast %max3A : f32 to vector<1024x1xf32>
    %max3A_3 = arith.maximumf %get3A_1, %max3A_2 : vector<1024x1xf32>
    %div3A = arith.constant 1.000000e+00 : f32
    %div3A_4 = vector.broadcast %div3A : f32 to vector<1024x1xf32>
    %div3A_5 = arith.divf %div3A_4, %max3A_3 : vector<1024x1xf32>
    %get3A_6 = arith.constant 0 : index
    %get3A_7 = arith.constant 0 : index
    %get3A_8 = arith.constant 0 : index
    %get3A_9 = vector.load %arg1[%get3A_6, %get3A_7, %get3A_8] : memref<2x1024x128xf32, #tpu.memory_space<vmem>>, vector<1x1024x128xf32>
    %get3A_10 = vector.shape_cast %get3A_9 : vector<1x1024x128xf32> to vector<1024x128xf32>
    %get3A_11 = arith.constant 0 : index
    %get3A_12 = arith.constant 0 : index
    %get3A_13 = vector.load %arg4[%get3A_11, %get3A_12] : memref<512x256xf32, #tpu.memory_space<vmem>>, vector<128x256xf32>
    %dot_general3A = arith.constant dense<0.000000e+00> : vector<1024x256xf32>
    %dot_general3A_14 = tpu.matmul %get3A_10, %get3A_13, %dot_general3A {dimension_numbers = #tpu.dot_dimension_numbers<[1], [0], [0], [1], [0, 0, 1, 1], [], []>, transpose_lhs_hint = false} : vector<1024x128xf32>, vector<128x256xf32>, vector<1024x256xf32> -> vector<1024x256xf32>
    %get3A_15 = arith.constant 1 : index
    %get3A_16 = arith.constant 0 : index
    %get3A_17 = arith.constant 0 : index
    %get3A_18 = vector.load %arg1[%get3A_15, %get3A_16, %get3A_17] : memref<2x1024x128xf32, #tpu.memory_space<vmem>>, vector<1x1024x128xf32>
    %get3A_19 = vector.shape_cast %get3A_18 : vector<1x1024x128xf32> to vector<1024x128xf32>
    %get3A_20 = arith.constant 128 : index
    %get3A_21 = arith.constant 0 : index
    %get3A_22 = vector.load %arg4[%get3A_20, %get3A_21] : memref<512x256xf32, #tpu.memory_space<vmem>>, vector<128x256xf32>
    %dot_general3A_23 = arith.constant dense<0.000000e+00> : vector<1024x256xf32>
    %dot_general3A_24 = tpu.matmul %get3A_19, %get3A_22, %dot_general3A_23 {dimension_numbers = #tpu.dot_dimension_numbers<[1], [0], [0], [1], [0, 0, 1, 1], [], []>, transpose_lhs_hint = false} : vector<1024x128xf32>, vector<128x256xf32>, vector<1024x256xf32> -> vector<1024x256xf32>
    %add3A = arith.addf %dot_general3A_14, %dot_general3A_24 : vector<1024x256xf32>
    %get3A_25 = arith.constant 0 : index
    %get3A_26 = arith.constant 0 : index
    %get3A_27 = arith.constant 0 : index
    %get3A_28 = vector.load %arg2[%get3A_25, %get3A_26, %get3A_27] : memref<2x1024x128xf32, #tpu.memory_space<vmem>>, vector<1x1024x128xf32>
    %get3A_29 = vector.shape_cast %get3A_28 : vector<1x1024x128xf32> to vector<1024x128xf32>
    %mul3A = vector.broadcast %div3A_5 : vector<1024x1xf32> to vector<1024x128xf32>
    %mul3A_30 = arith.mulf %get3A_29, %mul3A : vector<1024x128xf32>
    %get3A_31 = arith.constant 256 : index
    %get3A_32 = arith.constant 0 : index
    %get3A_33 = vector.load %arg4[%get3A_31, %get3A_32] : memref<512x256xf32, #tpu.memory_space<vmem>>, vector<128x256xf32>
    %dot_general3A_34 = arith.constant dense<0.000000e+00> : vector<1024x256xf32>
    %dot_general3A_35 = tpu.matmul %mul3A_30, %get3A_33, %dot_general3A_34 {dimension_numbers = #tpu.dot_dimension_numbers<[1], [0], [0], [1], [0, 0, 1, 1], [], []>, transpose_lhs_hint = false} : vector<1024x128xf32>, vector<128x256xf32>, vector<1024x256xf32> -> vector<1024x256xf32>
    %add3A_36 = arith.addf %add3A, %dot_general3A_35 : vector<1024x256xf32>
    %get3A_37 = arith.constant 1 : index
    %get3A_38 = arith.constant 0 : index
    %get3A_39 = arith.constant 0 : index
    %get3A_40 = vector.load %arg2[%get3A_37, %get3A_38, %get3A_39] : memref<2x1024x128xf32, #tpu.memory_space<vmem>>, vector<1x1024x128xf32>
    %get3A_41 = vector.shape_cast %get3A_40 : vector<1x1024x128xf32> to vector<1024x128xf32>
    %mul3A_42 = vector.broadcast %div3A_5 : vector<1024x1xf32> to vector<1024x128xf32>
    %mul3A_43 = arith.mulf %get3A_41, %mul3A_42 : vector<1024x128xf32>
    %get3A_44 = arith.constant 384 : index
    %get3A_45 = arith.constant 0 : index
    %get3A_46 = vector.load %arg4[%get3A_44, %get3A_45] : memref<512x256xf32, #tpu.memory_space<vmem>>, vector<128x256xf32>
    %dot_general3A_47 = arith.constant dense<0.000000e+00> : vector<1024x256xf32>
    %dot_general3A_48 = tpu.matmul %mul3A_43, %get3A_46, %dot_general3A_47 {dimension_numbers = #tpu.dot_dimension_numbers<[1], [0], [0], [1], [0, 0, 1, 1], [], []>, transpose_lhs_hint = false} : vector<1024x128xf32>, vector<128x256xf32>, vector<1024x256xf32> -> vector<1024x256xf32>
    %add3A_49 = arith.addf %add3A_36, %dot_general3A_48 : vector<1024x256xf32>
    %get3A_50 = arith.constant 0 : index
    %get3A_51 = arith.constant 0 : index
    %get3A_52 = vector.load %arg5[%get3A_50, %get3A_51] : memref<1x256xf32, #tpu.memory_space<vmem>>, vector<1x256xf32>
    %add3A_53 = vector.broadcast %get3A_52 : vector<1x256xf32> to vector<1024x256xf32>
    %add3A_54 = arith.addf %add3A_49, %add3A_53 : vector<1024x256xf32>
    %mul3A_55 = arith.mulf %add3A_54, %add3A_54 : vector<1024x256xf32>
    %reduce_sum3A = arith.constant dense<0.000000e+00> : vector<1024xf32>
    %reduce_sum3A_56 = vector.multi_reduction <add>, %mul3A_55, %reduce_sum3A [1] : vector<1024x256xf32> to vector<1024xf32>
    %broadcast_in_dim3A = vector.shape_cast %reduce_sum3A_56 : vector<1024xf32> to vector<1024x1xf32>
    %sqrt3A = math.sqrt %broadcast_in_dim3A : vector<1024x1xf32>
    %max3A_57 = arith.constant 9.99999996E-13 : f32
    %max3A_58 = vector.broadcast %max3A_57 : f32 to vector<1024x1xf32>
    %max3A_59 = arith.maximumf %sqrt3A, %max3A_58 : vector<1024x1xf32>
    %div3A_60 = vector.broadcast %max3A_59 : vector<1024x1xf32> to vector<1024x256xf32>
    %div3A_61 = arith.divf %add3A_54, %div3A_60 : vector<1024x256xf32>
    %slice3A = vector.extract_strided_slice %div3A_61 {offsets = [0, 0], sizes = [1024, 128], strides = [1, 1]} : vector<1024x256xf32> to vector<1024x128xf32>
    %swap3A = arith.constant 0 : index
    %swap3A_62 = arith.constant 0 : index
    %swap3A_63 = arith.constant 0 : index
    %swap3A_64 = vector.load %arg6[%swap3A, %swap3A_62, %swap3A_63] : memref<2x1024x128xf32, #tpu.memory_space<vmem>>, vector<1x1024x128xf32>
    %swap3A_65 = vector.shape_cast %swap3A_64 : vector<1x1024x128xf32> to vector<1024x128xf32>
    %swap3A_66 = vector.shape_cast %slice3A : vector<1024x128xf32> to vector<1x1024x128xf32>
    tpu.vector_store %arg6[%swap3A, %swap3A_62, %swap3A_63], %swap3A_66 {strides = array<i32>} : memref<2x1024x128xf32, #tpu.memory_space<vmem>>, vector<1x1024x128xf32>,
    %slice3A_67 = vector.extract_strided_slice %div3A_61 {offsets = [0, 128], sizes = [1024, 128], strides = [1, 1]} : vector<1024x256xf32> to vector<1024x128xf32>
    %swap3A_68 = arith.constant 1 : index
    %swap3A_69 = arith.constant 0 : index
    %swap3A_70 = arith.constant 0 : index
    %swap3A_71 = vector.load %arg6[%swap3A_68, %swap3A_69, %swap3A_70] : memref<2x1024x128xf32, #tpu.memory_space<vmem>>, vector<1x1024x128xf32>
    %swap3A_72 = vector.shape_cast %swap3A_71 : vector<1x1024x128xf32> to vector<1024x128xf32>
    %swap3A_73 = vector.shape_cast %slice3A_67 : vector<1024x128xf32> to vector<1x1024x128xf32>
    tpu.vector_store %arg6[%swap3A_68, %swap3A_69, %swap3A_70], %swap3A_73 {strides = array<i32>} : memref<2x1024x128xf32, #tpu.memory_space<vmem>>, vector<1x1024x128xf32>,
    return
  }
  func.func @transform_0(%arg0: i32) -> (i32, i32, i32) {
    %c0_i32 = arith.constant 0 : i32
    %c0_i32_0 = arith.constant 0 : i32
    %c0_i32_1 = arith.constant 0 : i32
    return %c0_i32, %arg0, %c0_i32_0 : i32, i32, i32
  }
  func.func @transform_1(%arg0: i32) -> (i32, i32, i32) {
    %c0_i32 = arith.constant 0 : i32
    %c0_i32_0 = arith.constant 0 : i32
    %c0_i32_1 = arith.constant 0 : i32
    return %c0_i32, %arg0, %c0_i32_0 : i32, i32, i32
  }
  func.func @transform_2(%arg0: i32) -> (i32, i32) {
    %c0_i32 = arith.constant 0 : i32
    %c0_i32_0 = arith.constant 0 : i32
    return %arg0, %c0_i32 : i32, i32
  }
  func.func @transform_3(%arg0: i32) -> (i32, i32) {
    %c0_i32 = arith.constant 0 : i32
    %c0_i32_0 = arith.constant 0 : i32
    %c0_i32_1 = arith.constant 0 : i32
    return %c0_i32, %c0_i32_0 : i32, i32
  }
  func.func @transform_4(%arg0: i32) -> (i32, i32) {
    %c0_i32 = arith.constant 0 : i32
    %c0_i32_0 = arith.constant 0 : i32
    %c0_i32_1 = arith.constant 0 : i32
    return %c0_i32, %c0_i32_0 : i32, i32
  }
  func.func @transform_5(%arg0: i32) -> (i32, i32, i32) {
    %c0_i32 = arith.constant 0 : i32
    %c0_i32_0 = arith.constant 0 : i32
    %c0_i32_1 = arith.constant 0 : i32
    return %c0_i32, %arg0, %c0_i32_0 : i32, i32, i32
  }
}

</mosaic_0001>

<sc_bundles>
// kernel: kernel.10.cloned.1.call-start
scs
__scs_entry_jumppad:
0x0: {  	(pc) =	sbr.rel $0x88, $3  }
0x1: {  	(tag) =	ssettag $0x0;
	lr =	simm.s32 $0x1  }
0x2: {  	[smem:$0x3F9B] =	sst lr;
	_ =	strace $0xD0000000  }
0x3: {  	_ = 	snop  }
0x4: {  	_ = 	snop  }
0x5: {  	_ = 	snop  }
0x6: {  	_ = 	snop  }
0x7: {  	_ = 	snop  }
__scs_overlays_trampoline_lowered:
0x8: {  	[smem:$0x3FAA] =	sst s0  }
0x9: {  	[smem:$0x3FAB] =	sst s1  }
0xa: {  	[smem:$0x3FAC] =	sst s2  }
0xb: {  	[smem:$0x3FAD] =	sst s3  }
0xc: {  	[smem:$0x3FAE] =	sst s4  }
0xd: {  	[smem:$0x3FAF] =	sst s5  }
0xe: {  	[smem:$0x3FB0] =	sst s6  }
0xf: {  	[smem:$0x3FB1] =	sst s7  }
0x10: {  	[smem:$0x3FB2] =	sst s8  }
0x11: {  	[smem:$0x3FB3] =	sst s9;
	s0 =	simm.s32 @!p0 $0x0  }
0x12: {  	s1 =	sld [smem:$0x3F99];
	s0 =	simm.s32 @p0 $0x1  }
0x13: {  	[smem:$0x3FB4] =	sst s0;
	s0 =	simm.s32 @!p1 $0x0  }
0x14: {  	s2 =	sld [smem:$0x3F98];
	s0 =	simm.s32 @p1 $0x1  }
0x15: {  	[smem:$0x3FB5] =	sst s0;
	s0 =	simm.s32 @!p2 $0x0  }
0x16: {  	s3 =	sld [smem:$0x3FDB];
	s0 =	simm.s32 @p2 $0x1  }
0x17: {  	s4 =	simm.s32 $0x1BF5;
	[smem:$0x3FB7] =	sst s0  }
0x18: {  	s0 =	sld [smem:$0x3F9A];
	_ =	swait.ge [sflag:s4], $0x0  }
0x19: {  	s7 =	sld [smem:$0x3F9B]  }
0x1a: {  	s8 =	sadd.s32 $0xFFFFE003, lr  }
0x1b: {  	s9 =	sadd.s32 $0xFFFFFEF7, lr;
	s5 =	simm.s32 $0xFFFFFFFF;
	p2 =	slt.u32 s8, $0xFFFFF086  }
0x1c: {  	p1 =	slt.u32 s9, $0xF7A;
	s5 =	simm.s32 @!p2 $0x0  }
0x1d: {  	s5 =	simm.s32 @p1 $0x1;
	p0 =	seq.s32 s7, s2  }
0x1e: {  	s7 =	smul.u32 @!p0 $0xF7A, s2;
	p2 =	seq.s32 @!p0 s5, $0x0  }
0x1f: {  	s9 =	smul.u32 $0xF7A, s1;
	s8 =	simm.s32 @!p0 $0x1BF5;
	p2 =	por !p2, p0  }
0x20: {  	[sflag:s8] =	ssyncset.s32 @!p0 $0xFFFFF086;
	s6 =	sadd.s32 @!p0 s3, s7;
	s7 =	simm.s32 @!p0 $0x108  }
0x21: {  	s3 =	sadd.s32 s3, s9;
	s6 =	sadd.s32 @!p0 $0x88, s6;
	s7 =	simm.s32 @p2 $0x1082  }
0x22: {  	[simem:s7], [sflag:s8] =	dma.local @!p0 [hbm:s6], $0xF7A  }
0x23: {  	s9 =	sor.u32 $0xD0000000, s2;
	s6 =	simm.s32 $0x108;
	_ =	swait.ge @!p0 [sflag:s8], $0x0  }
0x24: {  	s3 =	sadd.s32 $0x88, s3;
	s6 =	simm.s32 @!p1 $0x1082;
	[sflag:s4] =	ssyncset.s32 $0xFFFFF086  }
0x25: {  	[simem:s6], [sflag:s4] =	dma.local [hbm:s3], $0xF7A  }
0x26: {  	[smem:$0x3F9B] =	sst s1;
	(tag) =	ssettag s2;
	_ =	strace s9  }
0x27: {  	s1 =	sld [smem:$0x3FAB]  }
0x28: {  	s2 =	sld [smem:$0x3FAC]  }
0x29: {  	s4 =	sld [smem:$0x3FAE]  }
0x2a: {  	p0 =	seq.s32 s5, $0x0;
	s5 =	sld [smem:$0x3FAF]  }
0x2b: {  	s6 =	sld [smem:$0x3FB0]  }
0x2c: {  	s7 =	sld [smem:$0x3FB1]  }
0x2d: {  	s3 =	simm.s32 $0x108;
	s8 =	sld [smem:$0x3FB2]  }
0x2e: {  	s3 =	simm.s32 @!p0 $0x1082;
	s9 =	sld [smem:$0x3FB3]  }
0x2f: {  	lr =	sadd.s32 s0, s3;
	s0 =	sld [smem:$0x3FAA]  }
0x30: {  	s3 =	sld [smem:$0x3FAD]  }
0x31: {  	[smem:$0x3FB6] =	sst s10  }
0x32: {  	s10 =	sld [smem:$0x3FB4];
	_ =	sdelay $0x3  }
0x33: {  	p0 =	seq.s32 s10, $0x1;
	s10 =	sld [smem:$0x3FB6];
	_ =	sdelay $0x3  }
0x34: {  	[smem:$0x3FB6] =	sst s10  }
0x35: {  	s10 =	sld [smem:$0x3FB5];
	_ =	sdelay $0x3  }
0x36: {  	p1 =	seq.s32 s10, $0x1;
	s10 =	sld [smem:$0x3FB6];
	_ =	sdelay $0x3  }
0x37: {  	[smem:$0x3FB6] =	sst s10  }
0x38: {  	s10 =	sld [smem:$0x3FB7]  }
0x39: {  	_ = 	snop;
	(pc) =	sbr.ind lr, $3  }
0x3a: {  	_ = 	snop  }
0x3b: {  	_ = 	snop  }
0x3c: {  	p2 =	seq.s32 s10, $0x1;
	s10 =	sld [smem:$0x3FB6]  }
0x3d: {  	_ =	shalt  }
0x3e: {  	_ =	shalt  }
0x3f: {  	_ =	shalt  }
0x40: {  	_ =	shalt  }
0x41: {  	_ =	shalt  }
0x42: {  	_ =	shalt  }
0x43: {  	_ =	shalt  }
0x44: {  	_ =	shalt  }
0x45: {  	_ =	shalt  }
0x46: {  	_ =	shalt  }
0x47: {  	_ =	shalt  }
0x48: {  	_ =	shalt  }
0x49: {  	_ =	shalt  }
0x4a: {  	_ =	shalt  }
0x4b: {  	_ =	shalt  }
0x4c: {  	_ =	shalt  }
0x4d: {  	_ =	shalt  }
0x4e: {  	_ =	shalt  }
0x4f: {  	_ =	shalt  }
0x50: {  	_ =	shalt  }
0x51: {  	_ =	shalt  }
0x52: {  	_ =	shalt  }
0x53: {  	_ =	shalt  }
0x54: {  	_ =	shalt  }
0x55: {  	_ =	shalt  }
0x56: {  	_ =	shalt  }
0x57: {  	_ =	shalt  }
0x58: {  	_ =	shalt  }
0x59: {  	_ =	shalt  }
0x5a: {  	_ =	shalt  }
0x5b: {  	_ =	shalt  }
0x5c: {  	_ =	shalt  }
0x5d: {  	_ =	shalt  }
0x5e: {  	_ =	shalt  }
0x5f: {  	_ =	shalt  }
0x60: {  	_ =	shalt  }
0x61: {  	_ =	shalt  }
0x62: {  	_ =	shalt  }
0x63: {  	_ =	shalt  }
0x64: {  	_ =	shalt  }
0x65: {  	_ =	shalt  }
0x66: {  	_ =	shalt  }
0x67: {  	_ =	shalt  }
0x68: {  	_ =	shalt  }
0x69: {  	_ =	shalt  }
0x6a: {  	_ =	shalt  }
0x6b: {  	_ =	shalt  }
0x6c: {  	_ =	shalt  }
0x6d: {  	_ =	shalt  }
0x6e: {  	_ =	shalt  }
0x6f: {  	_ =	shalt  }
0x70: {  	_ =	shalt  }
0x71: {  	_ =	shalt  }
0x72: {  	_ =	shalt  }
0x73: {  	_ =	shalt  }
0x74: {  	_ =	shalt  }
0x75: {  	_ =	shalt  }
0x76: {  	_ =	shalt  }
0x77: {  	_ =	shalt  }
0x78: {  	_ =	shalt  }
0x79: {  	_ =	shalt  }
0x7a: {  	_ =	shalt  }
0x7b: {  	_ =	shalt  }
0x7c: {  	_ =	shalt  }
0x7d: {  	_ =	shalt  }
0x7e: {  	_ =	shalt  }
0x7f: {  	_ =	shalt  }
0x80: {  	_ =	shalt  }
0x81: {  	_ =	shalt  }
0x82: {  	_ =	shalt  }
0x83: {  	_ =	shalt  }
0x84: {  	_ =	shalt  }
0x85: {  	_ =	shalt  }
0x86: {  	_ =	shalt  }
0x87: {  	_ =	shalt  }
.Lfunc_end0:
.L_simem_size_0:
called_computation.1_lowered:
.L_overlay_start_0:
0x88: {  	s2 =	sld [smem:$0x3FD9]  }
0x89: {  	s3 =	sld [smem:$0x3FFE];
	_ =	sdelay $0x1  }
0x8a: {  	s1 =	srdreg.scid  }
0x8b: {  	s0 =	sand.u32 $0x1, s1  }
0x8c: {  	s16 =	sshll.u32 s0, $0xA;
	s2 =	sadd.s32 s3, s2  }
0x8d: {  	s2 =	sadd.s32 s2, s16  }
0x8e: {  	[smem:$0x3FC2] =	sst s2  }
0x8f: {  	_ = 	snop  }
0x90: {  	(tm) =	ssettm $0x1  }
0x91: {  	s17 =	sld [smem:$0x3FFB];
	_ =	sdelay $0x3  }
0x92: {  	_ =	strace s17  }
0x93: {  	s2 =	sld [smem:$0x3FFC];
	_ =	sdelay $0x3  }
0x94: {  	_ =	strace s2  }
0x95: {  	s2 =	sld [smem:$0x3FFD];
	_ =	sdelay $0x3  }
0x96: {  	_ =	strace s2  }
0x97: {  	_ =	strace $0x8FFFFFFF  }
0x98: {  	s18 =	sld [smem:$0x3FDB];
	_ =	sdelay $0x1  }
0x99: {  	s19 =	simm.s32 $_scs_section_size  }
0x9a: {  	s4 =	simm.s32 $_size__tile_overlayer_lowered;
	s5 =	simm.s32 $_tile_overlayer_lowered  }
0x9b: {  	s22 =	simm.s32 $0x1BFF;
	s21 =	sshll.u32 s5, $0x1;
	s2 =	sadd.s32 s19, s18  }
0x9c: {  	s6 =	simm.s32 $0x0;
	s20 =	sshll.u32 s4, $0x1;
	s4 =	sadd.s32 s21, s2  }
0x9d: {  	[timem:s6], [sflag:s22] =	dma.local [hbm:s4], s20  }
0x9e: {  	_ =	swait.ge [sflag:s22], s20  }
0x9f: {  	s3 =	ssub.s32 $0x0, s20;
	[sflag:s22] =	ssyncset.done $0x0  }
0xa0: {  	[sflag:s22] =	ssyncadd.s32 s3;
	_ =	sdelay $0x1  }
0xa1: {  	s23 =	simm.s32 $0x1B8B  }
0xa2: {  	_ =	swait.ge [sflag:s23], $0x1  }
0xa3: {  	[sflag:s23] =	ssyncset.done $0x0  }
0xa4: {  	s25 =	simm.s32 $0x1B8E;
	s24 =	sld [smem:$0x3FFE];
	[sflag:s23] =	ssyncadd.s32 $0xFFFFFFFF  }
0xa5: {  	s26 =	simm.s32 $execute0_lowered;
	[smem:$0x3FD2] =	sst s25  }
0xa6: {  	s4 =	sshll.u32 s26, $0x1;
	_ =	strace $0x80000046;
	[dreg:$0x1] =	wrdreg $0xFFFFFFFF  }
0xa7: {  	s28 =	simm.s32 $_size_execute0_lowered;
	s2 =	sadd.s32 s2, s4;
	[dreg:$0x0] =	wrdreg $0x0  }
0xa8: {  	s4 =	sshll.u32 s28, $0x1;
	[dreg:$0x2] =	wrdreg s2  }
0xa9: {  	[dreg:$0x3] =	wrdreg s4  }
0xaa: {  	[dreg:$0x4] =	wrdreg $0xC0  }
0xab: {  	_ =	task [dreg:s6], $0x5FFFF  }
0xac: {  	[dreg:$0x1] =	wrdreg $0xFFFFFFFF  }
0xad: {  	[dreg:$0x0] =	wrdreg $0x60  }
0xae: {  	[dreg:$0x2] =	wrdreg s24  }
0xaf: {  	[dreg:$0x3] =	wrdreg $0x0  }
0xb0: {  	[dreg:$0x4] =	wrdreg $0xA  }
0xb1: {  	_ =	task.clear_ibuf [dreg:s6], $0x5FFFF;
	_ =	strace $0x90000046  }
0xb2: {  	s29 =	simm.s32 $0xA;
	_ =	strace $0x80000048  }
0xb3: {  	_ =	swait.ge [sflag:s29], $0x1  }
0xb4: {  	[sflag:s29] =	ssyncadd.s32 $0xFFFFFFFF  }
0xb5: {  	_ =	strace $0x90000048  }
0xb6: {  	_ =	sfence  }
0xb7: {  	s30 =	sld [smem:$0x0];
	_ =	sdelay $0x2  }
0xb8: {  	s31 =	sshll.u32 s1, $0xD;
	s1 =	sshrl.u32 s1, $0x2  }
0xb9: {  	s3 =	sand.u32 $0x4000, s31;
	s1 =	sadd.s32 s1, s30  }
0xba: {  	s0 =	sor.u32 s3, s0;
	s1 =	sshll.u32 s1, $0x11  }
0xbb: {  	s0 =	sor.u32 s1, s0  }
0xbc: {  	s0 =	sadd.s32 $0x8F2B, s0  }
0xbd: {  	[sflag:s0] =	ssyncadd.remote.s32 $0x1  }
0xbe: {  	_ =	sfence.sel $0xFFFF  }
0xbf: {  	[dreg:$0x0] =	wrdreg $0xFFFFFFFF;
	(pc) =	sbr.abs _section_cstart, $3  }
0xc0: {  	[dreg:$0x1] =	wrdreg $0xFFFFFFFF  }
0xc1: {  	_ =	task.clear_ibuf [dreg:s6], $0x2FFFF;
	_ =	strace $0x9FFFFFFF  }
0xc2: {  	(tm) =	ssettm $0x7FFFFFFF  }
0xc3: {  	_ =	shalt  }
tec
execute0_lowered:
.L_overlay_start_1:
0x0: {  	(tag) =	ssettag $0x1  }
0x1: {  	s0 =	srdreg.scid  }
0x2: {  	s1 =	rddreg [dreg:$0x0];
	s8 =	stileid.u32  }
0x3: {  	s2 =	rddreg [dreg:$0x1];
	s3 =	simm.s32 $0x0;
	s21 =	simm.s32 $0x14080  }
0x4: {  	s22 =	simm.s32 $0x14100;
	s23 =	simm.s32 $0x14180;
	s5 =	smul.u32 $0x5000, s8  }
0x5: {  	s24 =	simm.s32 $0x14200;
	s28 =	simm.s32 $0x2;
	s6 =	smul.u32 $0xA00, s8  }
0x6: {  	s29 =	simm.s32 $0x6;
	s30 =	simm.s32 $0x3;
	s25 =	smul.u32 $0x2800, s8  }
0x7: {  	s0 =	sand.u32 $0x1, s0;
	[smem:$0x7FF] =	sst s3;
	s8 =	smul.u32 $0x50000, s8  }
0x8: {  	s4 =	smul.u32 $0x50000, s0;
	_ =	strace $0x80000047;
	[dreg:$0x5] =	wrdreg s21  }
0x9: {  	s31 =	simm.s32 $0x14500;
	s9 =	smul.u32 $0x28000, s0;
	[dreg:$0x6] =	wrdreg s22  }
0xa: {  	s0 =	ssub.s32 $0x2, s0;
	s21 =	simm.s32 $0x40;
	[dreg:$0x7] =	wrdreg s23  }
0xb: {  	s22 =	simm.s32 $0x16800;
	[dreg:$0x8] =	wrdreg s24;
	s8 =	sshrl.u32 s8, $0x2  }
0xc: {  	s6 =	sadd.s32 s6, s1;
	s26 =	sshrl.u32 s0, $0x1;
	s8 =	sadd.s32 s8, s2  }
0xd: {  	s4 =	sadd.s32 s4, s5;
	s20 =	sadd.s32 $0x15600, s6;
	[dreg:$0xb] =	wrdreg s8  }
0xe: {  	s5 =	sadd.s32 s25, s9;
	s25 =	simm.s32 $0x14480;
	[dreg:$0x4] =	wrdreg s20  }
0xf: {  	s0 =	ssub.s32 s0, s26;
	s26 =	simm.s32 $0x14280;
	[dreg:$0x9] =	wrdreg s25  }
0x10: {  	s23 =	simm.s32 $0x18800;
	s10 =	sadd.s32 $0x2000, s8;
	[dreg:$0xa] =	wrdreg s26  }
0x11: {  	s24 =	simm.s32 $0x1A800;
	s11 =	sadd.s32 $0x4000, s8;
	[dreg:$0xc] =	wrdreg s10  }
0x12: {  	s6 =	simm.s32 $0x4;
	s12 =	sadd.s32 $0x6000, s8;
	[dreg:$0xd] =	wrdreg s11  }
0x13: {  	s9 =	simm.s32 $0x14380;
	s13 =	sadd.s32 $0x8000, s8;
	[dreg:$0xe] =	wrdreg s12  }
0x14: {  	s7 =	sshrl.u32 s4, $0x3;
	s14 =	sadd.s32 $0xA000, s8;
	[dreg:$0xf] =	wrdreg s13  }
0x15: {  	s4 =	sadd.s32 $0x1F600, s1;
	s15 =	sadd.s32 $0xC000, s8;
	[dreg:$0x10] =	wrdreg s14  }
0x16: {  	s16 =	sadd.s32 $0xE000, s8;
	s17 =	sadd.s32 $0x10000, s8;
	[dreg:$0x11] =	wrdreg s15  }
0x17: {  	s18 =	sadd.s32 $0x12000, s8;
	s0 =	smax.u32 s0, $0x1;
	[dreg:$0x12] =	wrdreg s16  }
0x18: {  	s20 =	simm.s32 $0x14400;
	s25 =	simm.s32 $0x1;
	[dreg:$0x13] =	wrdreg s17  }
0x19: {  	s26 =	simm.s32 $0x5;
	s8 =	simm.s32 $0x8;
	[dreg:$0x14] =	wrdreg s18  }
0x1a: {  	s7 =	sadd.s32 s7, s1;
	s1 =	sadd.s32 s5, s1;
	[dreg:$0x16] =	wrdreg s0  }
0x1b: {  	s17 =	simm.s32 $0x14800;
	s18 =	simm.s32 $0x9;
	s0 =	simm.s32 $0x14300  }
0x1c: {  	s10 =	simm.s32 $0x14600;
	s11 =	simm.s32 $0x14680;
	s12 =	simm.s32 $0x14700  }
0x1d: {  	s13 =	simm.s32 $0x14780;
	s14 =	simm.s32 $0x0;
	s1 =	sadd.s32 $0x6F600, s1  }
0x1e: {  	s19 =	sadd.s32 $0x1600, s7;
	s7 =	simm.s32 $0x14580;
	[dreg:$0x15] =	wrdreg s1  }
0x1f: {  	v0 =	vimm.f32 $0.0e+00;
	[dreg:$0x3] =	wrdreg s19;
	s19 =	simm.s32 $0x14000;
	s1 =	simm.s32 $0x7  }
.LBB2_1:
0x20: {  	s15 =	simm.s32 $0x0;
	s16 =	simm.s32 $0x200  }
.LBB2_2:
0x21: {  	p0 =	sne.s32 s16, $0x7E00;
	[tilespmem:s15+$0x14870] =	vst v0  }
0x22: {  	[tilespmem:s15+$0x14800] =	vst v0  }
0x23: {  	[tilespmem:s15+$0x14810] =	vst v0  }
.Ltmp0:
0x24: {  	[tilespmem:s15+$0x14820] =	vst v0;
	(pc) =	sbr.rel @p0 .LBB2_2-.Ltmp0, $4  }
0x25: {  	[tilespmem:s15+$0x14830] =	vst v0  }
0x26: {  	[tilespmem:s15+$0x14840] =	vst v0  }
0x27: {  	[tilespmem:s15+$0x14850] =	vst v0  }
0x28: {  	[tilespmem:s15+$0x14860] =	vst v0;
	s15 =	sshra.s32 s16, $0x2;
	s16 =	sadd.s32 $0x200, s16  }
0x29: {  	[tilespmem:s15+$0x14870] =	vst v0  }
0x2a: {  	[tilespmem:s15+$0x14800] =	vst v0  }
0x2b: {  	[tilespmem:s15+$0x14810] =	vst v0  }
0x2c: {  	[tilespmem:s15+$0x14820] =	vst v0  }
0x2d: {  	[tilespmem:s15+$0x14830] =	vst v0  }
0x2e: {  	[tilespmem:s15+$0x14840] =	vst v0  }
0x2f: {  	[dreg:$0x17] =	wrdreg s14;
	[tilespmem:s15+$0x14850] =	vst v0  }
0x30: {  	[tilespmem:s15+$0x14860] =	vst v0;
	s5 =	rddreg [dreg:$0xb]  }
0x31: {  	[spmem:s5] =	stream.linear.scatter [tilespmem:s17], [sflag:$0x9], $0x2000, $0x38;
	[tilespmem:$0x1C800] =	vst v63  }
0x32: {  	_ =	swait.ge [sflag:s18], $0x2000  }
0x33: {  	[sflag:s18] =	ssyncset.done $0x0  }
0x34: {  	s14 =	rddreg [dreg:$0xc];
	[sflag:s18] =	ssyncadd.s32 $0xFFFFE000  }
0x35: {  	[spmem:s14] =	stream.linear.scatter [tilespmem:s17], [sflag:$0x9], $0x2000, $0x38;
	[tilespmem:$0x1C800] =	vst v63  }
0x36: {  	_ =	swait.ge [sflag:s18], $0x2000  }
0x37: {  	[sflag:s18] =	ssyncset.done $0x0  }
0x38: {  	s15 =	rddreg [dreg:$0xd];
	[sflag:s18] =	ssyncadd.s32 $0xFFFFE000  }
0x39: {  	[spmem:s15] =	stream.linear.scatter [tilespmem:s17], [sflag:$0x9], $0x2000, $0x38;
	[tilespmem:$0x1C800] =	vst v63  }
0x3a: {  	_ =	swait.ge [sflag:s18], $0x2000  }
0x3b: {  	[sflag:s18] =	ssyncset.done $0x0  }
0x3c: {  	s16 =	rddreg [dreg:$0xe];
	[sflag:s18] =	ssyncadd.s32 $0xFFFFE000  }
0x3d: {  	[spmem:s16] =	stream.linear.scatter [tilespmem:s17], [sflag:$0x9], $0x2000, $0x38;
	[tilespmem:$0x1C800] =	vst v63  }
0x3e: {  	_ =	swait.ge [sflag:s18], $0x2000  }
0x3f: {  	[sflag:s18] =	ssyncset.done $0x0  }
0x40: {  	s14 =	rddreg [dreg:$0xf];
	[sflag:s18] =	ssyncadd.s32 $0xFFFFE000  }
0x41: {  	[spmem:s14] =	stream.linear.scatter [tilespmem:s17], [sflag:$0x9], $0x2000, $0x38;
	[tilespmem:$0x1C800] =	vst v63  }
0x42: {  	_ =	swait.ge [sflag:s18], $0x2000  }
0x43: {  	[sflag:s18] =	ssyncset.done $0x0  }
0x44: {  	s15 =	rddreg [dreg:$0x10];
	[sflag:s18] =	ssyncadd.s32 $0xFFFFE000  }
0x45: {  	[spmem:s15] =	stream.linear.scatter [tilespmem:s17], [sflag:$0x9], $0x2000, $0x38;
	[tilespmem:$0x1C800] =	vst v63  }
0x46: {  	_ =	swait.ge [sflag:s18], $0x2000  }
0x47: {  	[sflag:s18] =	ssyncset.done $0x0  }
0x48: {  	s16 =	rddreg [dreg:$0x11];
	[sflag:s18] =	ssyncadd.s32 $0xFFFFE000  }
0x49: {  	[spmem:s16] =	stream.linear.scatter [tilespmem:s17], [sflag:$0x9], $0x2000, $0x38;
	[tilespmem:$0x1C800] =	vst v63  }
0x4a: {  	_ =	swait.ge [sflag:s18], $0x2000  }
0x4b: {  	[sflag:s18] =	ssyncset.done $0x0  }
0x4c: {  	s14 =	rddreg [dreg:$0x12];
	[sflag:s18] =	ssyncadd.s32 $0xFFFFE000  }
0x4d: {  	[spmem:s14] =	stream.linear.scatter [tilespmem:s17], [sflag:$0x9], $0x2000, $0x38;
	[tilespmem:$0x1C800] =	vst v63  }
0x4e: {  	_ =	swait.ge [sflag:s18], $0x2000  }
0x4f: {  	[sflag:s18] =	ssyncset.done $0x0  }
0x50: {  	s15 =	rddreg [dreg:$0x13];
	[sflag:s18] =	ssyncadd.s32 $0xFFFFE000  }
0x51: {  	[spmem:s15] =	stream.linear.scatter [tilespmem:s17], [sflag:$0x9], $0x2000, $0x38;
	[tilespmem:$0x1C800] =	vst v63  }
0x52: {  	_ =	swait.ge [sflag:s18], $0x2000  }
0x53: {  	[sflag:s18] =	ssyncset.done $0x0  }
0x54: {  	s16 =	rddreg [dreg:$0x14];
	[sflag:s18] =	ssyncadd.s32 $0xFFFFE000  }
0x55: {  	[spmem:s16] =	stream.linear.scatter [tilespmem:s17], [sflag:$0x9], $0x2000, $0x38;
	[tilespmem:$0x1C800] =	vst v63  }
0x56: {  	_ =	swait.ge [sflag:s18], $0x2000  }
0x57: {  	[sflag:s18] =	ssyncset.done $0x0  }
0x58: {  	[sflag:s18] =	ssyncadd.s32 $0xFFFFE000  }
0x59: {  	[bflag:$0x0] =	sbarrier.arrive $0xFFFF  }
0x5a: {  	s14 =	rddreg [dreg:$0x3]  }
0x5b: {  	s5 =	sadd.s32 $0x0, s14  }
0x5c: {  	[tilespmem:s19], [sflag:$0x9] =	stream.linear.gather [hbm4b:s5+s3], $0x400, $0x38;
	[tilespmem:$0x1C800] =	vst v63  }
0x5d: {  	_ =	swait.ge [sflag:s18], $0x400  }
0x5e: {  	s15 =	rddreg [dreg:$0x4];
	[sflag:s18] =	ssyncset.done $0x0  }
0x5f: {  	[sflag:s18] =	ssyncadd.s32 $0xFFFFFC00;
	s5 =	sadd.s32 $0x0, s15  }
0x60: {  	[tilespmem:s20], [sflag:$0x9] =	stream.linear.gather [hbm4b:s5+s3], $0x400, $0x38;
	[tilespmem:$0x1C800] =	vst v63  }
0x61: {  	_ =	swait.ge [sflag:s18], $0x400  }
0x62: {  	[sflag:s18] =	ssyncset.done $0x0  }
0x63: {  	[sflag:s18] =	ssyncadd.s32 $0xFFFFFC00  }
0x64: {  	[tilespmem:s17], [sflag:$0x1] =	stream.indirect.gather [hbm4b:s4+s21], $0x80, s19, s21, $0xb8;
	[tilespmem:$0x1C800] =	vst v63  }
0x65: {  	s16 =	rddreg [dreg:$0x5]  }
0x66: {  	[tilespmem:s22], [sflag:$0x2] =	stream.indirect.gather [hbm4b:s4+s21], $0x80, s16, s21, $0xb8;
	[tilespmem:$0x1C800] =	vst v63  }
0x67: {  	s14 =	rddreg [dreg:$0x6]  }
0x68: {  	[tilespmem:s23], [sflag:$0x3] =	stream.indirect.gather [hbm4b:s4+s21], $0x80, s14, s21, $0xb8;
	[tilespmem:$0x1C800] =	vst v63  }
0x69: {  	s16 =	rddreg [dreg:$0x7]  }
0x6a: {  	[tilespmem:s24], [sflag:$0x4] =	stream.indirect.gather [hbm4b:s4+s21], $0x80, s16, s21, $0xb8;
	[tilespmem:$0x1C800] =	vst v63  }
0x6b: {  	_ =	swait.ge [sflag:s25], $0x2000  }
0x6c: {  	[sflag:s25] =	ssyncset.done $0x0  }
0x6d: {  	[sflag:s25] =	ssyncadd.s32 $0xFFFFE000  }
0x6e: {  	[spmem:s2] =	stream.indirect.scatter.add.f32 [tilespmem:s17], [sflag:$0x5], $0x80, s20, s21, $0xb8;
	[tilespmem:$0x1C800] =	vst v63  }
0x6f: {  	_ =	swait.ge [sflag:s26], $0x2000  }
0x70: {  	[sflag:s26] =	ssyncset.done $0x0  }
0x71: {  	s14 =	rddreg [dreg:$0x8];
	[sflag:s26] =	ssyncadd.s32 $0xFFFFE000  }
0x72: {  	[tilespmem:s17], [sflag:$0x1] =	stream.indirect.gather [hbm4b:s4+s21], $0x80, s14, s21, $0xb8;
	[tilespmem:$0x1C800] =	vst v63  }
0x73: {  	_ =	swait.ge [sflag:s28], $0x2000  }
0x74: {  	[sflag:s28] =	ssyncset.done $0x0  }
0x75: {  	s15 =	rddreg [dreg:$0x9];
	[sflag:s28] =	ssyncadd.s32 $0xFFFFE000  }
0x76: {  	[spmem:s2] =	stream.indirect.scatter.add.f32 [tilespmem:s22], [sflag:$0x6], $0x80, s15, s21, $0xb8;
	[tilespmem:$0x1C800] =	vst v63  }
0x77: {  	_ =	swait.ge [sflag:s29], $0x2000  }
0x78: {  	[sflag:s29] =	ssyncset.done $0x0  }
0x79: {  	s16 =	rddreg [dreg:$0xa];
	[sflag:s29] =	ssyncadd.s32 $0xFFFFE000  }
0x7a: {  	[tilespmem:s22], [sflag:$0x2] =	stream.indirect.gather [hbm4b:s4+s21], $0x80, s16, s21, $0xb8;
	[tilespmem:$0x1C800] =	vst v63  }
0x7b: {  	_ =	swait.ge [sflag:s30], $0x2000  }
0x7c: {  	[sflag:s30] =	ssyncset.done $0x0  }
0x7d: {  	[sflag:s30] =	ssyncadd.s32 $0xFFFFE000  }
0x7e: {  	[spmem:s2] =	stream.indirect.scatter.add.f32 [tilespmem:s23], [sflag:$0x7], $0x80, s31, s21, $0xb8;
	[tilespmem:$0x1C800] =	vst v63  }
0x7f: {  	_ =	swait.ge [sflag:s1], $0x2000  }
0x80: {  	[sflag:s1] =	ssyncset.done $0x0  }
0x81: {  	[sflag:s1] =	ssyncadd.s32 $0xFFFFE000  }
0x82: {  	[tilespmem:s23], [sflag:$0x3] =	stream.indirect.gather [hbm4b:s4+s21], $0x80, s0, s21, $0xb8;
	[tilespmem:$0x1C800] =	vst v63  }
0x83: {  	_ =	swait.ge [sflag:s6], $0x2000  }
0x84: {  	[sflag:s6] =	ssyncset.done $0x0  }
0x85: {  	[sflag:s6] =	ssyncadd.s32 $0xFFFFE000  }
0x86: {  	[spmem:s2] =	stream.indirect.scatter.add.f32 [tilespmem:s24], [sflag:$0x8], $0x80, s7, s21, $0xb8;
	[tilespmem:$0x1C800] =	vst v63  }
0x87: {  	_ =	swait.ge [sflag:s8], $0x2000  }
0x88: {  	[sflag:s8] =	ssyncset.done $0x0  }
0x89: {  	[sflag:s8] =	ssyncadd.s32 $0xFFFFE000  }
0x8a: {  	[tilespmem:s24], [sflag:$0x4] =	stream.indirect.gather [hbm4b:s4+s21], $0x80, s9, s21, $0xb8;
	[tilespmem:$0x1C800] =	vst v63  }
0x8b: {  	_ =	swait.ge [sflag:s25], $0x2000  }
0x8c: {  	[sflag:s25] =	ssyncset.done $0x0  }
0x8d: {  	[sflag:s25] =	ssyncadd.s32 $0xFFFFE000  }
0x8e: {  	[spmem:s2] =	stream.indirect.scatter.add.f32 [tilespmem:s17], [sflag:$0x5], $0x80, s10, s21, $0xb8;
	[tilespmem:$0x1C800] =	vst v63  }
0x8f: {  	_ =	swait.ge [sflag:s28], $0x2000  }
0x90: {  	[sflag:s28] =	ssyncset.done $0x0  }
0x91: {  	[sflag:s28] =	ssyncadd.s32 $0xFFFFE000  }
0x92: {  	[spmem:s2] =	stream.indirect.scatter.add.f32 [tilespmem:s22], [sflag:$0x6], $0x80, s11, s21, $0xb8;
	[tilespmem:$0x1C800] =	vst v63  }
0x93: {  	_ =	swait.ge [sflag:s30], $0x2000  }
0x94: {  	[sflag:s30] =	ssyncset.done $0x0  }
0x95: {  	[sflag:s30] =	ssyncadd.s32 $0xFFFFE000  }
0x96: {  	[spmem:s2] =	stream.indirect.scatter.add.f32 [tilespmem:s23], [sflag:$0x7], $0x80, s12, s21, $0xb8;
	[tilespmem:$0x1C800] =	vst v63  }
0x97: {  	_ =	swait.ge [sflag:s6], $0x2000  }
0x98: {  	[sflag:s6] =	ssyncset.done $0x0  }
0x99: {  	[sflag:s6] =	ssyncadd.s32 $0xFFFFE000  }
0x9a: {  	[spmem:s2] =	stream.indirect.scatter.add.f32 [tilespmem:s24], [sflag:$0x8], $0x80, s13, s21, $0xb8;
	[tilespmem:$0x1C800] =	vst v63  }
0x9b: {  	_ =	swait.ge [sflag:s26], $0x2000  }
0x9c: {  	[sflag:s26] =	ssyncset.done $0x0  }
0x9d: {  	[sflag:s26] =	ssyncadd.s32 $0xFFFFE000  }
0x9e: {  	_ =	swait.ge [sflag:s29], $0x2000  }
0x9f: {  	[sflag:s29] =	ssyncset.done $0x0  }
0xa0: {  	[sflag:s29] =	ssyncadd.s32 $0xFFFFE000  }
0xa1: {  	_ =	swait.ge [sflag:s1], $0x2000  }
0xa2: {  	[sflag:s1] =	ssyncset.done $0x0  }
0xa3: {  	[sflag:s1] =	ssyncadd.s32 $0xFFFFE000  }
0xa4: {  	s15 =	simm.s32 $0x80;
	_ =	swait.ge [sflag:s8], $0x2000  }
0xa5: {  	s16 =	simm.s32 $0x100;
	s5 =	rddreg [dreg:$0x3];
	[sflag:s8] =	ssyncset.done $0x0  }
.LBB2_4:
0xa6: {  	[sflag:s8] =	ssyncadd.s32 $0xFFFFE000;
	s5 =	sadd.s32 s15, s5  }
0xa7: {  	[tilespmem:s19], [sflag:$0x9] =	stream.linear.gather [hbm4b:s5+s3], $0x400, $0x38;
	[tilespmem:$0x1C800] =	vst v63  }
0xa8: {  	_ =	swait.ge [sflag:s18], $0x400  }
0xa9: {  	s5 =	rddreg [dreg:$0x4];
	[sflag:s18] =	ssyncset.done $0x0  }
0xaa: {  	[sflag:s18] =	ssyncadd.s32 $0xFFFFFC00;
	s5 =	sadd.s32 s15, s5  }
0xab: {  	[tilespmem:s20], [sflag:$0x9] =	stream.linear.gather [hbm4b:s5+s3], $0x400, $0x38;
	[tilespmem:$0x1C800] =	vst v63  }
0xac: {  	_ =	swait.ge [sflag:s18], $0x400  }
0xad: {  	[sflag:s18] =	ssyncset.done $0x0  }
0xae: {  	[sflag:s18] =	ssyncadd.s32 $0xFFFFFC00  }
0xaf: {  	[tilespmem:s17], [sflag:$0x1] =	stream.indirect.gather [hbm4b:s4+s21], $0x80, s19, s21, $0xb8;
	[tilespmem:$0x1C800] =	vst v63  }
0xb0: {  	s14 =	smov.u32 s16;
	s5 =	rddreg [dreg:$0x5]  }
0xb1: {  	[tilespmem:s22], [sflag:$0x2] =	stream.indirect.gather [hbm4b:s4+s21], $0x80, s5, s21, $0xb8;
	[tilespmem:$0x1C800] =	vst v63  }
0xb2: {  	s15 =	smov.u32 s14;
	s14 =	rddreg [dreg:$0x6]  }
0xb3: {  	[tilespmem:s23], [sflag:$0x3] =	stream.indirect.gather [hbm4b:s4+s21], $0x80, s14, s21, $0xb8;
	[tilespmem:$0x1C800] =	vst v63  }
0xb4: {  	s5 =	rddreg [dreg:$0x7]  }
0xb5: {  	[tilespmem:s24], [sflag:$0x4] =	stream.indirect.gather [hbm4b:s4+s21], $0x80, s5, s21, $0xb8;
	[tilespmem:$0x1C800] =	vst v63  }
0xb6: {  	_ =	swait.ge [sflag:s25], $0x2000  }
0xb7: {  	[sflag:s25] =	ssyncset.done $0x0  }
0xb8: {  	[sflag:s25] =	ssyncadd.s32 $0xFFFFE000  }
0xb9: {  	[spmem:s2] =	stream.indirect.scatter.add.f32 [tilespmem:s17], [sflag:$0x5], $0x80, s20, s21, $0xb8;
	[tilespmem:$0x1C800] =	vst v63  }
0xba: {  	_ =	swait.ge [sflag:s26], $0x2000  }
0xbb: {  	[sflag:s26] =	ssyncset.done $0x0  }
0xbc: {  	s14 =	rddreg [dreg:$0x8];
	[sflag:s26] =	ssyncadd.s32 $0xFFFFE000  }
0xbd: {  	[tilespmem:s17], [sflag:$0x1] =	stream.indirect.gather [hbm4b:s4+s21], $0x80, s14, s21, $0xb8;
	[tilespmem:$0x1C800] =	vst v63  }
0xbe: {  	_ =	swait.ge [sflag:s28], $0x2000  }
0xbf: {  	[sflag:s28] =	ssyncset.done $0x0  }
0xc0: {  	s14 =	rddreg [dreg:$0x9];
	[sflag:s28] =	ssyncadd.s32 $0xFFFFE000  }
0xc1: {  	[spmem:s2] =	stream.indirect.scatter.add.f32 [tilespmem:s22], [sflag:$0x6], $0x80, s14, s21, $0xb8;
	[tilespmem:$0x1C800] =	vst v63  }
0xc2: {  	_ =	swait.ge [sflag:s29], $0x2000  }
0xc3: {  	[sflag:s29] =	ssyncset.done $0x0  }
0xc4: {  	s14 =	rddreg [dreg:$0xa];
	[sflag:s29] =	ssyncadd.s32 $0xFFFFE000  }
0xc5: {  	[tilespmem:s22], [sflag:$0x2] =	stream.indirect.gather [hbm4b:s4+s21], $0x80, s14, s21, $0xb8;
	[tilespmem:$0x1C800] =	vst v63  }
0xc6: {  	_ =	swait.ge [sflag:s30], $0x2000  }
0xc7: {  	[sflag:s30] =	ssyncset.done $0x0  }
0xc8: {  	[sflag:s30] =	ssyncadd.s32 $0xFFFFE000  }
0xc9: {  	[spmem:s2] =	stream.indirect.scatter.add.f32 [tilespmem:s23], [sflag:$0x7], $0x80, s31, s21, $0xb8;
	[tilespmem:$0x1C800] =	vst v63  }
0xca: {  	_ =	swait.ge [sflag:s1], $0x2000  }
0xcb: {  	[sflag:s1] =	ssyncset.done $0x0  }
0xcc: {  	[sflag:s1] =	ssyncadd.s32 $0xFFFFE000  }
0xcd: {  	[tilespmem:s23], [sflag:$0x3] =	stream.indirect.gather [hbm4b:s4+s21], $0x80, s0, s21, $0xb8;
	[tilespmem:$0x1C800] =	vst v63  }
0xce: {  	_ =	swait.ge [sflag:s6], $0x2000  }
0xcf: {  	[sflag:s6] =	ssyncset.done $0x0  }
0xd0: {  	[sflag:s6] =	ssyncadd.s32 $0xFFFFE000  }
0xd1: {  	[spmem:s2] =	stream.indirect.scatter.add.f32 [tilespmem:s24], [sflag:$0x8], $0x80, s7, s21, $0xb8;
	[tilespmem:$0x1C800] =	vst v63  }
0xd2: {  	_ =	swait.ge [sflag:s8], $0x2000  }
0xd3: {  	[sflag:s8] =	ssyncset.done $0x0  }
0xd4: {  	[sflag:s8] =	ssyncadd.s32 $0xFFFFE000  }
0xd5: {  	[tilespmem:s24], [sflag:$0x4] =	stream.indirect.gather [hbm4b:s4+s21], $0x80, s9, s21, $0xb8;
	[tilespmem:$0x1C800] =	vst v63  }
0xd6: {  	_ =	swait.ge [sflag:s25], $0x2000  }
0xd7: {  	[sflag:s25] =	ssyncset.done $0x0  }
0xd8: {  	[sflag:s25] =	ssyncadd.s32 $0xFFFFE000  }
0xd9: {  	[spmem:s2] =	stream.indirect.scatter.add.f32 [tilespmem:s17], [sflag:$0x5], $0x80, s10, s21, $0xb8;
	[tilespmem:$0x1C800] =	vst v63  }
0xda: {  	_ =	swait.ge [sflag:s28], $0x2000  }
0xdb: {  	[sflag:s28] =	ssyncset.done $0x0  }
0xdc: {  	[sflag:s28] =	ssyncadd.s32 $0xFFFFE000  }
0xdd: {  	[spmem:s2] =	stream.indirect.scatter.add.f32 [tilespmem:s22], [sflag:$0x6], $0x80, s11, s21, $0xb8;
	[tilespmem:$0x1C800] =	vst v63  }
0xde: {  	_ =	swait.ge [sflag:s30], $0x2000  }
0xdf: {  	[sflag:s30] =	ssyncset.done $0x0  }
0xe0: {  	[sflag:s30] =	ssyncadd.s32 $0xFFFFE000  }
0xe1: {  	[spmem:s2] =	stream.indirect.scatter.add.f32 [tilespmem:s23], [sflag:$0x7], $0x80, s12, s21, $0xb8;
	[tilespmem:$0x1C800] =	vst v63  }
0xe2: {  	_ =	swait.ge [sflag:s6], $0x2000  }
0xe3: {  	[sflag:s6] =	ssyncset.done $0x0  }
0xe4: {  	[sflag:s6] =	ssyncadd.s32 $0xFFFFE000  }
0xe5: {  	[spmem:s2] =	stream.indirect.scatter.add.f32 [tilespmem:s24], [sflag:$0x8], $0x80, s13, s21, $0xb8;
	[tilespmem:$0x1C800] =	vst v63  }
0xe6: {  	_ =	swait.ge [sflag:s26], $0x2000  }
0xe7: {  	[sflag:s26] =	ssyncset.done $0x0  }
0xe8: {  	[sflag:s26] =	ssyncadd.s32 $0xFFFFE000  }
0xe9: {  	_ =	swait.ge [sflag:s29], $0x2000  }
0xea: {  	[sflag:s29] =	ssyncset.done $0x0  }
0xeb: {  	p0 =	sne.s32 s16, $0x980;
	[sflag:s29] =	ssyncadd.s32 $0xFFFFE000  }
.Ltmp1:
0xec: {  	_ =	swait.ge [sflag:s1], $0x2000;
	(pc) =	sbr.rel @p0 .LBB2_4-.Ltmp1, $4  }
0xed: {  	[sflag:s1] =	ssyncset.done $0x0  }
0xee: {  	[sflag:s1] =	ssyncadd.s32 $0xFFFFE000  }
0xef: {  	_ =	swait.ge [sflag:s8], $0x2000  }
0xf0: {  	s16 =	sadd.s32 $0x80, s16;
	s5 =	rddreg [dreg:$0x3];
	[sflag:s8] =	ssyncset.done $0x0  }
0xf1: {  	[sflag:s8] =	ssyncadd.s32 $0xFFFFE000;
	s5 =	sadd.s32 s15, s5  }
0xf2: {  	[tilespmem:s19], [sflag:$0x9] =	stream.linear.gather [hbm4b:s5+s3], $0x400, $0x38;
	[tilespmem:$0x1C800] =	vst v63  }
0xf3: {  	_ =	swait.ge [sflag:s18], $0x400  }
0xf4: {  	s14 =	rddreg [dreg:$0x4];
	[sflag:s18] =	ssyncset.done $0x0  }
0xf5: {  	[sflag:s18] =	ssyncadd.s32 $0xFFFFFC00;
	s5 =	sadd.s32 s15, s14  }
0xf6: {  	[tilespmem:s20], [sflag:$0x9] =	stream.linear.gather [hbm4b:s5+s3], $0x400, $0x38;
	[tilespmem:$0x1C800] =	vst v63  }
0xf7: {  	_ =	swait.ge [sflag:s18], $0x400  }
0xf8: {  	[sflag:s18] =	ssyncset.done $0x0  }
0xf9: {  	[sflag:s18] =	ssyncadd.s32 $0xFFFFFC00  }
0xfa: {  	[tilespmem:s17], [sflag:$0x1] =	stream.indirect.gather [hbm4b:s4+s21], $0x80, s19, s21, $0xb8;
	[tilespmem:$0x1C800] =	vst v63  }
0xfb: {  	s15 =	rddreg [dreg:$0x5]  }
0xfc: {  	[tilespmem:s22], [sflag:$0x2] =	stream.indirect.gather [hbm4b:s4+s21], $0x80, s15, s21, $0xb8;
	[tilespmem:$0x1C800] =	vst v63  }
0xfd: {  	s14 =	rddreg [dreg:$0x6]  }
0xfe: {  	[tilespmem:s23], [sflag:$0x3] =	stream.indirect.gather [hbm4b:s4+s21], $0x80, s14, s21, $0xb8;
	[tilespmem:$0x1C800] =	vst v63  }
0xff: {  	s16 =	rddreg [dreg:$0x7]  }
0x100: {  	[tilespmem:s24], [sflag:$0x4] =	stream.indirect.gather [hbm4b:s4+s21], $0x80, s16, s21, $0xb8;
	[tilespmem:$0x1C800] =	vst v63  }
0x101: {  	_ =	swait.ge [sflag:s25], $0x2000  }
0x102: {  	[sflag:s25] =	ssyncset.done $0x0  }
0x103: {  	[sflag:s25] =	ssyncadd.s32 $0xFFFFE000  }
0x104: {  	[spmem:s2] =	stream.indirect.scatter.add.f32 [tilespmem:s17], [sflag:$0x5], $0x80, s20, s21, $0xb8;
	[tilespmem:$0x1C800] =	vst v63  }
0x105: {  	_ =	swait.ge [sflag:s26], $0x2000  }
0x106: {  	[sflag:s26] =	ssyncset.done $0x0  }
0x107: {  	s14 =	rddreg [dreg:$0x8];
	[sflag:s26] =	ssyncadd.s32 $0xFFFFE000  }
0x108: {  	[tilespmem:s17], [sflag:$0x1] =	stream.indirect.gather [hbm4b:s4+s21], $0x80, s14, s21, $0xb8;
	[tilespmem:$0x1C800] =	vst v63  }
0x109: {  	_ =	swait.ge [sflag:s28], $0x2000  }
0x10a: {  	[sflag:s28] =	ssyncset.done $0x0  }
0x10b: {  	s15 =	rddreg [dreg:$0x9];
	[sflag:s28] =	ssyncadd.s32 $0xFFFFE000  }
0x10c: {  	[spmem:s2] =	stream.indirect.scatter.add.f32 [tilespmem:s22], [sflag:$0x6], $0x80, s15, s21, $0xb8;
	[tilespmem:$0x1C800] =	vst v63  }
0x10d: {  	_ =	swait.ge [sflag:s29], $0x2000  }
0x10e: {  	[sflag:s29] =	ssyncset.done $0x0  }
0x10f: {  	s16 =	rddreg [dreg:$0xa];
	[sflag:s29] =	ssyncadd.s32 $0xFFFFE000  }
0x110: {  	[tilespmem:s22], [sflag:$0x2] =	stream.indirect.gather [hbm4b:s4+s21], $0x80, s16, s21, $0xb8;
	[tilespmem:$0x1C800] =	vst v63  }
0x111: {  	_ =	swait.ge [sflag:s30], $0x2000  }
0x112: {  	[sflag:s30] =	ssyncset.done $0x0  }
0x113: {  	[sflag:s30] =	ssyncadd.s32 $0xFFFFE000  }
0x114: {  	[spmem:s2] =	stream.indirect.scatter.add.f32 [tilespmem:s23], [sflag:$0x7], $0x80, s31, s21, $0xb8;
	[tilespmem:$0x1C800] =	vst v63  }
0x115: {  	_ =	swait.ge [sflag:s1], $0x2000  }
0x116: {  	[sflag:s1] =	ssyncset.done $0x0  }
0x117: {  	[sflag:s1] =	ssyncadd.s32 $0xFFFFE000  }
0x118: {  	[tilespmem:s23], [sflag:$0x3] =	stream.indirect.gather [hbm4b:s4+s21], $0x80, s0, s21, $0xb8;
	[tilespmem:$0x1C800] =	vst v63  }
0x119: {  	_ =	swait.ge [sflag:s6], $0x2000  }
0x11a: {  	[sflag:s6] =	ssyncset.done $0x0  }
0x11b: {  	[sflag:s6] =	ssyncadd.s32 $0xFFFFE000  }
0x11c: {  	[spmem:s2] =	stream.indirect.scatter.add.f32 [tilespmem:s24], [sflag:$0x8], $0x80, s7, s21, $0xb8;
	[tilespmem:$0x1C800] =	vst v63  }
0x11d: {  	_ =	swait.ge [sflag:s8], $0x2000  }
0x11e: {  	[sflag:s8] =	ssyncset.done $0x0  }
0x11f: {  	[sflag:s8] =	ssyncadd.s32 $0xFFFFE000  }
0x120: {  	[tilespmem:s24], [sflag:$0x4] =	stream.indirect.gather [hbm4b:s4+s21], $0x80, s9, s21, $0xb8;
	[tilespmem:$0x1C800] =	vst v63  }
0x121: {  	_ =	swait.ge [sflag:s25], $0x2000  }
0x122: {  	[sflag:s25] =	ssyncset.done $0x0  }
0x123: {  	[sflag:s25] =	ssyncadd.s32 $0xFFFFE000  }
0x124: {  	[spmem:s2] =	stream.indirect.scatter.add.f32 [tilespmem:s17], [sflag:$0x5], $0x80, s10, s21, $0xb8;
	[tilespmem:$0x1C800] =	vst v63  }
0x125: {  	_ =	swait.ge [sflag:s28], $0x2000  }
0x126: {  	[sflag:s28] =	ssyncset.done $0x0  }
0x127: {  	[sflag:s28] =	ssyncadd.s32 $0xFFFFE000  }
0x128: {  	[spmem:s2] =	stream.indirect.scatter.add.f32 [tilespmem:s22], [sflag:$0x6], $0x80, s11, s21, $0xb8;
	[tilespmem:$0x1C800] =	vst v63  }
0x129: {  	_ =	swait.ge [sflag:s30], $0x2000  }
0x12a: {  	[sflag:s30] =	ssyncset.done $0x0  }
0x12b: {  	[sflag:s30] =	ssyncadd.s32 $0xFFFFE000  }
0x12c: {  	[spmem:s2] =	stream.indirect.scatter.add.f32 [tilespmem:s23], [sflag:$0x7], $0x80, s12, s21, $0xb8;
	[tilespmem:$0x1C800] =	vst v63  }
0x12d: {  	_ =	swait.ge [sflag:s6], $0x2000  }
0x12e: {  	[sflag:s6] =	ssyncset.done $0x0  }
0x12f: {  	[sflag:s6] =	ssyncadd.s32 $0xFFFFE000  }
0x130: {  	[spmem:s2] =	stream.indirect.scatter.add.f32 [tilespmem:s24], [sflag:$0x8], $0x80, s13, s21, $0xb8;
	[tilespmem:$0x1C800] =	vst v63  }
0x131: {  	_ =	swait.ge [sflag:s26], $0x2000  }
0x132: {  	[sflag:s26] =	ssyncset.done $0x0  }
0x133: {  	[sflag:s26] =	ssyncadd.s32 $0xFFFFE000  }
0x134: {  	_ =	swait.ge [sflag:s29], $0x2000  }
0x135: {  	[sflag:s29] =	ssyncset.done $0x0  }
0x136: {  	[sflag:s29] =	ssyncadd.s32 $0xFFFFE000  }
0x137: {  	_ =	swait.ge [sflag:s1], $0x2000  }
0x138: {  	[sflag:s1] =	ssyncset.done $0x0  }
0x139: {  	[sflag:s1] =	ssyncadd.s32 $0xFFFFE000  }
0x13a: {  	_ =	swait.ge [sflag:s8], $0x2000  }
0x13b: {  	[sflag:s8] =	ssyncset.done $0x0  }
0x13c: {  	[sflag:s8] =	ssyncadd.s32 $0xFFFFE000  }
0x13d: {  	s14 =	stileid.u32;
	[bflag:$0x0] =	sbarrier.arrive $0xFFFF  }
0x13e: {  	s5 =	sshll.u32 s14, $0x6;
	s15 =	rddreg [dreg:$0xb]  }
0x13f: {  	s5 =	sor.u32 $0x1C09, s5;
	s16 =	rddreg [dreg:$0x15];
	s14 =	sshrl.u32 s15, $0x3  }
0x140: {  	[hbm:s16], [sflag:s5] =	dma.local [spmem:s14], $0x2800  }
0x141: {  	_ =	swait.ge [sflag:s18], $0x2800  }
0x142: {  	s15 =	rddreg [dreg:$0x17]  }
0x143: {  	s16 =	rddreg [dreg:$0x16];
	s14 =	sadd.s32 $0x1, s15  }
0x144: {  	p0 =	sne.s32 s14, s16  }
.Ltmp2:
0x145: {  	_ = 	snop;
	(pc) =	sbr.rel @p0 .LBB2_1-.Ltmp2, $3  }
0x146: {  	_ =	sdelay $0x1  }
0x147: {  	[sflag:s18] =	ssyncset.done $0x0  }
0x148: {  	[sflag:s18] =	ssyncadd.s32 $0xFFFFD800  }
0x149: {  	_ =	sfence.sel $0x180000  }
0x14a: {  	[bflag:$0x0] =	sbarrier.arrive $0xFFFF  }
0x14b: {  	_ =	strace $0x90000047  }
0x14c: {  	s0 =	stileid.u32;
	[bflag:$0x2] =	sbarrier.arrive $0xFFFF  }
0x14d: {  	p0 =	sne.s32 s0, $0x0;
	s0 =	rddreg [dreg:$0x2]  }
0x14e: {  	s0 =	sadd.s32 @!p0 $0x100000, s0  }
0x14f: {  	[sflag:s0] =	ssyncadd.tile.s32 @!p0 $0x1;
	_ =	shalt  }
.Lfunc_end2:
_tile_overlayer_lowered:
.L_overlay_start_2:
0x150: {  	(tag) =	ssettag $0x2  }
0x151: {  	s0 =	rddreg [dreg:$0x0];
	s2 =	stileid.u32  }
0x152: {  	s1 =	rddreg [dreg:$0x1];
	p0 =	sne.s32 s2, $0x0  }
0x153: {  	s3 =	rddreg [dreg:$0x2];
	[bflag:$0x3] =	sbarrier.arrive $0xFFFF;
	s2 =	simm.s32 @!p0 $0x1C09  }
0x154: {  	[timem:s3], [sflag:s2] =	dma.local @!p0 [hbm:s0], s1  }
0x155: {  	s0 =	simm.s32 @!p0 $0x9  }
0x156: {  	_ =	swait.ge @!p0 [sflag:s0], s1  }
0x157: {  	s1 =	ssub.s32 @!p0 $0x0, s1;
	[sflag:s0] =	ssyncset.done @!p0 $0x0  }
0x158: {  	[sflag:s0] =	ssyncadd.s32 @!p0 s1  }
0x159: {  	[bflag:$0x3] =	sbarrier.arrive $0xFFFF  }
0x15a: {  	_ =	shalt  }

// kernel: kernel.13.cloned.1.call-start
scs
__scs_entry_jumppad:
0x0: {  	(pc) =	sbr.rel $0x88, $3  }
0x1: {  	(tag) =	ssettag $0x0;
	lr =	simm.s32 $0x1  }
0x2: {  	[smem:$0x3F9B] =	sst lr;
	_ =	strace $0xD0000000  }
0x3: {  	_ = 	snop  }
0x4: {  	_ = 	snop  }
0x5: {  	_ = 	snop  }
0x6: {  	_ = 	snop  }
0x7: {  	_ = 	snop  }
__scs_overlays_trampoline_lowered:
0x8: {  	[smem:$0x3FAA] =	sst s0  }
0x9: {  	[smem:$0x3FAB] =	sst s1  }
0xa: {  	[smem:$0x3FAC] =	sst s2  }
0xb: {  	[smem:$0x3FAD] =	sst s3  }
0xc: {  	[smem:$0x3FAE] =	sst s4  }
0xd: {  	[smem:$0x3FAF] =	sst s5  }
0xe: {  	[smem:$0x3FB0] =	sst s6  }
0xf: {  	[smem:$0x3FB1] =	sst s7  }
0x10: {  	[smem:$0x3FB2] =	sst s8  }
0x11: {  	[smem:$0x3FB3] =	sst s9;
	s0 =	simm.s32 @!p0 $0x0  }
0x12: {  	s1 =	sld [smem:$0x3F99];
	s0 =	simm.s32 @p0 $0x1  }
0x13: {  	[smem:$0x3FB4] =	sst s0;
	s0 =	simm.s32 @!p1 $0x0  }
0x14: {  	s2 =	sld [smem:$0x3F98];
	s0 =	simm.s32 @p1 $0x1  }
0x15: {  	[smem:$0x3FB5] =	sst s0;
	s0 =	simm.s32 @!p2 $0x0  }
0x16: {  	s3 =	sld [smem:$0x3FDB];
	s0 =	simm.s32 @p2 $0x1  }
0x17: {  	s4 =	simm.s32 $0x1BF5;
	[smem:$0x3FB7] =	sst s0  }
0x18: {  	s0 =	sld [smem:$0x3F9A];
	_ =	swait.ge [sflag:s4], $0x0  }
0x19: {  	s7 =	sld [smem:$0x3F9B]  }
0x1a: {  	s8 =	sadd.s32 $0xFFFFE003, lr  }
0x1b: {  	s9 =	sadd.s32 $0xFFFFFEF7, lr;
	s5 =	simm.s32 $0xFFFFFFFF;
	p2 =	slt.u32 s8, $0xFFFFF086  }
0x1c: {  	p1 =	slt.u32 s9, $0xF7A;
	s5 =	simm.s32 @!p2 $0x0  }
0x1d: {  	s5 =	simm.s32 @p1 $0x1;
	p0 =	seq.s32 s7, s2  }
0x1e: {  	s7 =	smul.u32 @!p0 $0xF7A, s2;
	p2 =	seq.s32 @!p0 s5, $0x0  }
0x1f: {  	s9 =	smul.u32 $0xF7A, s1;
	s8 =	simm.s32 @!p0 $0x1BF5;
	p2 =	por !p2, p0  }
0x20: {  	[sflag:s8] =	ssyncset.s32 @!p0 $0xFFFFF086;
	s6 =	sadd.s32 @!p0 s3, s7;
	s7 =	simm.s32 @!p0 $0x108  }
0x21: {  	s3 =	sadd.s32 s3, s9;
	s6 =	sadd.s32 @!p0 $0x88, s6;
	s7 =	simm.s32 @p2 $0x1082  }
0x22: {  	[simem:s7], [sflag:s8] =	dma.local @!p0 [hbm:s6], $0xF7A  }
0x23: {  	s9 =	sor.u32 $0xD0000000, s2;
	s6 =	simm.s32 $0x108;
	_ =	swait.ge @!p0 [sflag:s8], $0x0  }
0x24: {  	s3 =	sadd.s32 $0x88, s3;
	s6 =	simm.s32 @!p1 $0x1082;
	[sflag:s4] =	ssyncset.s32 $0xFFFFF086  }
0x25: {  	[simem:s6], [sflag:s4] =	dma.local [hbm:s3], $0xF7A  }
0x26: {  	[smem:$0x3F9B] =	sst s1;
	(tag) =	ssettag s2;
	_ =	strace s9  }
0x27: {  	s1 =	sld [smem:$0x3FAB]  }
0x28: {  	s2 =	sld [smem:$0x3FAC]  }
0x29: {  	s4 =	sld [smem:$0x3FAE]  }
0x2a: {  	p0 =	seq.s32 s5, $0x0;
	s5 =	sld [smem:$0x3FAF]  }
0x2b: {  	s6 =	sld [smem:$0x3FB0]  }
0x2c: {  	s7 =	sld [smem:$0x3FB1]  }
0x2d: {  	s3 =	simm.s32 $0x108;
	s8 =	sld [smem:$0x3FB2]  }
0x2e: {  	s3 =	simm.s32 @!p0 $0x1082;
	s9 =	sld [smem:$0x3FB3]  }
0x2f: {  	lr =	sadd.s32 s0, s3;
	s0 =	sld [smem:$0x3FAA]  }
0x30: {  	s3 =	sld [smem:$0x3FAD]  }
0x31: {  	[smem:$0x3FB6] =	sst s10  }
0x32: {  	s10 =	sld [smem:$0x3FB4];
	_ =	sdelay $0x3  }
0x33: {  	p0 =	seq.s32 s10, $0x1;
	s10 =	sld [smem:$0x3FB6];
	_ =	sdelay $0x3  }
0x34: {  	[smem:$0x3FB6] =	sst s10  }
0x35: {  	s10 =	sld [smem:$0x3FB5];
	_ =	sdelay $0x3  }
0x36: {  	p1 =	seq.s32 s10, $0x1;
	s10 =	sld [smem:$0x3FB6];
	_ =	sdelay $0x3  }
0x37: {  	[smem:$0x3FB6] =	sst s10  }
0x38: {  	s10 =	sld [smem:$0x3FB7]  }
0x39: {  	_ = 	snop;
	(pc) =	sbr.ind lr, $3  }
0x3a: {  	_ = 	snop  }
0x3b: {  	_ = 	snop  }
0x3c: {  	p2 =	seq.s32 s10, $0x1;
	s10 =	sld [smem:$0x3FB6]  }
0x3d: {  	_ =	shalt  }
0x3e: {  	_ =	shalt  }
0x3f: {  	_ =	shalt  }
0x40: {  	_ =	shalt  }
0x41: {  	_ =	shalt  }
0x42: {  	_ =	shalt  }
0x43: {  	_ =	shalt  }
0x44: {  	_ =	shalt  }
0x45: {  	_ =	shalt  }
0x46: {  	_ =	shalt  }
0x47: {  	_ =	shalt  }
0x48: {  	_ =	shalt  }
0x49: {  	_ =	shalt  }
0x4a: {  	_ =	shalt  }
0x4b: {  	_ =	shalt  }
0x4c: {  	_ =	shalt  }
0x4d: {  	_ =	shalt  }
0x4e: {  	_ =	shalt  }
0x4f: {  	_ =	shalt  }
0x50: {  	_ =	shalt  }
0x51: {  	_ =	shalt  }
0x52: {  	_ =	shalt  }
0x53: {  	_ =	shalt  }
0x54: {  	_ =	shalt  }
0x55: {  	_ =	shalt  }
0x56: {  	_ =	shalt  }
0x57: {  	_ =	shalt  }
0x58: {  	_ =	shalt  }
0x59: {  	_ =	shalt  }
0x5a: {  	_ =	shalt  }
0x5b: {  	_ =	shalt  }
0x5c: {  	_ =	shalt  }
0x5d: {  	_ =	shalt  }
0x5e: {  	_ =	shalt  }
0x5f: {  	_ =	shalt  }
0x60: {  	_ =	shalt  }
0x61: {  	_ =	shalt  }
0x62: {  	_ =	shalt  }
0x63: {  	_ =	shalt  }
0x64: {  	_ =	shalt  }
0x65: {  	_ =	shalt  }
0x66: {  	_ =	shalt  }
0x67: {  	_ =	shalt  }
0x68: {  	_ =	shalt  }
0x69: {  	_ =	shalt  }
0x6a: {  	_ =	shalt  }
0x6b: {  	_ =	shalt  }
0x6c: {  	_ =	shalt  }
0x6d: {  	_ =	shalt  }
0x6e: {  	_ =	shalt  }
0x6f: {  	_ =	shalt  }
0x70: {  	_ =	shalt  }
0x71: {  	_ =	shalt  }
0x72: {  	_ =	shalt  }
0x73: {  	_ =	shalt  }
0x74: {  	_ =	shalt  }
0x75: {  	_ =	shalt  }
0x76: {  	_ =	shalt  }
0x77: {  	_ =	shalt  }
0x78: {  	_ =	shalt  }
0x79: {  	_ =	shalt  }
0x7a: {  	_ =	shalt  }
0x7b: {  	_ =	shalt  }
0x7c: {  	_ =	shalt  }
0x7d: {  	_ =	shalt  }
0x7e: {  	_ =	shalt  }
0x7f: {  	_ =	shalt  }
0x80: {  	_ =	shalt  }
0x81: {  	_ =	shalt  }
0x82: {  	_ =	shalt  }
0x83: {  	_ =	shalt  }
0x84: {  	_ =	shalt  }
0x85: {  	_ =	shalt  }
0x86: {  	_ =	shalt  }
0x87: {  	_ =	shalt  }
.Lfunc_end0:
.L_simem_size_0:
called_computation.2_lowered:
.L_overlay_start_0:
0x88: {  	s2 =	sld [smem:$0x3FD9]  }
0x89: {  	s3 =	sld [smem:$0x3FFE];
	_ =	sdelay $0x1  }
0x8a: {  	s1 =	srdreg.scid  }
0x8b: {  	s0 =	sand.u32 $0x1, s1  }
0x8c: {  	s16 =	sshll.u32 s0, $0xA;
	s2 =	sadd.s32 s3, s2  }
0x8d: {  	s2 =	sadd.s32 s2, s16  }
0x8e: {  	[smem:$0x3FC2] =	sst s2  }
0x8f: {  	_ = 	snop  }
0x90: {  	(tm) =	ssettm $0x1  }
0x91: {  	s17 =	sld [smem:$0x3FFB];
	_ =	sdelay $0x3  }
0x92: {  	_ =	strace s17  }
0x93: {  	s2 =	sld [smem:$0x3FFC];
	_ =	sdelay $0x3  }
0x94: {  	_ =	strace s2  }
0x95: {  	s2 =	sld [smem:$0x3FFD];
	_ =	sdelay $0x3  }
0x96: {  	_ =	strace s2  }
0x97: {  	_ =	strace $0x8FFFFFFF  }
0x98: {  	s18 =	sld [smem:$0x3FDB];
	_ =	sdelay $0x1  }
0x99: {  	s19 =	simm.s32 $_scs_section_size  }
0x9a: {  	s4 =	simm.s32 $_size__tile_overlayer_lowered;
	s5 =	simm.s32 $_tile_overlayer_lowered  }
0x9b: {  	s22 =	simm.s32 $0x1BFF;
	s21 =	sshll.u32 s5, $0x1;
	s2 =	sadd.s32 s19, s18  }
0x9c: {  	s6 =	simm.s32 $0x0;
	s20 =	sshll.u32 s4, $0x1;
	s4 =	sadd.s32 s21, s2  }
0x9d: {  	[timem:s6], [sflag:s22] =	dma.local [hbm:s4], s20  }
0x9e: {  	_ =	swait.ge [sflag:s22], s20  }
0x9f: {  	s3 =	ssub.s32 $0x0, s20;
	[sflag:s22] =	ssyncset.done $0x0  }
0xa0: {  	[sflag:s22] =	ssyncadd.s32 s3;
	_ =	sdelay $0x1  }
0xa1: {  	s23 =	simm.s32 $0x1B8B  }
0xa2: {  	_ =	swait.ge [sflag:s23], $0x1  }
0xa3: {  	[sflag:s23] =	ssyncset.done $0x0  }
0xa4: {  	s25 =	simm.s32 $0x1B8E;
	s24 =	sld [smem:$0x3FFE];
	[sflag:s23] =	ssyncadd.s32 $0xFFFFFFFF  }
0xa5: {  	s26 =	simm.s32 $execute0_lowered;
	[smem:$0x3FD2] =	sst s25  }
0xa6: {  	s4 =	sshll.u32 s26, $0x1;
	_ =	strace $0x8000004C;
	[dreg:$0x1] =	wrdreg $0xFFFFFFFF  }
0xa7: {  	s28 =	simm.s32 $_size_execute0_lowered;
	s2 =	sadd.s32 s2, s4;
	[dreg:$0x0] =	wrdreg $0x0  }
0xa8: {  	s4 =	sshll.u32 s28, $0x1;
	[dreg:$0x2] =	wrdreg s2  }
0xa9: {  	[dreg:$0x3] =	wrdreg s4  }
0xaa: {  	[dreg:$0x4] =	wrdreg $0xC0  }
0xab: {  	_ =	task [dreg:s6], $0x5FFFF  }
0xac: {  	[dreg:$0x1] =	wrdreg $0xFFFFFFFF  }
0xad: {  	[dreg:$0x0] =	wrdreg $0x60  }
0xae: {  	[dreg:$0x2] =	wrdreg s24  }
0xaf: {  	[dreg:$0x3] =	wrdreg $0x0  }
0xb0: {  	[dreg:$0x4] =	wrdreg $0x9  }
0xb1: {  	_ =	task.clear_ibuf [dreg:s6], $0x5FFFF;
	_ =	strace $0x9000004C  }
0xb2: {  	s29 =	simm.s32 $0x9;
	_ =	strace $0x8000004E  }
0xb3: {  	_ =	swait.ge [sflag:s29], $0x1  }
0xb4: {  	[sflag:s29] =	ssyncadd.s32 $0xFFFFFFFF  }
0xb5: {  	_ =	strace $0x9000004E  }
0xb6: {  	_ =	sfence  }
0xb7: {  	s30 =	sld [smem:$0x0];
	_ =	sdelay $0x2  }
0xb8: {  	s31 =	sshll.u32 s1, $0xD;
	s1 =	sshrl.u32 s1, $0x2  }
0xb9: {  	s3 =	sand.u32 $0x4000, s31;
	s1 =	sadd.s32 s1, s30  }
0xba: {  	s0 =	sor.u32 s3, s0;
	s1 =	sshll.u32 s1, $0x11  }
0xbb: {  	s0 =	sor.u32 s1, s0  }
0xbc: {  	s0 =	sadd.s32 $0x8F2B, s0  }
0xbd: {  	[sflag:s0] =	ssyncadd.remote.s32 $0x1  }
0xbe: {  	_ =	sfence.sel $0xFFFF  }
0xbf: {  	[dreg:$0x0] =	wrdreg $0xFFFFFFFF;
	(pc) =	sbr.abs _section_cstart, $3  }
0xc0: {  	[dreg:$0x1] =	wrdreg $0xFFFFFFFF  }
0xc1: {  	_ =	task.clear_ibuf [dreg:s6], $0x2FFFF;
	_ =	strace $0x9FFFFFFF  }
0xc2: {  	(tm) =	ssettm $0x7FFFFFFF  }
0xc3: {  	_ =	shalt  }
tec
execute0_lowered:
.L_overlay_start_1:
0x0: {  	(tag) =	ssettag $0x1  }
0x1: {  	s0 =	srdreg.scid  }
0x2: {  	s1 =	rddreg [dreg:$0x0];
	s8 =	stileid.u32  }
0x3: {  	s2 =	rddreg [dreg:$0x1];
	s3 =	simm.s32 $0x0;
	s21 =	simm.s32 $0x14080  }
0x4: {  	s22 =	simm.s32 $0x14100;
	s23 =	simm.s32 $0x14180;
	s5 =	smul.u32 $0x5000, s8  }
0x5: {  	s24 =	simm.s32 $0x14200;
	s28 =	simm.s32 $0x2;
	s6 =	smul.u32 $0xA00, s8  }
0x6: {  	s29 =	simm.s32 $0x6;
	s30 =	simm.s32 $0x3;
	s25 =	smul.u32 $0x2800, s8  }
0x7: {  	s0 =	sand.u32 $0x1, s0;
	[smem:$0x7FF] =	sst s3;
	s8 =	smul.u32 $0x50000, s8  }
0x8: {  	s4 =	smul.u32 $0x50000, s0;
	_ =	strace $0x8000004D;
	[dreg:$0x5] =	wrdreg s21  }
0x9: {  	s31 =	simm.s32 $0x14500;
	s9 =	smul.u32 $0x28000, s0;
	[dreg:$0x6] =	wrdreg s22  }
0xa: {  	s0 =	ssub.s32 $0x2, s0;
	s21 =	simm.s32 $0x40;
	[dreg:$0x7] =	wrdreg s23  }
0xb: {  	s22 =	simm.s32 $0x16800;
	[dreg:$0x8] =	wrdreg s24;
	s8 =	sshrl.u32 s8, $0x2  }
0xc: {  	s6 =	sadd.s32 s6, s1;
	s26 =	sshrl.u32 s0, $0x1;
	s8 =	sadd.s32 s8, s2  }
0xd: {  	s4 =	sadd.s32 s4, s5;
	s20 =	sadd.s32 $0x15600, s6;
	[dreg:$0xb] =	wrdreg s8  }
0xe: {  	s5 =	sadd.s32 s25, s9;
	s25 =	simm.s32 $0x14480;
	[dreg:$0x4] =	wrdreg s20  }
0xf: {  	s0 =	ssub.s32 s0, s26;
	s26 =	simm.s32 $0x14280;
	[dreg:$0x9] =	wrdreg s25  }
0x10: {  	s23 =	simm.s32 $0x18800;
	s10 =	sadd.s32 $0x2000, s8;
	[dreg:$0xa] =	wrdreg s26  }
0x11: {  	s24 =	simm.s32 $0x1A800;
	s11 =	sadd.s32 $0x4000, s8;
	[dreg:$0xc] =	wrdreg s10  }
0x12: {  	s6 =	simm.s32 $0x4;
	s12 =	sadd.s32 $0x6000, s8;
	[dreg:$0xd] =	wrdreg s11  }
0x13: {  	s9 =	simm.s32 $0x14380;
	s13 =	sadd.s32 $0x8000, s8;
	[dreg:$0xe] =	wrdreg s12  }
0x14: {  	s7 =	sshrl.u32 s4, $0x3;
	s14 =	sadd.s32 $0xA000, s8;
	[dreg:$0xf] =	wrdreg s13  }
0x15: {  	s4 =	sadd.s32 $0x1F600, s1;
	s15 =	sadd.s32 $0xC000, s8;
	[dreg:$0x10] =	wrdreg s14  }
0x16: {  	s16 =	sadd.s32 $0xE000, s8;
	s17 =	sadd.s32 $0x10000, s8;
	[dreg:$0x11] =	wrdreg s15  }
0x17: {  	s18 =	sadd.s32 $0x12000, s8;
	s0 =	smax.u32 s0, $0x1;
	[dreg:$0x12] =	wrdreg s16  }
0x18: {  	s20 =	simm.s32 $0x14400;
	s25 =	simm.s32 $0x1;
	[dreg:$0x13] =	wrdreg s17  }
0x19: {  	s26 =	simm.s32 $0x5;
	s8 =	simm.s32 $0x8;
	[dreg:$0x14] =	wrdreg s18  }
0x1a: {  	s7 =	sadd.s32 s7, s1;
	s1 =	sadd.s32 s5, s1;
	[dreg:$0x16] =	wrdreg s0  }
0x1b: {  	s17 =	simm.s32 $0x14800;
	s18 =	simm.s32 $0x9;
	s0 =	simm.s32 $0x14300  }
0x1c: {  	s10 =	simm.s32 $0x14600;
	s11 =	simm.s32 $0x14680;
	s12 =	simm.s32 $0x14700  }
0x1d: {  	s13 =	simm.s32 $0x14780;
	s14 =	simm.s32 $0x0;
	s1 =	sadd.s32 $0x6F600, s1  }
0x1e: {  	s19 =	sadd.s32 $0x1600, s7;
	s7 =	simm.s32 $0x14580;
	[dreg:$0x15] =	wrdreg s1  }
0x1f: {  	v0 =	vimm.f32 $0.0e+00;
	[dreg:$0x3] =	wrdreg s19;
	s19 =	simm.s32 $0x14000;
	s1 =	simm.s32 $0x7  }
.LBB2_1:
0x20: {  	s15 =	simm.s32 $0x0;
	s16 =	simm.s32 $0x200  }
.LBB2_2:
0x21: {  	p0 =	sne.s32 s16, $0x7E00;
	[tilespmem:s15+$0x14870] =	vst v0  }
0x22: {  	[tilespmem:s15+$0x14800] =	vst v0  }
0x23: {  	[tilespmem:s15+$0x14810] =	vst v0  }
.Ltmp0:
0x24: {  	[tilespmem:s15+$0x14820] =	vst v0;
	(pc) =	sbr.rel @p0 .LBB2_2-.Ltmp0, $4  }
0x25: {  	[tilespmem:s15+$0x14830] =	vst v0  }
0x26: {  	[tilespmem:s15+$0x14840] =	vst v0  }
0x27: {  	[tilespmem:s15+$0x14850] =	vst v0  }
0x28: {  	[tilespmem:s15+$0x14860] =	vst v0;
	s15 =	sshra.s32 s16, $0x2;
	s16 =	sadd.s32 $0x200, s16  }
0x29: {  	[tilespmem:s15+$0x14870] =	vst v0  }
0x2a: {  	[tilespmem:s15+$0x14800] =	vst v0  }
0x2b: {  	[tilespmem:s15+$0x14810] =	vst v0  }
0x2c: {  	[tilespmem:s15+$0x14820] =	vst v0  }
0x2d: {  	[tilespmem:s15+$0x14830] =	vst v0  }
0x2e: {  	[tilespmem:s15+$0x14840] =	vst v0  }
0x2f: {  	[dreg:$0x17] =	wrdreg s14;
	[tilespmem:s15+$0x14850] =	vst v0  }
0x30: {  	[tilespmem:s15+$0x14860] =	vst v0;
	s5 =	rddreg [dreg:$0xb]  }
0x31: {  	[spmem:s5] =	stream.linear.scatter [tilespmem:s17], [sflag:$0x9], $0x2000, $0x38;
	[tilespmem:$0x1C800] =	vst v63  }
0x32: {  	_ =	swait.ge [sflag:s18], $0x2000  }
0x33: {  	[sflag:s18] =	ssyncset.done $0x0  }
0x34: {  	s14 =	rddreg [dreg:$0xc];
	[sflag:s18] =	ssyncadd.s32 $0xFFFFE000  }
0x35: {  	[spmem:s14] =	stream.linear.scatter [tilespmem:s17], [sflag:$0x9], $0x2000, $0x38;
	[tilespmem:$0x1C800] =	vst v63  }
0x36: {  	_ =	swait.ge [sflag:s18], $0x2000  }
0x37: {  	[sflag:s18] =	ssyncset.done $0x0  }
0x38: {  	s15 =	rddreg [dreg:$0xd];
	[sflag:s18] =	ssyncadd.s32 $0xFFFFE000  }
0x39: {  	[spmem:s15] =	stream.linear.scatter [tilespmem:s17], [sflag:$0x9], $0x2000, $0x38;
	[tilespmem:$0x1C800] =	vst v63  }
0x3a: {  	_ =	swait.ge [sflag:s18], $0x2000  }
0x3b: {  	[sflag:s18] =	ssyncset.done $0x0  }
0x3c: {  	s16 =	rddreg [dreg:$0xe];
	[sflag:s18] =	ssyncadd.s32 $0xFFFFE000  }
0x3d: {  	[spmem:s16] =	stream.linear.scatter [tilespmem:s17], [sflag:$0x9], $0x2000, $0x38;
	[tilespmem:$0x1C800] =	vst v63  }
0x3e: {  	_ =	swait.ge [sflag:s18], $0x2000  }
0x3f: {  	[sflag:s18] =	ssyncset.done $0x0  }
0x40: {  	s14 =	rddreg [dreg:$0xf];
	[sflag:s18] =	ssyncadd.s32 $0xFFFFE000  }
0x41: {  	[spmem:s14] =	stream.linear.scatter [tilespmem:s17], [sflag:$0x9], $0x2000, $0x38;
	[tilespmem:$0x1C800] =	vst v63  }
0x42: {  	_ =	swait.ge [sflag:s18], $0x2000  }
0x43: {  	[sflag:s18] =	ssyncset.done $0x0  }
0x44: {  	s15 =	rddreg [dreg:$0x10];
	[sflag:s18] =	ssyncadd.s32 $0xFFFFE000  }
0x45: {  	[spmem:s15] =	stream.linear.scatter [tilespmem:s17], [sflag:$0x9], $0x2000, $0x38;
	[tilespmem:$0x1C800] =	vst v63  }
0x46: {  	_ =	swait.ge [sflag:s18], $0x2000  }
0x47: {  	[sflag:s18] =	ssyncset.done $0x0  }
0x48: {  	s16 =	rddreg [dreg:$0x11];
	[sflag:s18] =	ssyncadd.s32 $0xFFFFE000  }
0x49: {  	[spmem:s16] =	stream.linear.scatter [tilespmem:s17], [sflag:$0x9], $0x2000, $0x38;
	[tilespmem:$0x1C800] =	vst v63  }
0x4a: {  	_ =	swait.ge [sflag:s18], $0x2000  }
0x4b: {  	[sflag:s18] =	ssyncset.done $0x0  }
0x4c: {  	s14 =	rddreg [dreg:$0x12];
	[sflag:s18] =	ssyncadd.s32 $0xFFFFE000  }
0x4d: {  	[spmem:s14] =	stream.linear.scatter [tilespmem:s17], [sflag:$0x9], $0x2000, $0x38;
	[tilespmem:$0x1C800] =	vst v63  }
0x4e: {  	_ =	swait.ge [sflag:s18], $0x2000  }
0x4f: {  	[sflag:s18] =	ssyncset.done $0x0  }
0x50: {  	s15 =	rddreg [dreg:$0x13];
	[sflag:s18] =	ssyncadd.s32 $0xFFFFE000  }
0x51: {  	[spmem:s15] =	stream.linear.scatter [tilespmem:s17], [sflag:$0x9], $0x2000, $0x38;
	[tilespmem:$0x1C800] =	vst v63  }
0x52: {  	_ =	swait.ge [sflag:s18], $0x2000  }
0x53: {  	[sflag:s18] =	ssyncset.done $0x0  }
0x54: {  	s16 =	rddreg [dreg:$0x14];
	[sflag:s18] =	ssyncadd.s32 $0xFFFFE000  }
0x55: {  	[spmem:s16] =	stream.linear.scatter [tilespmem:s17], [sflag:$0x9], $0x2000, $0x38;
	[tilespmem:$0x1C800] =	vst v63  }
0x56: {  	_ =	swait.ge [sflag:s18], $0x2000  }
0x57: {  	[sflag:s18] =	ssyncset.done $0x0  }
0x58: {  	[sflag:s18] =	ssyncadd.s32 $0xFFFFE000  }
0x59: {  	[bflag:$0x0] =	sbarrier.arrive $0xFFFF  }
0x5a: {  	s14 =	rddreg [dreg:$0x3]  }
0x5b: {  	s5 =	sadd.s32 $0x0, s14  }
0x5c: {  	[tilespmem:s19], [sflag:$0x9] =	stream.linear.gather [hbm4b:s5+s3], $0x400, $0x38;
	[tilespmem:$0x1C800] =	vst v63  }
0x5d: {  	_ =	swait.ge [sflag:s18], $0x400  }
0x5e: {  	s15 =	rddreg [dreg:$0x4];
	[sflag:s18] =	ssyncset.done $0x0  }
0x5f: {  	[sflag:s18] =	ssyncadd.s32 $0xFFFFFC00;
	s5 =	sadd.s32 $0x0, s15  }
0x60: {  	[tilespmem:s20], [sflag:$0x9] =	stream.linear.gather [hbm4b:s5+s3], $0x400, $0x38;
	[tilespmem:$0x1C800] =	vst v63  }
0x61: {  	_ =	swait.ge [sflag:s18], $0x400  }
0x62: {  	[sflag:s18] =	ssyncset.done $0x0  }
0x63: {  	[sflag:s18] =	ssyncadd.s32 $0xFFFFFC00  }
0x64: {  	[tilespmem:s17], [sflag:$0x1] =	stream.indirect.gather [hbm4b:s4+s21], $0x80, s19, s21, $0xb8;
	[tilespmem:$0x1C800] =	vst v63  }
0x65: {  	s16 =	rddreg [dreg:$0x5]  }
0x66: {  	[tilespmem:s22], [sflag:$0x2] =	stream.indirect.gather [hbm4b:s4+s21], $0x80, s16, s21, $0xb8;
	[tilespmem:$0x1C800] =	vst v63  }
0x67: {  	s14 =	rddreg [dreg:$0x6]  }
0x68: {  	[tilespmem:s23], [sflag:$0x3] =	stream.indirect.gather [hbm4b:s4+s21], $0x80, s14, s21, $0xb8;
	[tilespmem:$0x1C800] =	vst v63  }
0x69: {  	s16 =	rddreg [dreg:$0x7]  }
0x6a: {  	[tilespmem:s24], [sflag:$0x4] =	stream.indirect.gather [hbm4b:s4+s21], $0x80, s16, s21, $0xb8;
	[tilespmem:$0x1C800] =	vst v63  }
0x6b: {  	_ =	swait.ge [sflag:s25], $0x2000  }
0x6c: {  	[sflag:s25] =	ssyncset.done $0x0  }
0x6d: {  	[sflag:s25] =	ssyncadd.s32 $0xFFFFE000  }
0x6e: {  	[spmem:s2] =	stream.indirect.scatter.add.f32 [tilespmem:s17], [sflag:$0x5], $0x80, s20, s21, $0xb8;
	[tilespmem:$0x1C800] =	vst v63  }
0x6f: {  	_ =	swait.ge [sflag:s26], $0x2000  }
0x70: {  	[sflag:s26] =	ssyncset.done $0x0  }
0x71: {  	s14 =	rddreg [dreg:$0x8];
	[sflag:s26] =	ssyncadd.s32 $0xFFFFE000  }
0x72: {  	[tilespmem:s17], [sflag:$0x1] =	stream.indirect.gather [hbm4b:s4+s21], $0x80, s14, s21, $0xb8;
	[tilespmem:$0x1C800] =	vst v63  }
0x73: {  	_ =	swait.ge [sflag:s28], $0x2000  }
0x74: {  	[sflag:s28] =	ssyncset.done $0x0  }
0x75: {  	s15 =	rddreg [dreg:$0x9];
	[sflag:s28] =	ssyncadd.s32 $0xFFFFE000  }
0x76: {  	[spmem:s2] =	stream.indirect.scatter.add.f32 [tilespmem:s22], [sflag:$0x6], $0x80, s15, s21, $0xb8;
	[tilespmem:$0x1C800] =	vst v63  }
0x77: {  	_ =	swait.ge [sflag:s29], $0x2000  }
0x78: {  	[sflag:s29] =	ssyncset.done $0x0  }
0x79: {  	s16 =	rddreg [dreg:$0xa];
	[sflag:s29] =	ssyncadd.s32 $0xFFFFE000  }
0x7a: {  	[tilespmem:s22], [sflag:$0x2] =	stream.indirect.gather [hbm4b:s4+s21], $0x80, s16, s21, $0xb8;
	[tilespmem:$0x1C800] =	vst v63  }
0x7b: {  	_ =	swait.ge [sflag:s30], $0x2000  }
0x7c: {  	[sflag:s30] =	ssyncset.done $0x0  }
0x7d: {  	[sflag:s30] =	ssyncadd.s32 $0xFFFFE000  }
0x7e: {  	[spmem:s2] =	stream.indirect.scatter.add.f32 [tilespmem:s23], [sflag:$0x7], $0x80, s31, s21, $0xb8;
	[tilespmem:$0x1C800] =	vst v63  }
0x7f: {  	_ =	swait.ge [sflag:s1], $0x2000  }
0x80: {  	[sflag:s1] =	ssyncset.done $0x0  }
0x81: {  	[sflag:s1] =	ssyncadd.s32 $0xFFFFE000  }
0x82: {  	[tilespmem:s23], [sflag:$0x3] =	stream.indirect.gather [hbm4b:s4+s21], $0x80, s0, s21, $0xb8;
	[tilespmem:$0x1C800] =	vst v63  }
0x83: {  	_ =	swait.ge [sflag:s6], $0x2000  }
0x84: {  	[sflag:s6] =	ssyncset.done $0x0  }
0x85: {  	[sflag:s6] =	ssyncadd.s32 $0xFFFFE000  }
0x86: {  	[spmem:s2] =	stream.indirect.scatter.add.f32 [tilespmem:s24], [sflag:$0x8], $0x80, s7, s21, $0xb8;
	[tilespmem:$0x1C800] =	vst v63  }
0x87: {  	_ =	swait.ge [sflag:s8], $0x2000  }
0x88: {  	[sflag:s8] =	ssyncset.done $0x0  }
0x89: {  	[sflag:s8] =	ssyncadd.s32 $0xFFFFE000  }
0x8a: {  	[tilespmem:s24], [sflag:$0x4] =	stream.indirect.gather [hbm4b:s4+s21], $0x80, s9, s21, $0xb8;
	[tilespmem:$0x1C800] =	vst v63  }
0x8b: {  	_ =	swait.ge [sflag:s25], $0x2000  }
0x8c: {  	[sflag:s25] =	ssyncset.done $0x0  }
0x8d: {  	[sflag:s25] =	ssyncadd.s32 $0xFFFFE000  }
0x8e: {  	[spmem:s2] =	stream.indirect.scatter.add.f32 [tilespmem:s17], [sflag:$0x5], $0x80, s10, s21, $0xb8;
	[tilespmem:$0x1C800] =	vst v63  }
0x8f: {  	_ =	swait.ge [sflag:s28], $0x2000  }
0x90: {  	[sflag:s28] =	ssyncset.done $0x0  }
0x91: {  	[sflag:s28] =	ssyncadd.s32 $0xFFFFE000  }
0x92: {  	[spmem:s2] =	stream.indirect.scatter.add.f32 [tilespmem:s22], [sflag:$0x6], $0x80, s11, s21, $0xb8;
	[tilespmem:$0x1C800] =	vst v63  }
0x93: {  	_ =	swait.ge [sflag:s30], $0x2000  }
0x94: {  	[sflag:s30] =	ssyncset.done $0x0  }
0x95: {  	[sflag:s30] =	ssyncadd.s32 $0xFFFFE000  }
0x96: {  	[spmem:s2] =	stream.indirect.scatter.add.f32 [tilespmem:s23], [sflag:$0x7], $0x80, s12, s21, $0xb8;
	[tilespmem:$0x1C800] =	vst v63  }
0x97: {  	_ =	swait.ge [sflag:s6], $0x2000  }
0x98: {  	[sflag:s6] =	ssyncset.done $0x0  }
0x99: {  	[sflag:s6] =	ssyncadd.s32 $0xFFFFE000  }
0x9a: {  	[spmem:s2] =	stream.indirect.scatter.add.f32 [tilespmem:s24], [sflag:$0x8], $0x80, s13, s21, $0xb8;
	[tilespmem:$0x1C800] =	vst v63  }
0x9b: {  	_ =	swait.ge [sflag:s26], $0x2000  }
0x9c: {  	[sflag:s26] =	ssyncset.done $0x0  }
0x9d: {  	[sflag:s26] =	ssyncadd.s32 $0xFFFFE000  }
0x9e: {  	_ =	swait.ge [sflag:s29], $0x2000  }
0x9f: {  	[sflag:s29] =	ssyncset.done $0x0  }
0xa0: {  	[sflag:s29] =	ssyncadd.s32 $0xFFFFE000  }
0xa1: {  	_ =	swait.ge [sflag:s1], $0x2000  }
0xa2: {  	[sflag:s1] =	ssyncset.done $0x0  }
0xa3: {  	[sflag:s1] =	ssyncadd.s32 $0xFFFFE000  }
0xa4: {  	s15 =	simm.s32 $0x80;
	_ =	swait.ge [sflag:s8], $0x2000  }
0xa5: {  	s16 =	simm.s32 $0x100;
	s5 =	rddreg [dreg:$0x3];
	[sflag:s8] =	ssyncset.done $0x0  }
.LBB2_4:
0xa6: {  	[sflag:s8] =	ssyncadd.s32 $0xFFFFE000;
	s5 =	sadd.s32 s15, s5  }
0xa7: {  	[tilespmem:s19], [sflag:$0x9] =	stream.linear.gather [hbm4b:s5+s3], $0x400, $0x38;
	[tilespmem:$0x1C800] =	vst v63  }
0xa8: {  	_ =	swait.ge [sflag:s18], $0x400  }
0xa9: {  	s5 =	rddreg [dreg:$0x4];
	[sflag:s18] =	ssyncset.done $0x0  }
0xaa: {  	[sflag:s18] =	ssyncadd.s32 $0xFFFFFC00;
	s5 =	sadd.s32 s15, s5  }
0xab: {  	[tilespmem:s20], [sflag:$0x9] =	stream.linear.gather [hbm4b:s5+s3], $0x400, $0x38;
	[tilespmem:$0x1C800] =	vst v63  }
0xac: {  	_ =	swait.ge [sflag:s18], $0x400  }
0xad: {  	[sflag:s18] =	ssyncset.done $0x0  }
0xae: {  	[sflag:s18] =	ssyncadd.s32 $0xFFFFFC00  }
0xaf: {  	[tilespmem:s17], [sflag:$0x1] =	stream.indirect.gather [hbm4b:s4+s21], $0x80, s19, s21, $0xb8;
	[tilespmem:$0x1C800] =	vst v63  }
0xb0: {  	s14 =	smov.u32 s16;
	s5 =	rddreg [dreg:$0x5]  }
0xb1: {  	[tilespmem:s22], [sflag:$0x2] =	stream.indirect.gather [hbm4b:s4+s21], $0x80, s5, s21, $0xb8;
	[tilespmem:$0x1C800] =	vst v63  }
0xb2: {  	s15 =	smov.u32 s14;
	s14 =	rddreg [dreg:$0x6]  }
0xb3: {  	[tilespmem:s23], [sflag:$0x3] =	stream.indirect.gather [hbm4b:s4+s21], $0x80, s14, s21, $0xb8;
	[tilespmem:$0x1C800] =	vst v63  }
0xb4: {  	s5 =	rddreg [dreg:$0x7]  }
0xb5: {  	[tilespmem:s24], [sflag:$0x4] =	stream.indirect.gather [hbm4b:s4+s21], $0x80, s5, s21, $0xb8;
	[tilespmem:$0x1C800] =	vst v63  }
0xb6: {  	_ =	swait.ge [sflag:s25], $0x2000  }
0xb7: {  	[sflag:s25] =	ssyncset.done $0x0  }
0xb8: {  	[sflag:s25] =	ssyncadd.s32 $0xFFFFE000  }
0xb9: {  	[spmem:s2] =	stream.indirect.scatter.add.f32 [tilespmem:s17], [sflag:$0x5], $0x80, s20, s21, $0xb8;
	[tilespmem:$0x1C800] =	vst v63  }
0xba: {  	_ =	swait.ge [sflag:s26], $0x2000  }
0xbb: {  	[sflag:s26] =	ssyncset.done $0x0  }
0xbc: {  	s14 =	rddreg [dreg:$0x8];
	[sflag:s26] =	ssyncadd.s32 $0xFFFFE000  }
0xbd: {  	[tilespmem:s17], [sflag:$0x1] =	stream.indirect.gather [hbm4b:s4+s21], $0x80, s14, s21, $0xb8;
	[tilespmem:$0x1C800] =	vst v63  }
0xbe: {  	_ =	swait.ge [sflag:s28], $0x2000  }
0xbf: {  	[sflag:s28] =	ssyncset.done $0x0  }
0xc0: {  	s14 =	rddreg [dreg:$0x9];
	[sflag:s28] =	ssyncadd.s32 $0xFFFFE000  }
0xc1: {  	[spmem:s2] =	stream.indirect.scatter.add.f32 [tilespmem:s22], [sflag:$0x6], $0x80, s14, s21, $0xb8;
	[tilespmem:$0x1C800] =	vst v63  }
0xc2: {  	_ =	swait.ge [sflag:s29], $0x2000  }
0xc3: {  	[sflag:s29] =	ssyncset.done $0x0  }
0xc4: {  	s14 =	rddreg [dreg:$0xa];
	[sflag:s29] =	ssyncadd.s32 $0xFFFFE000  }
0xc5: {  	[tilespmem:s22], [sflag:$0x2] =	stream.indirect.gather [hbm4b:s4+s21], $0x80, s14, s21, $0xb8;
	[tilespmem:$0x1C800] =	vst v63  }
0xc6: {  	_ =	swait.ge [sflag:s30], $0x2000  }
0xc7: {  	[sflag:s30] =	ssyncset.done $0x0  }
0xc8: {  	[sflag:s30] =	ssyncadd.s32 $0xFFFFE000  }
0xc9: {  	[spmem:s2] =	stream.indirect.scatter.add.f32 [tilespmem:s23], [sflag:$0x7], $0x80, s31, s21, $0xb8;
	[tilespmem:$0x1C800] =	vst v63  }
0xca: {  	_ =	swait.ge [sflag:s1], $0x2000  }
0xcb: {  	[sflag:s1] =	ssyncset.done $0x0  }
0xcc: {  	[sflag:s1] =	ssyncadd.s32 $0xFFFFE000  }
0xcd: {  	[tilespmem:s23], [sflag:$0x3] =	stream.indirect.gather [hbm4b:s4+s21], $0x80, s0, s21, $0xb8;
	[tilespmem:$0x1C800] =	vst v63  }
0xce: {  	_ =	swait.ge [sflag:s6], $0x2000  }
0xcf: {  	[sflag:s6] =	ssyncset.done $0x0  }
0xd0: {  	[sflag:s6] =	ssyncadd.s32 $0xFFFFE000  }
0xd1: {  	[spmem:s2] =	stream.indirect.scatter.add.f32 [tilespmem:s24], [sflag:$0x8], $0x80, s7, s21, $0xb8;
	[tilespmem:$0x1C800] =	vst v63  }
0xd2: {  	_ =	swait.ge [sflag:s8], $0x2000  }
0xd3: {  	[sflag:s8] =	ssyncset.done $0x0  }
0xd4: {  	[sflag:s8] =	ssyncadd.s32 $0xFFFFE000  }
0xd5: {  	[tilespmem:s24], [sflag:$0x4] =	stream.indirect.gather [hbm4b:s4+s21], $0x80, s9, s21, $0xb8;
	[tilespmem:$0x1C800] =	vst v63  }
0xd6: {  	_ =	swait.ge [sflag:s25], $0x2000  }
0xd7: {  	[sflag:s25] =	ssyncset.done $0x0  }
0xd8: {  	[sflag:s25] =	ssyncadd.s32 $0xFFFFE000  }
0xd9: {  	[spmem:s2] =	stream.indirect.scatter.add.f32 [tilespmem:s17], [sflag:$0x5], $0x80, s10, s21, $0xb8;
	[tilespmem:$0x1C800] =	vst v63  }
0xda: {  	_ =	swait.ge [sflag:s28], $0x2000  }
0xdb: {  	[sflag:s28] =	ssyncset.done $0x0  }
0xdc: {  	[sflag:s28] =	ssyncadd.s32 $0xFFFFE000  }
0xdd: {  	[spmem:s2] =	stream.indirect.scatter.add.f32 [tilespmem:s22], [sflag:$0x6], $0x80, s11, s21, $0xb8;
	[tilespmem:$0x1C800] =	vst v63  }
0xde: {  	_ =	swait.ge [sflag:s30], $0x2000  }
0xdf: {  	[sflag:s30] =	ssyncset.done $0x0  }
0xe0: {  	[sflag:s30] =	ssyncadd.s32 $0xFFFFE000  }
0xe1: {  	[spmem:s2] =	stream.indirect.scatter.add.f32 [tilespmem:s23], [sflag:$0x7], $0x80, s12, s21, $0xb8;
	[tilespmem:$0x1C800] =	vst v63  }
0xe2: {  	_ =	swait.ge [sflag:s6], $0x2000  }
0xe3: {  	[sflag:s6] =	ssyncset.done $0x0  }
0xe4: {  	[sflag:s6] =	ssyncadd.s32 $0xFFFFE000  }
0xe5: {  	[spmem:s2] =	stream.indirect.scatter.add.f32 [tilespmem:s24], [sflag:$0x8], $0x80, s13, s21, $0xb8;
	[tilespmem:$0x1C800] =	vst v63  }
0xe6: {  	_ =	swait.ge [sflag:s26], $0x2000  }
0xe7: {  	[sflag:s26] =	ssyncset.done $0x0  }
0xe8: {  	[sflag:s26] =	ssyncadd.s32 $0xFFFFE000  }
0xe9: {  	_ =	swait.ge [sflag:s29], $0x2000  }
0xea: {  	[sflag:s29] =	ssyncset.done $0x0  }
0xeb: {  	p0 =	sne.s32 s16, $0x980;
	[sflag:s29] =	ssyncadd.s32 $0xFFFFE000  }
.Ltmp1:
0xec: {  	_ =	swait.ge [sflag:s1], $0x2000;
	(pc) =	sbr.rel @p0 .LBB2_4-.Ltmp1, $4  }
0xed: {  	[sflag:s1] =	ssyncset.done $0x0  }
0xee: {  	[sflag:s1] =	ssyncadd.s32 $0xFFFFE000  }
0xef: {  	_ =	swait.ge [sflag:s8], $0x2000  }
0xf0: {  	s16 =	sadd.s32 $0x80, s16;
	s5 =	rddreg [dreg:$0x3];
	[sflag:s8] =	ssyncset.done $0x0  }
0xf1: {  	[sflag:s8] =	ssyncadd.s32 $0xFFFFE000;
	s5 =	sadd.s32 s15, s5  }
0xf2: {  	[tilespmem:s19], [sflag:$0x9] =	stream.linear.gather [hbm4b:s5+s3], $0x400, $0x38;
	[tilespmem:$0x1C800] =	vst v63  }
0xf3: {  	_ =	swait.ge [sflag:s18], $0x400  }
0xf4: {  	s14 =	rddreg [dreg:$0x4];
	[sflag:s18] =	ssyncset.done $0x0  }
0xf5: {  	[sflag:s18] =	ssyncadd.s32 $0xFFFFFC00;
	s5 =	sadd.s32 s15, s14  }
0xf6: {  	[tilespmem:s20], [sflag:$0x9] =	stream.linear.gather [hbm4b:s5+s3], $0x400, $0x38;
	[tilespmem:$0x1C800] =	vst v63  }
0xf7: {  	_ =	swait.ge [sflag:s18], $0x400  }
0xf8: {  	[sflag:s18] =	ssyncset.done $0x0  }
0xf9: {  	[sflag:s18] =	ssyncadd.s32 $0xFFFFFC00  }
0xfa: {  	[tilespmem:s17], [sflag:$0x1] =	stream.indirect.gather [hbm4b:s4+s21], $0x80, s19, s21, $0xb8;
	[tilespmem:$0x1C800] =	vst v63  }
0xfb: {  	s15 =	rddreg [dreg:$0x5]  }
0xfc: {  	[tilespmem:s22], [sflag:$0x2] =	stream.indirect.gather [hbm4b:s4+s21], $0x80, s15, s21, $0xb8;
	[tilespmem:$0x1C800] =	vst v63  }
0xfd: {  	s14 =	rddreg [dreg:$0x6]  }
0xfe: {  	[tilespmem:s23], [sflag:$0x3] =	stream.indirect.gather [hbm4b:s4+s21], $0x80, s14, s21, $0xb8;
	[tilespmem:$0x1C800] =	vst v63  }
0xff: {  	s16 =	rddreg [dreg:$0x7]  }
0x100: {  	[tilespmem:s24], [sflag:$0x4] =	stream.indirect.gather [hbm4b:s4+s21], $0x80, s16, s21, $0xb8;
	[tilespmem:$0x1C800] =	vst v63  }
0x101: {  	_ =	swait.ge [sflag:s25], $0x2000  }
0x102: {  	[sflag:s25] =	ssyncset.done $0x0  }
0x103: {  	[sflag:s25] =	ssyncadd.s32 $0xFFFFE000  }
0x104: {  	[spmem:s2] =	stream.indirect.scatter.add.f32 [tilespmem:s17], [sflag:$0x5], $0x80, s20, s21, $0xb8;
	[tilespmem:$0x1C800] =	vst v63  }
0x105: {  	_ =	swait.ge [sflag:s26], $0x2000  }
0x106: {  	[sflag:s26] =	ssyncset.done $0x0  }
0x107: {  	s14 =	rddreg [dreg:$0x8];
	[sflag:s26] =	ssyncadd.s32 $0xFFFFE000  }
0x108: {  	[tilespmem:s17], [sflag:$0x1] =	stream.indirect.gather [hbm4b:s4+s21], $0x80, s14, s21, $0xb8;
	[tilespmem:$0x1C800] =	vst v63  }
0x109: {  	_ =	swait.ge [sflag:s28], $0x2000  }
0x10a: {  	[sflag:s28] =	ssyncset.done $0x0  }
0x10b: {  	s15 =	rddreg [dreg:$0x9];
	[sflag:s28] =	ssyncadd.s32 $0xFFFFE000  }
0x10c: {  	[spmem:s2] =	stream.indirect.scatter.add.f32 [tilespmem:s22], [sflag:$0x6], $0x80, s15, s21, $0xb8;
	[tilespmem:$0x1C800] =	vst v63  }
0x10d: {  	_ =	swait.ge [sflag:s29], $0x2000  }
0x10e: {  	[sflag:s29] =	ssyncset.done $0x0  }
0x10f: {  	s16 =	rddreg [dreg:$0xa];
	[sflag:s29] =	ssyncadd.s32 $0xFFFFE000  }
0x110: {  	[tilespmem:s22], [sflag:$0x2] =	stream.indirect.gather [hbm4b:s4+s21], $0x80, s16, s21, $0xb8;
	[tilespmem:$0x1C800] =	vst v63  }
0x111: {  	_ =	swait.ge [sflag:s30], $0x2000  }
0x112: {  	[sflag:s30] =	ssyncset.done $0x0  }
0x113: {  	[sflag:s30] =	ssyncadd.s32 $0xFFFFE000  }
0x114: {  	[spmem:s2] =	stream.indirect.scatter.add.f32 [tilespmem:s23], [sflag:$0x7], $0x80, s31, s21, $0xb8;
	[tilespmem:$0x1C800] =	vst v63  }
0x115: {  	_ =	swait.ge [sflag:s1], $0x2000  }
0x116: {  	[sflag:s1] =	ssyncset.done $0x0  }
0x117: {  	[sflag:s1] =	ssyncadd.s32 $0xFFFFE000  }
0x118: {  	[tilespmem:s23], [sflag:$0x3] =	stream.indirect.gather [hbm4b:s4+s21], $0x80, s0, s21, $0xb8;
	[tilespmem:$0x1C800] =	vst v63  }
0x119: {  	_ =	swait.ge [sflag:s6], $0x2000  }
0x11a: {  	[sflag:s6] =	ssyncset.done $0x0  }
0x11b: {  	[sflag:s6] =	ssyncadd.s32 $0xFFFFE000  }
0x11c: {  	[spmem:s2] =	stream.indirect.scatter.add.f32 [tilespmem:s24], [sflag:$0x8], $0x80, s7, s21, $0xb8;
	[tilespmem:$0x1C800] =	vst v63  }
0x11d: {  	_ =	swait.ge [sflag:s8], $0x2000  }
0x11e: {  	[sflag:s8] =	ssyncset.done $0x0  }
0x11f: {  	[sflag:s8] =	ssyncadd.s32 $0xFFFFE000  }
0x120: {  	[tilespmem:s24], [sflag:$0x4] =	stream.indirect.gather [hbm4b:s4+s21], $0x80, s9, s21, $0xb8;
	[tilespmem:$0x1C800] =	vst v63  }
0x121: {  	_ =	swait.ge [sflag:s25], $0x2000  }
0x122: {  	[sflag:s25] =	ssyncset.done $0x0  }
0x123: {  	[sflag:s25] =	ssyncadd.s32 $0xFFFFE000  }
0x124: {  	[spmem:s2] =	stream.indirect.scatter.add.f32 [tilespmem:s17], [sflag:$0x5], $0x80, s10, s21, $0xb8;
	[tilespmem:$0x1C800] =	vst v63  }
0x125: {  	_ =	swait.ge [sflag:s28], $0x2000  }
0x126: {  	[sflag:s28] =	ssyncset.done $0x0  }
0x127: {  	[sflag:s28] =	ssyncadd.s32 $0xFFFFE000  }
0x128: {  	[spmem:s2] =	stream.indirect.scatter.add.f32 [tilespmem:s22], [sflag:$0x6], $0x80, s11, s21, $0xb8;
	[tilespmem:$0x1C800] =	vst v63  }
0x129: {  	_ =	swait.ge [sflag:s30], $0x2000  }
0x12a: {  	[sflag:s30] =	ssyncset.done $0x0  }
0x12b: {  	[sflag:s30] =	ssyncadd.s32 $0xFFFFE000  }
0x12c: {  	[spmem:s2] =	stream.indirect.scatter.add.f32 [tilespmem:s23], [sflag:$0x7], $0x80, s12, s21, $0xb8;
	[tilespmem:$0x1C800] =	vst v63  }
0x12d: {  	_ =	swait.ge [sflag:s6], $0x2000  }
0x12e: {  	[sflag:s6] =	ssyncset.done $0x0  }
0x12f: {  	[sflag:s6] =	ssyncadd.s32 $0xFFFFE000  }
0x130: {  	[spmem:s2] =	stream.indirect.scatter.add.f32 [tilespmem:s24], [sflag:$0x8], $0x80, s13, s21, $0xb8;
	[tilespmem:$0x1C800] =	vst v63  }
0x131: {  	_ =	swait.ge [sflag:s26], $0x2000  }
0x132: {  	[sflag:s26] =	ssyncset.done $0x0  }
0x133: {  	[sflag:s26] =	ssyncadd.s32 $0xFFFFE000  }
0x134: {  	_ =	swait.ge [sflag:s29], $0x2000  }
0x135: {  	[sflag:s29] =	ssyncset.done $0x0  }
0x136: {  	[sflag:s29] =	ssyncadd.s32 $0xFFFFE000  }
0x137: {  	_ =	swait.ge [sflag:s1], $0x2000  }
0x138: {  	[sflag:s1] =	ssyncset.done $0x0  }
0x139: {  	[sflag:s1] =	ssyncadd.s32 $0xFFFFE000  }
0x13a: {  	_ =	swait.ge [sflag:s8], $0x2000  }
0x13b: {  	[sflag:s8] =	ssyncset.done $0x0  }
0x13c: {  	[sflag:s8] =	ssyncadd.s32 $0xFFFFE000  }
0x13d: {  	s14 =	stileid.u32;
	[bflag:$0x0] =	sbarrier.arrive $0xFFFF  }
0x13e: {  	s5 =	sshll.u32 s14, $0x6;
	s15 =	rddreg [dreg:$0xb]  }
0x13f: {  	s5 =	sor.u32 $0x1C09, s5;
	s16 =	rddreg [dreg:$0x15];
	s14 =	sshrl.u32 s15, $0x3  }
0x140: {  	[hbm:s16], [sflag:s5] =	dma.local [spmem:s14], $0x2800  }
0x141: {  	_ =	swait.ge [sflag:s18], $0x2800  }
0x142: {  	s15 =	rddreg [dreg:$0x17]  }
0x143: {  	s16 =	rddreg [dreg:$0x16];
	s14 =	sadd.s32 $0x1, s15  }
0x144: {  	p0 =	sne.s32 s14, s16  }
.Ltmp2:
0x145: {  	_ = 	snop;
	(pc) =	sbr.rel @p0 .LBB2_1-.Ltmp2, $3  }
0x146: {  	_ =	sdelay $0x1  }
0x147: {  	[sflag:s18] =	ssyncset.done $0x0  }
0x148: {  	[sflag:s18] =	ssyncadd.s32 $0xFFFFD800  }
0x149: {  	_ =	sfence.sel $0x180000  }
0x14a: {  	[bflag:$0x0] =	sbarrier.arrive $0xFFFF  }
0x14b: {  	_ =	strace $0x9000004D  }
0x14c: {  	s0 =	stileid.u32;
	[bflag:$0x2] =	sbarrier.arrive $0xFFFF  }
0x14d: {  	p0 =	sne.s32 s0, $0x0;
	s0 =	rddreg [dreg:$0x2]  }
0x14e: {  	s0 =	sadd.s32 @!p0 $0x100000, s0  }
0x14f: {  	[sflag:s0] =	ssyncadd.tile.s32 @!p0 $0x1;
	_ =	shalt  }
.Lfunc_end2:
_tile_overlayer_lowered:
.L_overlay_start_2:
0x150: {  	(tag) =	ssettag $0x2  }
0x151: {  	s0 =	rddreg [dreg:$0x0];
	s2 =	stileid.u32  }
0x152: {  	s1 =	rddreg [dreg:$0x1];
	p0 =	sne.s32 s2, $0x0  }
0x153: {  	s3 =	rddreg [dreg:$0x2];
	[bflag:$0x3] =	sbarrier.arrive $0xFFFF;
	s2 =	simm.s32 @!p0 $0x1C09  }
0x154: {  	[timem:s3], [sflag:s2] =	dma.local @!p0 [hbm:s0], s1  }
0x155: {  	s0 =	simm.s32 @!p0 $0x9  }
0x156: {  	_ =	swait.ge @!p0 [sflag:s0], s1  }
0x157: {  	s1 =	ssub.s32 @!p0 $0x0, s1;
	[sflag:s0] =	ssyncset.done @!p0 $0x0  }
0x158: {  	[sflag:s0] =	ssyncadd.s32 @!p0 s1  }
0x159: {  	[bflag:$0x3] =	sbarrier.arrive $0xFFFF  }
0x15a: {  	_ =	shalt  }

// kernel: kernel.7.cloned.1.call-start
scs
__scs_entry_jumppad:
0x0: {  	(pc) =	sbr.rel $0x88, $3  }
0x1: {  	(tag) =	ssettag $0x0;
	lr =	simm.s32 $0x1  }
0x2: {  	[smem:$0x3F9B] =	sst lr;
	_ =	strace $0xD0000000  }
0x3: {  	_ = 	snop  }
0x4: {  	_ = 	snop  }
0x5: {  	_ = 	snop  }
0x6: {  	_ = 	snop  }
0x7: {  	_ = 	snop  }
__scs_overlays_trampoline_lowered:
0x8: {  	[smem:$0x3FAA] =	sst s0  }
0x9: {  	[smem:$0x3FAB] =	sst s1  }
0xa: {  	[smem:$0x3FAC] =	sst s2  }
0xb: {  	[smem:$0x3FAD] =	sst s3  }
0xc: {  	[smem:$0x3FAE] =	sst s4  }
0xd: {  	[smem:$0x3FAF] =	sst s5  }
0xe: {  	[smem:$0x3FB0] =	sst s6  }
0xf: {  	[smem:$0x3FB1] =	sst s7  }
0x10: {  	[smem:$0x3FB2] =	sst s8  }
0x11: {  	[smem:$0x3FB3] =	sst s9;
	s0 =	simm.s32 @!p0 $0x0  }
0x12: {  	s1 =	sld [smem:$0x3F99];
	s0 =	simm.s32 @p0 $0x1  }
0x13: {  	[smem:$0x3FB4] =	sst s0;
	s0 =	simm.s32 @!p1 $0x0  }
0x14: {  	s2 =	sld [smem:$0x3F98];
	s0 =	simm.s32 @p1 $0x1  }
0x15: {  	[smem:$0x3FB5] =	sst s0;
	s0 =	simm.s32 @!p2 $0x0  }
0x16: {  	s3 =	sld [smem:$0x3FDB];
	s0 =	simm.s32 @p2 $0x1  }
0x17: {  	s4 =	simm.s32 $0x1BF5;
	[smem:$0x3FB7] =	sst s0  }
0x18: {  	s0 =	sld [smem:$0x3F9A];
	_ =	swait.ge [sflag:s4], $0x0  }
0x19: {  	s7 =	sld [smem:$0x3F9B]  }
0x1a: {  	s8 =	sadd.s32 $0xFFFFE003, lr  }
0x1b: {  	s9 =	sadd.s32 $0xFFFFFEF7, lr;
	s5 =	simm.s32 $0xFFFFFFFF;
	p2 =	slt.u32 s8, $0xFFFFF086  }
0x1c: {  	p1 =	slt.u32 s9, $0xF7A;
	s5 =	simm.s32 @!p2 $0x0  }
0x1d: {  	s5 =	simm.s32 @p1 $0x1;
	p0 =	seq.s32 s7, s2  }
0x1e: {  	s7 =	smul.u32 @!p0 $0xF7A, s2;
	p2 =	seq.s32 @!p0 s5, $0x0  }
0x1f: {  	s9 =	smul.u32 $0xF7A, s1;
	s8 =	simm.s32 @!p0 $0x1BF5;
	p2 =	por !p2, p0  }
0x20: {  	[sflag:s8] =	ssyncset.s32 @!p0 $0xFFFFF086;
	s6 =	sadd.s32 @!p0 s3, s7;
	s7 =	simm.s32 @!p0 $0x108  }
0x21: {  	s3 =	sadd.s32 s3, s9;
	s6 =	sadd.s32 @!p0 $0x88, s6;
	s7 =	simm.s32 @p2 $0x1082  }
0x22: {  	[simem:s7], [sflag:s8] =	dma.local @!p0 [hbm:s6], $0xF7A  }
0x23: {  	s9 =	sor.u32 $0xD0000000, s2;
	s6 =	simm.s32 $0x108;
	_ =	swait.ge @!p0 [sflag:s8], $0x0  }
0x24: {  	s3 =	sadd.s32 $0x88, s3;
	s6 =	simm.s32 @!p1 $0x1082;
	[sflag:s4] =	ssyncset.s32 $0xFFFFF086  }
0x25: {  	[simem:s6], [sflag:s4] =	dma.local [hbm:s3], $0xF7A  }
0x26: {  	[smem:$0x3F9B] =	sst s1;
	(tag) =	ssettag s2;
	_ =	strace s9  }
0x27: {  	s1 =	sld [smem:$0x3FAB]  }
0x28: {  	s2 =	sld [smem:$0x3FAC]  }
0x29: {  	s4 =	sld [smem:$0x3FAE]  }
0x2a: {  	p0 =	seq.s32 s5, $0x0;
	s5 =	sld [smem:$0x3FAF]  }
0x2b: {  	s6 =	sld [smem:$0x3FB0]  }
0x2c: {  	s7 =	sld [smem:$0x3FB1]  }
0x2d: {  	s3 =	simm.s32 $0x108;
	s8 =	sld [smem:$0x3FB2]  }
0x2e: {  	s3 =	simm.s32 @!p0 $0x1082;
	s9 =	sld [smem:$0x3FB3]  }
0x2f: {  	lr =	sadd.s32 s0, s3;
	s0 =	sld [smem:$0x3FAA]  }
0x30: {  	s3 =	sld [smem:$0x3FAD]  }
0x31: {  	[smem:$0x3FB6] =	sst s10  }
0x32: {  	s10 =	sld [smem:$0x3FB4];
	_ =	sdelay $0x3  }
0x33: {  	p0 =	seq.s32 s10, $0x1;
	s10 =	sld [smem:$0x3FB6];
	_ =	sdelay $0x3  }
0x34: {  	[smem:$0x3FB6] =	sst s10  }
0x35: {  	s10 =	sld [smem:$0x3FB5];
	_ =	sdelay $0x3  }
0x36: {  	p1 =	seq.s32 s10, $0x1;
	s10 =	sld [smem:$0x3FB6];
	_ =	sdelay $0x3  }
0x37: {  	[smem:$0x3FB6] =	sst s10  }
0x38: {  	s10 =	sld [smem:$0x3FB7]  }
0x39: {  	_ = 	snop;
	(pc) =	sbr.ind lr, $3  }
0x3a: {  	_ = 	snop  }
0x3b: {  	_ = 	snop  }
0x3c: {  	p2 =	seq.s32 s10, $0x1;
	s10 =	sld [smem:$0x3FB6]  }
0x3d: {  	_ =	shalt  }
0x3e: {  	_ =	shalt  }
0x3f: {  	_ =	shalt  }
0x40: {  	_ =	shalt  }
0x41: {  	_ =	shalt  }
0x42: {  	_ =	shalt  }
0x43: {  	_ =	shalt  }
0x44: {  	_ =	shalt  }
0x45: {  	_ =	shalt  }
0x46: {  	_ =	shalt  }
0x47: {  	_ =	shalt  }
0x48: {  	_ =	shalt  }
0x49: {  	_ =	shalt  }
0x4a: {  	_ =	shalt  }
0x4b: {  	_ =	shalt  }
0x4c: {  	_ =	shalt  }
0x4d: {  	_ =	shalt  }
0x4e: {  	_ =	shalt  }
0x4f: {  	_ =	shalt  }
0x50: {  	_ =	shalt  }
0x51: {  	_ =	shalt  }
0x52: {  	_ =	shalt  }
0x53: {  	_ =	shalt  }
0x54: {  	_ =	shalt  }
0x55: {  	_ =	shalt  }
0x56: {  	_ =	shalt  }
0x57: {  	_ =	shalt  }
0x58: {  	_ =	shalt  }
0x59: {  	_ =	shalt  }
0x5a: {  	_ =	shalt  }
0x5b: {  	_ =	shalt  }
0x5c: {  	_ =	shalt  }
0x5d: {  	_ =	shalt  }
0x5e: {  	_ =	shalt  }
0x5f: {  	_ =	shalt  }
0x60: {  	_ =	shalt  }
0x61: {  	_ =	shalt  }
0x62: {  	_ =	shalt  }
0x63: {  	_ =	shalt  }
0x64: {  	_ =	shalt  }
0x65: {  	_ =	shalt  }
0x66: {  	_ =	shalt  }
0x67: {  	_ =	shalt  }
0x68: {  	_ =	shalt  }
0x69: {  	_ =	shalt  }
0x6a: {  	_ =	shalt  }
0x6b: {  	_ =	shalt  }
0x6c: {  	_ =	shalt  }
0x6d: {  	_ =	shalt  }
0x6e: {  	_ =	shalt  }
0x6f: {  	_ =	shalt  }
0x70: {  	_ =	shalt  }
0x71: {  	_ =	shalt  }
0x72: {  	_ =	shalt  }
0x73: {  	_ =	shalt  }
0x74: {  	_ =	shalt  }
0x75: {  	_ =	shalt  }
0x76: {  	_ =	shalt  }
0x77: {  	_ =	shalt  }
0x78: {  	_ =	shalt  }
0x79: {  	_ =	shalt  }
0x7a: {  	_ =	shalt  }
0x7b: {  	_ =	shalt  }
0x7c: {  	_ =	shalt  }
0x7d: {  	_ =	shalt  }
0x7e: {  	_ =	shalt  }
0x7f: {  	_ =	shalt  }
0x80: {  	_ =	shalt  }
0x81: {  	_ =	shalt  }
0x82: {  	_ =	shalt  }
0x83: {  	_ =	shalt  }
0x84: {  	_ =	shalt  }
0x85: {  	_ =	shalt  }
0x86: {  	_ =	shalt  }
0x87: {  	_ =	shalt  }
.Lfunc_end0:
.L_simem_size_0:
called_computation_lowered:
.L_overlay_start_0:
0x88: {  	s2 =	sld [smem:$0x3FD9]  }
0x89: {  	s3 =	sld [smem:$0x3FFE];
	_ =	sdelay $0x1  }
0x8a: {  	s1 =	srdreg.scid  }
0x8b: {  	s0 =	sand.u32 $0x1, s1  }
0x8c: {  	s17 =	sshll.u32 s0, $0xA;
	s2 =	sadd.s32 s3, s2  }
0x8d: {  	s2 =	sadd.s32 s2, s17  }
0x8e: {  	[smem:$0x3FC2] =	sst s2  }
0x8f: {  	_ = 	snop  }
0x90: {  	s18 =	sld [smem:$0x3FD0];
	(tm) =	ssettm $0x1  }
0x91: {  	s19 =	sld [smem:$0x3FFB];
	_ =	sdelay $0x3  }
0x92: {  	_ =	strace s19  }
0x93: {  	s2 =	sld [smem:$0x3FFC];
	_ =	sdelay $0x3  }
0x94: {  	_ =	strace s2  }
0x95: {  	s2 =	sld [smem:$0x3FFD];
	_ =	sdelay $0x3  }
0x96: {  	_ =	strace s2  }
0x97: {  	_ =	strace $0x8FFFFFFF  }
0x98: {  	s20 =	sld [smem:$0x3FDB];
	_ =	sdelay $0x1  }
0x99: {  	s4 =	simm.s32 $_scs_section_size  }
0x9a: {  	s5 =	simm.s32 $_size__tile_overlayer_lowered;
	s6 =	simm.s32 $_tile_overlayer_lowered  }
0x9b: {  	s7 =	simm.s32 $0x1BFF;
	s21 =	sshll.u32 s6, $0x1;
	s4 =	sadd.s32 s4, s20  }
0x9c: {  	s22 =	simm.s32 $0x0;
	s5 =	sshll.u32 s5, $0x1;
	s6 =	sadd.s32 s21, s4  }
0x9d: {  	[timem:s22], [sflag:s7] =	dma.local [hbm:s6], s5  }
0x9e: {  	_ =	swait.ge [sflag:s7], s5  }
0x9f: {  	s5 =	ssub.s32 $0x0, s5;
	[sflag:s7] =	ssyncset.done $0x0  }
0xa0: {  	[sflag:s7] =	ssyncadd.s32 s5;
	_ =	sdelay $0x1  }
0xa1: {  	s23 =	simm.s32 $0x1B8B  }
0xa2: {  	_ =	swait.ge [sflag:s23], $0x1  }
0xa3: {  	[sflag:s23] =	ssyncset.done $0x0  }
0xa4: {  	[sflag:s23] =	ssyncadd.s32 $0xFFFFFFFF  }
0xa5: {  	s5 =	sld [smem:$0x0]  }
0xa6: {  	s6 =	sand.u32 $0xFFFFFFFE, s1  }
0xa7: {  	p0 =	sne.s32 s1, s6  }
0xa8: {  	s6 =	sshll.u32 @p0 s6, $0xE  }
0xa9: {  	s6 =	sadd.s32 @p0 $0x11B8D, s6;
	s7 =	sshll.u32 @p0 s5, $0x11  }
0xaa: {  	s6 =	sor.u32 @p0 s7, s6  }
0xab: {  	[sflag:s6] =	ssyncadd.remote.s32 @p0 $0x1;
	_ =	sdelay $0x1  }
0xac: {  	s6 =	simm.s32 @p0 $0x1B8D  }
0xad: {  	_ =	swait.eq @p0 [sflag:s6], $0x1  }
0xae: {  	[sflag:s6] =	ssyncadd.s32 @p0 $0xFFFFFFFF  }
0xaf: {  	s7 =	sshll.u32 @!p0 s1, $0xE  }
0xb0: {  	s7 =	sor.u32 @!p0 $0x4000, s7;
	s6 =	simm.s32 @!p0 $0x1B8D  }
0xb1: {  	s5 =	sshll.u32 @!p0 s5, $0x11;
	s7 =	sadd.s32 @!p0 $0x11B8D, s7;
	_ =	swait.eq @!p0 [sflag:s6], $0x1  }
0xb2: {  	s5 =	sor.u32 @!p0 s5, s7;
	[sflag:s6] =	ssyncadd.s32 @!p0 $0xFFFFFFFF  }
0xb3: {  	s25 =	simm.s32 $0x1B8E;
	s24 =	sld [smem:$0x3FFE];
	[sflag:s5] =	ssyncadd.remote.s32 @!p0 $0x1  }
0xb4: {  	s26 =	simm.s32 $execute0_lowered;
	[smem:$0x3FD2] =	sst s25  }
0xb5: {  	s6 =	sshll.u32 s26, $0x1;
	_ =	strace $0x80000049;
	[dreg:$0x1] =	wrdreg $0xFFFFFFFF  }
0xb6: {  	s28 =	simm.s32 $_size_execute0_lowered;
	s4 =	sadd.s32 s4, s6;
	[dreg:$0x0] =	wrdreg $0x0  }
0xb7: {  	s6 =	sshll.u32 s28, $0x1;
	[dreg:$0x2] =	wrdreg s4  }
0xb8: {  	[dreg:$0x3] =	wrdreg s6  }
0xb9: {  	[dreg:$0x4] =	wrdreg $0xC0  }
0xba: {  	_ =	task [dreg:s22], $0x5FFFF  }
0xbb: {  	[dreg:$0x1] =	wrdreg $0xFFFFFFFF  }
0xbc: {  	[dreg:$0x0] =	wrdreg $0x60  }
0xbd: {  	[dreg:$0x2] =	wrdreg s24  }
0xbe: {  	[dreg:$0x3] =	wrdreg s18  }
0xbf: {  	[dreg:$0x4] =	wrdreg $0x0  }
0xc0: {  	[dreg:$0x5] =	wrdreg $0x9  }
0xc1: {  	_ =	task.clear_ibuf [dreg:s22], $0x6FFFF;
	_ =	strace $0x90000049  }
0xc2: {  	s29 =	simm.s32 $0x9;
	_ =	strace $0x8000004B  }
0xc3: {  	_ =	swait.ge [sflag:s29], $0x1  }
0xc4: {  	[sflag:s29] =	ssyncadd.s32 $0xFFFFFFFF  }
0xc5: {  	_ =	strace $0x9000004B  }
0xc6: {  	_ =	sfence  }
0xc7: {  	s30 =	sld [smem:$0x0];
	_ =	sdelay $0x2  }
0xc8: {  	s31 =	sshll.u32 s1, $0xD;
	s1 =	sshrl.u32 s1, $0x2  }
0xc9: {  	s4 =	sand.u32 $0x4000, s31;
	s1 =	sadd.s32 s1, s30  }
0xca: {  	s0 =	sor.u32 s4, s0;
	s1 =	sshll.u32 s1, $0x11  }
0xcb: {  	s0 =	sor.u32 s1, s0  }
0xcc: {  	s0 =	sadd.s32 $0x8F2B, s0  }
0xcd: {  	[sflag:s0] =	ssyncadd.remote.s32 $0x1  }
0xce: {  	_ =	sfence.sel $0xFFFF  }
0xcf: {  	[dreg:$0x0] =	wrdreg $0xFFFFFFFF;
	(pc) =	sbr.abs _section_cstart, $3  }
0xd0: {  	[dreg:$0x1] =	wrdreg $0xFFFFFFFF  }
0xd1: {  	_ =	task.clear_ibuf [dreg:s22], $0x2FFFF;
	_ =	strace $0x9FFFFFFF  }
0xd2: {  	(tm) =	ssettm $0x7FFFFFFF  }
0xd3: {  	_ =	shalt  }
tec
execute0_lowered:
.L_overlay_start_1:
0x0: {  	(tag) =	ssettag $0x1  }
0x1: {  	s0 =	rddreg [dreg:$0x0]  }
0x2: {  	s14 =	rddreg [dreg:$0x1]  }
0x3: {  	s2 =	rddreg [dreg:$0x2];
	s1 =	stileid.u32  }
0x4: {  	s3 =	simm.s32 $0x0;
	s4 =	srdreg.scid;
	s17 =	simm.s32 $0x14400  }
0x5: {  	s18 =	simm.s32 $0x1;
	s19 =	simm.s32 $0x14000;
	s20 =	simm.s32 $0x40  }
0x6: {  	s21 =	simm.s32 $0x14080;
	s22 =	simm.s32 $0x14100;
	s23 =	simm.s32 $0x14180  }
0x7: {  	s24 =	simm.s32 $0x14200;
	s26 =	simm.s32 $0x14300;
	s5 =	smul.u32 $0x50000, s1  }
0x8: {  	s28 =	simm.s32 $0x14380;
	s29 =	simm.s32 $0x0;
	s6 =	smul.u32 $0xA00, s1  }
0x9: {  	[smem:$0x7FF] =	sst s3;
	s25 =	sand.u32 $0x1, s4;
	s16 =	smul.u32 $0x2800, s1  }
0xa: {  	_ =	strace $0x8000004A;
	s7 =	ssub.s32 $0x2, s25;
	p0 =	sne.s32 s25, $0x0  }
0xb: {  	s25 =	simm.s32 $0x14280;
	s30 =	sshrl.u32 s5, $0x2;
	s0 =	sadd.s32 s6, s0  }
0xc: {  	s31 =	sshrl.u32 s7, $0x1;
	s14 =	sadd.s32 s14, s16;
	s4 =	sadd.s32 s30, s2  }
0xd: {  	s15 =	ssub.s32 s7, s31;
	s16 =	sadd.s32 $0x15600, s0;
	s5 =	sadd.s32 $0x2000, s4  }
0xe: {  	s6 =	sadd.s32 $0x4000, s4;
	s7 =	sadd.s32 $0x6000, s4;
	s8 =	sadd.s32 $0x8000, s4  }
0xf: {  	s9 =	sadd.s32 $0xA000, s4;
	s10 =	sadd.s32 $0xC000, s4;
	s11 =	sadd.s32 $0xE000, s4  }
0x10: {  	v0 =	vimm.f32 $0.0e+00;
	v1 =	vimm.f32 $1.000000000e+00;
	s12 =	sadd.s32 $0x10000, s4;
	s13 =	sadd.s32 $0x12000, s4;
	s15 =	smax.u32 s15, $0x1  }
.LBB2_1:
0x11: {  	s30 =	simm.s32 $0x0;
	s31 =	simm.s32 $0x200  }
.LBB2_2:
0x12: {  	p1 =	sne.s32 s31, $0x7E00;
	[tilespmem:s30+$0x14470] =	vst v0  }
0x13: {  	[tilespmem:s30+$0x14400] =	vst v0  }
0x14: {  	[tilespmem:s30+$0x14410] =	vst v0  }
.Ltmp0:
0x15: {  	[tilespmem:s30+$0x14420] =	vst v0;
	(pc) =	sbr.rel @p1 .LBB2_2-.Ltmp0, $4  }
0x16: {  	[tilespmem:s30+$0x14430] =	vst v0  }
0x17: {  	[tilespmem:s30+$0x14440] =	vst v0  }
0x18: {  	[tilespmem:s30+$0x14450] =	vst v0  }
0x19: {  	[tilespmem:s30+$0x14460] =	vst v0;
	s30 =	sshra.s32 s31, $0x2;
	s31 =	sadd.s32 $0x200, s31  }
0x1a: {  	[tilespmem:s30+$0x14470] =	vst v0  }
0x1b: {  	[tilespmem:s30+$0x14400] =	vst v0  }
0x1c: {  	[tilespmem:s30+$0x14410] =	vst v0  }
0x1d: {  	[tilespmem:s30+$0x14420] =	vst v0  }
0x1e: {  	[tilespmem:s30+$0x14430] =	vst v0  }
0x1f: {  	[tilespmem:s30+$0x14440] =	vst v0  }
0x20: {  	[tilespmem:s30+$0x14450] =	vst v0  }
0x21: {  	[tilespmem:s30+$0x14460] =	vst v0  }
0x22: {  	[spmem:s4] =	stream.linear.scatter [tilespmem:s17], [sflag:$0x1], $0x2000, $0x38;
	[tilespmem:$0x16400] =	vst v63  }
0x23: {  	_ =	swait.ge [sflag:s18], $0x2000  }
0x24: {  	[sflag:s18] =	ssyncset.done $0x0  }
0x25: {  	[sflag:s18] =	ssyncadd.s32 $0xFFFFE000  }
0x26: {  	[spmem:s5] =	stream.linear.scatter [tilespmem:s17], [sflag:$0x1], $0x2000, $0x38;
	[tilespmem:$0x16400] =	vst v63  }
0x27: {  	_ =	swait.ge [sflag:s18], $0x2000  }
0x28: {  	[sflag:s18] =	ssyncset.done $0x0  }
0x29: {  	[sflag:s18] =	ssyncadd.s32 $0xFFFFE000  }
0x2a: {  	[spmem:s6] =	stream.linear.scatter [tilespmem:s17], [sflag:$0x1], $0x2000, $0x38;
	[tilespmem:$0x16400] =	vst v63  }
0x2b: {  	_ =	swait.ge [sflag:s18], $0x2000  }
0x2c: {  	[sflag:s18] =	ssyncset.done $0x0  }
0x2d: {  	[sflag:s18] =	ssyncadd.s32 $0xFFFFE000  }
0x2e: {  	[spmem:s7] =	stream.linear.scatter [tilespmem:s17], [sflag:$0x1], $0x2000, $0x38;
	[tilespmem:$0x16400] =	vst v63  }
0x2f: {  	_ =	swait.ge [sflag:s18], $0x2000  }
0x30: {  	[sflag:s18] =	ssyncset.done $0x0  }
0x31: {  	[sflag:s18] =	ssyncadd.s32 $0xFFFFE000  }
0x32: {  	[spmem:s8] =	stream.linear.scatter [tilespmem:s17], [sflag:$0x1], $0x2000, $0x38;
	[tilespmem:$0x16400] =	vst v63  }
0x33: {  	_ =	swait.ge [sflag:s18], $0x2000  }
0x34: {  	[sflag:s18] =	ssyncset.done $0x0  }
0x35: {  	[sflag:s18] =	ssyncadd.s32 $0xFFFFE000  }
0x36: {  	[spmem:s9] =	stream.linear.scatter [tilespmem:s17], [sflag:$0x1], $0x2000, $0x38;
	[tilespmem:$0x16400] =	vst v63  }
0x37: {  	_ =	swait.ge [sflag:s18], $0x2000  }
0x38: {  	[sflag:s18] =	ssyncset.done $0x0  }
0x39: {  	[sflag:s18] =	ssyncadd.s32 $0xFFFFE000  }
0x3a: {  	[spmem:s10] =	stream.linear.scatter [tilespmem:s17], [sflag:$0x1], $0x2000, $0x38;
	[tilespmem:$0x16400] =	vst v63  }
0x3b: {  	_ =	swait.ge [sflag:s18], $0x2000  }
0x3c: {  	[sflag:s18] =	ssyncset.done $0x0  }
0x3d: {  	[sflag:s18] =	ssyncadd.s32 $0xFFFFE000  }
0x3e: {  	[spmem:s11] =	stream.linear.scatter [tilespmem:s17], [sflag:$0x1], $0x2000, $0x38;
	[tilespmem:$0x16400] =	vst v63  }
0x3f: {  	_ =	swait.ge [sflag:s18], $0x2000  }
0x40: {  	[sflag:s18] =	ssyncset.done $0x0  }
0x41: {  	[sflag:s18] =	ssyncadd.s32 $0xFFFFE000  }
0x42: {  	[spmem:s12] =	stream.linear.scatter [tilespmem:s17], [sflag:$0x1], $0x2000, $0x38;
	[tilespmem:$0x16400] =	vst v63  }
0x43: {  	_ =	swait.ge [sflag:s18], $0x2000  }
0x44: {  	[sflag:s18] =	ssyncset.done $0x0  }
0x45: {  	[sflag:s18] =	ssyncadd.s32 $0xFFFFE000  }
0x46: {  	[spmem:s13] =	stream.linear.scatter [tilespmem:s17], [sflag:$0x1], $0x2000, $0x38;
	[tilespmem:$0x16400] =	vst v63  }
0x47: {  	_ =	swait.ge [sflag:s18], $0x2000  }
0x48: {  	[sflag:s18] =	ssyncset.done $0x0  }
0x49: {  	s30 =	simm.s32 $0x0;
	s31 =	simm.s32 $0x200;
	[sflag:s18] =	ssyncadd.s32 $0xFFFFE000  }
.LBB2_4:
0x4a: {  	p1 =	sne.s32 s31, $0x7E00;
	[tilespmem:s30+$0x14470] =	vst v1  }
0x4b: {  	[tilespmem:s30+$0x14400] =	vst v1  }
0x4c: {  	[tilespmem:s30+$0x14410] =	vst v1  }
.Ltmp1:
0x4d: {  	[tilespmem:s30+$0x14420] =	vst v1;
	(pc) =	sbr.rel @p1 .LBB2_4-.Ltmp1, $4  }
0x4e: {  	[tilespmem:s30+$0x14430] =	vst v1  }
0x4f: {  	[tilespmem:s30+$0x14440] =	vst v1  }
0x50: {  	[tilespmem:s30+$0x14450] =	vst v1  }
0x51: {  	[tilespmem:s30+$0x14460] =	vst v1;
	s30 =	sshra.s32 s31, $0x2;
	s31 =	sadd.s32 $0x200, s31  }
0x52: {  	[tilespmem:s30+$0x14470] =	vst v1  }
0x53: {  	[tilespmem:s30+$0x14400] =	vst v1  }
0x54: {  	[tilespmem:s30+$0x14410] =	vst v1  }
0x55: {  	[tilespmem:s30+$0x14420] =	vst v1  }
0x56: {  	[tilespmem:s30+$0x14430] =	vst v1  }
0x57: {  	[tilespmem:s30+$0x14440] =	vst v1  }
0x58: {  	[tilespmem:s30+$0x14450] =	vst v1  }
0x59: {  	[tilespmem:s30+$0x14460] =	vst v1  }
0x5a: {  	s0 =	sadd.s32 $0x0, s16;
	[bflag:$0x0] =	sbarrier.arrive $0xFFFF  }
0x5b: {  	[tilespmem:s19], [sflag:$0x1] =	stream.linear.gather [hbm4b:s0+s3], $0x400, $0x38;
	[tilespmem:$0x16400] =	vst v63  }
0x5c: {  	_ =	swait.ge [sflag:s18], $0x400  }
0x5d: {  	[sflag:s18] =	ssyncset.done $0x0  }
0x5e: {  	[sflag:s18] =	ssyncadd.s32 $0xFFFFFC00  }
0x5f: {  	[spmem:s2] =	stream.indirect.scatter.add.f32 [tilespmem:s17], [sflag:$0x1], $0x80, s19, s20, $0xb8;
	[tilespmem:$0x16400] =	vst v63  }
0x60: {  	_ =	swait.ge [sflag:s18], $0x2000  }
0x61: {  	[sflag:s18] =	ssyncset.done $0x0  }
0x62: {  	[sflag:s18] =	ssyncadd.s32 $0xFFFFE000  }
0x63: {  	[spmem:s2] =	stream.indirect.scatter.add.f32 [tilespmem:s17], [sflag:$0x1], $0x80, s21, s20, $0xb8;
	[tilespmem:$0x16400] =	vst v63  }
0x64: {  	_ =	swait.ge [sflag:s18], $0x2000  }
0x65: {  	[sflag:s18] =	ssyncset.done $0x0  }
0x66: {  	[sflag:s18] =	ssyncadd.s32 $0xFFFFE000  }
0x67: {  	[spmem:s2] =	stream.indirect.scatter.add.f32 [tilespmem:s17], [sflag:$0x1], $0x80, s22, s20, $0xb8;
	[tilespmem:$0x16400] =	vst v63  }
0x68: {  	_ =	swait.ge [sflag:s18], $0x2000  }
0x69: {  	[sflag:s18] =	ssyncset.done $0x0  }
0x6a: {  	[sflag:s18] =	ssyncadd.s32 $0xFFFFE000  }
0x6b: {  	[spmem:s2] =	stream.indirect.scatter.add.f32 [tilespmem:s17], [sflag:$0x1], $0x80, s23, s20, $0xb8;
	[tilespmem:$0x16400] =	vst v63  }
0x6c: {  	_ =	swait.ge [sflag:s18], $0x2000  }
0x6d: {  	[sflag:s18] =	ssyncset.done $0x0  }
0x6e: {  	[sflag:s18] =	ssyncadd.s32 $0xFFFFE000  }
0x6f: {  	[spmem:s2] =	stream.indirect.scatter.add.f32 [tilespmem:s17], [sflag:$0x1], $0x80, s24, s20, $0xb8;
	[tilespmem:$0x16400] =	vst v63  }
0x70: {  	_ =	swait.ge [sflag:s18], $0x2000  }
0x71: {  	[sflag:s18] =	ssyncset.done $0x0  }
0x72: {  	[sflag:s18] =	ssyncadd.s32 $0xFFFFE000  }
0x73: {  	[spmem:s2] =	stream.indirect.scatter.add.f32 [tilespmem:s17], [sflag:$0x1], $0x80, s25, s20, $0xb8;
	[tilespmem:$0x16400] =	vst v63  }
0x74: {  	_ =	swait.ge [sflag:s18], $0x2000  }
0x75: {  	[sflag:s18] =	ssyncset.done $0x0  }
0x76: {  	[sflag:s18] =	ssyncadd.s32 $0xFFFFE000  }
0x77: {  	[spmem:s2] =	stream.indirect.scatter.add.f32 [tilespmem:s17], [sflag:$0x1], $0x80, s26, s20, $0xb8;
	[tilespmem:$0x16400] =	vst v63  }
0x78: {  	_ =	swait.ge [sflag:s18], $0x2000  }
0x79: {  	[sflag:s18] =	ssyncset.done $0x0  }
0x7a: {  	[sflag:s18] =	ssyncadd.s32 $0xFFFFE000  }
0x7b: {  	[spmem:s2] =	stream.indirect.scatter.add.f32 [tilespmem:s17], [sflag:$0x1], $0x80, s28, s20, $0xb8;
	[tilespmem:$0x16400] =	vst v63  }
0x7c: {  	_ =	swait.ge [sflag:s18], $0x2000  }
0x7d: {  	s30 =	simm.s32 $0x80;
	s31 =	simm.s32 $0x100;
	[sflag:s18] =	ssyncset.done $0x0  }
.LBB2_6:
0x7e: {  	s1 =	sadd.s32 s30, s16  }
0x7f: {  	[sflag:s18] =	ssyncadd.s32 $0xFFFFE000;
	s30 =	smov.u32 s31;
	s0 =	sadd.s32 $0x80, s31  }
0x80: {  	[tilespmem:s19], [sflag:$0x1] =	stream.linear.gather [hbm4b:s1+s3], $0x400, $0x38;
	[tilespmem:$0x16400] =	vst v63  }
0x81: {  	p1 =	sne.s32 s31, $0x980;
	_ =	swait.ge [sflag:s18], $0x400  }
0x82: {  	[sflag:s18] =	ssyncset.done $0x0  }
0x83: {  	[sflag:s18] =	ssyncadd.s32 $0xFFFFFC00  }
0x84: {  	[spmem:s2] =	stream.indirect.scatter.add.f32 [tilespmem:s17], [sflag:$0x1], $0x80, s19, s20, $0xb8;
	[tilespmem:$0x16400] =	vst v63  }
0x85: {  	_ =	swait.ge [sflag:s18], $0x2000  }
0x86: {  	[sflag:s18] =	ssyncset.done $0x0  }
0x87: {  	[sflag:s18] =	ssyncadd.s32 $0xFFFFE000  }
0x88: {  	[spmem:s2] =	stream.indirect.scatter.add.f32 [tilespmem:s17], [sflag:$0x1], $0x80, s21, s20, $0xb8;
	[tilespmem:$0x16400] =	vst v63  }
0x89: {  	_ =	swait.ge [sflag:s18], $0x2000  }
0x8a: {  	[sflag:s18] =	ssyncset.done $0x0  }
0x8b: {  	[sflag:s18] =	ssyncadd.s32 $0xFFFFE000  }
0x8c: {  	[spmem:s2] =	stream.indirect.scatter.add.f32 [tilespmem:s17], [sflag:$0x1], $0x80, s22, s20, $0xb8;
	[tilespmem:$0x16400] =	vst v63  }
0x8d: {  	_ =	swait.ge [sflag:s18], $0x2000  }
0x8e: {  	[sflag:s18] =	ssyncset.done $0x0  }
0x8f: {  	[sflag:s18] =	ssyncadd.s32 $0xFFFFE000  }
0x90: {  	[spmem:s2] =	stream.indirect.scatter.add.f32 [tilespmem:s17], [sflag:$0x1], $0x80, s23, s20, $0xb8;
	[tilespmem:$0x16400] =	vst v63  }
0x91: {  	_ =	swait.ge [sflag:s18], $0x2000  }
0x92: {  	[sflag:s18] =	ssyncset.done $0x0  }
0x93: {  	[sflag:s18] =	ssyncadd.s32 $0xFFFFE000  }
0x94: {  	[spmem:s2] =	stream.indirect.scatter.add.f32 [tilespmem:s17], [sflag:$0x1], $0x80, s24, s20, $0xb8;
	[tilespmem:$0x16400] =	vst v63  }
0x95: {  	_ =	swait.ge [sflag:s18], $0x2000  }
0x96: {  	[sflag:s18] =	ssyncset.done $0x0  }
0x97: {  	[sflag:s18] =	ssyncadd.s32 $0xFFFFE000  }
0x98: {  	[spmem:s2] =	stream.indirect.scatter.add.f32 [tilespmem:s17], [sflag:$0x1], $0x80, s25, s20, $0xb8;
	[tilespmem:$0x16400] =	vst v63  }
0x99: {  	_ =	swait.ge [sflag:s18], $0x2000  }
0x9a: {  	[sflag:s18] =	ssyncset.done $0x0  }
0x9b: {  	[sflag:s18] =	ssyncadd.s32 $0xFFFFE000  }
0x9c: {  	[spmem:s2] =	stream.indirect.scatter.add.f32 [tilespmem:s17], [sflag:$0x1], $0x80, s26, s20, $0xb8;
	[tilespmem:$0x16400] =	vst v63  }
0x9d: {  	_ =	swait.ge [sflag:s18], $0x2000  }
.Ltmp2:
0x9e: {  	[sflag:s18] =	ssyncset.done $0x0;
	(pc) =	sbr.rel @p1 .LBB2_6-.Ltmp2, $4  }
0x9f: {  	[sflag:s18] =	ssyncadd.s32 $0xFFFFE000  }
0xa0: {  	[spmem:s2] =	stream.indirect.scatter.add.f32 [tilespmem:s17], [sflag:$0x1], $0x80, s28, s20, $0xb8;
	[tilespmem:$0x16400] =	vst v63  }
0xa1: {  	_ =	swait.ge [sflag:s18], $0x2000  }
0xa2: {  	s31 =	smov.u32 s0;
	[sflag:s18] =	ssyncset.done $0x0  }
0xa3: {  	s0 =	sadd.s32 s30, s16;
	[sflag:s18] =	ssyncadd.s32 $0xFFFFE000  }
0xa4: {  	[tilespmem:s19], [sflag:$0x1] =	stream.linear.gather [hbm4b:s0+s3], $0x400, $0x38;
	[tilespmem:$0x16400] =	vst v63  }
0xa5: {  	_ =	swait.ge [sflag:s18], $0x400  }
0xa6: {  	[sflag:s18] =	ssyncset.done $0x0  }
0xa7: {  	[sflag:s18] =	ssyncadd.s32 $0xFFFFFC00  }
0xa8: {  	[spmem:s2] =	stream.indirect.scatter.add.f32 [tilespmem:s17], [sflag:$0x1], $0x80, s19, s20, $0xb8;
	[tilespmem:$0x16400] =	vst v63  }
0xa9: {  	_ =	swait.ge [sflag:s18], $0x2000  }
0xaa: {  	[sflag:s18] =	ssyncset.done $0x0  }
0xab: {  	[sflag:s18] =	ssyncadd.s32 $0xFFFFE000  }
0xac: {  	[spmem:s2] =	stream.indirect.scatter.add.f32 [tilespmem:s17], [sflag:$0x1], $0x80, s21, s20, $0xb8;
	[tilespmem:$0x16400] =	vst v63  }
0xad: {  	_ =	swait.ge [sflag:s18], $0x2000  }
0xae: {  	[sflag:s18] =	ssyncset.done $0x0  }
0xaf: {  	[sflag:s18] =	ssyncadd.s32 $0xFFFFE000  }
0xb0: {  	[spmem:s2] =	stream.indirect.scatter.add.f32 [tilespmem:s17], [sflag:$0x1], $0x80, s22, s20, $0xb8;
	[tilespmem:$0x16400] =	vst v63  }
0xb1: {  	_ =	swait.ge [sflag:s18], $0x2000  }
0xb2: {  	[sflag:s18] =	ssyncset.done $0x0  }
0xb3: {  	[sflag:s18] =	ssyncadd.s32 $0xFFFFE000  }
0xb4: {  	[spmem:s2] =	stream.indirect.scatter.add.f32 [tilespmem:s17], [sflag:$0x1], $0x80, s23, s20, $0xb8;
	[tilespmem:$0x16400] =	vst v63  }
0xb5: {  	_ =	swait.ge [sflag:s18], $0x2000  }
0xb6: {  	[sflag:s18] =	ssyncset.done $0x0  }
0xb7: {  	[sflag:s18] =	ssyncadd.s32 $0xFFFFE000  }
0xb8: {  	[spmem:s2] =	stream.indirect.scatter.add.f32 [tilespmem:s17], [sflag:$0x1], $0x80, s24, s20, $0xb8;
	[tilespmem:$0x16400] =	vst v63  }
0xb9: {  	_ =	swait.ge [sflag:s18], $0x2000  }
0xba: {  	[sflag:s18] =	ssyncset.done $0x0  }
0xbb: {  	[sflag:s18] =	ssyncadd.s32 $0xFFFFE000  }
0xbc: {  	[spmem:s2] =	stream.indirect.scatter.add.f32 [tilespmem:s17], [sflag:$0x1], $0x80, s25, s20, $0xb8;
	[tilespmem:$0x16400] =	vst v63  }
0xbd: {  	_ =	swait.ge [sflag:s18], $0x2000  }
0xbe: {  	[sflag:s18] =	ssyncset.done $0x0  }
0xbf: {  	[sflag:s18] =	ssyncadd.s32 $0xFFFFE000  }
0xc0: {  	[spmem:s2] =	stream.indirect.scatter.add.f32 [tilespmem:s17], [sflag:$0x1], $0x80, s26, s20, $0xb8;
	[tilespmem:$0x16400] =	vst v63  }
0xc1: {  	_ =	swait.ge [sflag:s18], $0x2000  }
0xc2: {  	[sflag:s18] =	ssyncset.done $0x0  }
0xc3: {  	[sflag:s18] =	ssyncadd.s32 $0xFFFFE000  }
0xc4: {  	[spmem:s2] =	stream.indirect.scatter.add.f32 [tilespmem:s17], [sflag:$0x1], $0x80, s28, s20, $0xb8;
	[tilespmem:$0x16400] =	vst v63  }
0xc5: {  	_ =	swait.ge [sflag:s18], $0x2000  }
0xc6: {  	s1 =	sshrl.u32 @!p0 s4, $0x3;
	s0 =	stileid.u32;
	[sflag:s18] =	ssyncset.done $0x0  }
0xc7: {  	s29 =	sadd.s32 $0x1, s29;
	s0 =	sshll.u32 @!p0 s0, $0x6;
	[sflag:s18] =	ssyncadd.s32 $0xFFFFE000  }
0xc8: {  	p1 =	sne.s32 s29, s15;
	s0 =	sor.u32 @!p0 $0x1C01, s0;
	[bflag:$0x0] =	sbarrier.arrive $0xFFFF  }
0xc9: {  	[hbm:s14], [sflag:s0] =	dma.local @!p0 [spmem:s1], $0x2800  }
.Ltmp3:
0xca: {  	_ = 	snop;
	(pc) =	sbr.rel @p1 .LBB2_1-.Ltmp3, $4  }
0xcb: {  	s0 =	simm.s32 @!p0 $0x1  }
0xcc: {  	_ =	swait.ge @!p0 [sflag:s0], $0x2800  }
0xcd: {  	[sflag:s0] =	ssyncset.done @!p0 $0x0  }
0xce: {  	[sflag:s0] =	ssyncadd.s32 @!p0 $0xFFFFD800  }
0xcf: {  	_ =	sfence.sel $0x180000  }
0xd0: {  	[bflag:$0x0] =	sbarrier.arrive $0xFFFF  }
0xd1: {  	_ =	strace $0x9000004A  }
0xd2: {  	s0 =	stileid.u32;
	[bflag:$0x2] =	sbarrier.arrive $0xFFFF  }
0xd3: {  	p0 =	sne.s32 s0, $0x0;
	s0 =	rddreg [dreg:$0x3]  }
0xd4: {  	s0 =	sadd.s32 @!p0 $0x100000, s0  }
0xd5: {  	[sflag:s0] =	ssyncadd.tile.s32 @!p0 $0x1;
	_ =	shalt  }
.Lfunc_end2:
_tile_overlayer_lowered:
.L_overlay_start_2:
0xd6: {  	(tag) =	ssettag $0x2  }
0xd7: {  	s0 =	rddreg [dreg:$0x0];
	s2 =	stileid.u32  }
0xd8: {  	s1 =	rddreg [dreg:$0x1];
	p0 =	sne.s32 s2, $0x0  }
0xd9: {  	s3 =	rddreg [dreg:$0x2];
	[bflag:$0x3] =	sbarrier.arrive $0xFFFF;
	s2 =	simm.s32 @!p0 $0x1C01  }
0xda: {  	[timem:s3], [sflag:s2] =	dma.local @!p0 [hbm:s0], s1  }
0xdb: {  	s0 =	simm.s32 @!p0 $0x1  }
0xdc: {  	_ =	swait.ge @!p0 [sflag:s0], s1  }
0xdd: {  	s1 =	ssub.s32 @!p0 $0x0, s1;
	[sflag:s0] =	ssyncset.done @!p0 $0x0  }
0xde: {  	[sflag:s0] =	ssyncadd.s32 @!p0 s1  }
0xdf: {  	[bflag:$0x3] =	sbarrier.arrive $0xFFFF  }
0xe0: {  	_ =	shalt  }

</sc_bundles>
